<compile_context>
chip_gen: v7x
topology: tpu7x:2x2x1
jax: 0.10.2.dev20260603
libtpu: 0.0.44.dev20260713+nightly
codegen_flags: <defaults>
</compile_context>

<pallas_src>
import math

import jax
import jax.numpy as jnp
from jax import lax
from jax.experimental import pallas as pl
from jax.experimental.pallas import tpu as pltpu
from jax.experimental.pallas import tpu_sc as plsc

D_EMB = 64
NUM_WORKERS = 32
GROUP = 128
NB = 4
SCALE = math.sqrt(D_EMB)


def _make_sc_kernel(n_idx):
    per_w = n_idx // NUM_WORKERS
    n_groups = per_w // GROUP
    n_outer = n_groups // NB

    mesh = plsc.VectorSubcoreMesh(core_axis_name="c", subcore_axis_name="s")

    def body(x_hbm, lut_hbm, out_hbm, idx_v, in_bufs, out_bufs, sem_in, sem_out):
        nc = lax.axis_size("c")
        wid = lax.axis_index("s") * nc + lax.axis_index("c")
        base = wid * per_w

        pltpu.sync_copy(x_hbm.at[pl.ds(base, per_w)], idx_v)

        def gather_desc(g, b):
            return pltpu.make_async_copy(
                lut_hbm.at[idx_v.at[pl.ds(g * GROUP, GROUP)]],
                in_bufs[b],
                sem_in[b],
            )

        def out_desc(g, b):
            return pltpu.make_async_copy(
                out_bufs[b],
                out_hbm.at[pl.ds(base + g * GROUP, GROUP)],
                sem_out[b],
            )

        for b in range(NB):
            gather_desc(b, b).start()

        def scale_group(b):
            in_ref = in_bufs[b]
            out_ref = out_bufs[b]

            @plsc.parallel_loop(0, GROUP // 4, unroll=4)
            def row_body(r):
                for rr in range(4):
                    row = r * 4 + rr
                    for j in range(D_EMB // 16):
                        out_ref[row, pl.ds(j * 16, 16)] = (
                            in_ref[row, pl.ds(j * 16, 16)] * SCALE
                        )

        def outer_body(o, carry):
            for b in range(NB):
                g = o * NB + b
                gather_desc(g, b).wait()

                @pl.when(o > 0)
                def _wait_prev_out():
                    out_desc(g, b).wait()

                scale_group(b)
                out_desc(g, b).start()

                @pl.when(o + 1 < n_outer)
                def _next_gather():
                    gather_desc(g + NB, b).start()
            return carry

        lax.fori_loop(0, n_outer, outer_body, None)

        for b in range(NB):
            out_desc((n_outer - 1) * NB + b, b).wait()

    grid_kernel = pl.kernel(
        body,
        out_type=jax.ShapeDtypeStruct((n_idx, D_EMB), jnp.float32),
        mesh=mesh,
        scratch_types=[
            pltpu.VMEM((per_w,), jnp.int32),
            [pltpu.VMEM((GROUP, D_EMB), jnp.float32) for _ in range(NB)],
            [pltpu.VMEM((GROUP, D_EMB), jnp.float32) for _ in range(NB)],
            [pltpu.SemaphoreType.DMA for _ in range(NB)],
            [pltpu.SemaphoreType.DMA for _ in range(NB)],
        ],
        compiler_params=pltpu.CompilerParams(use_tc_tiling_on_sc=False),
    )
    return grid_kernel


@jax.jit
def kernel(x, lut):
    b, l = x.shape
    flat_idx = x.reshape(b * l).astype(jnp.int32)
    out = _make_sc_kernel(b * l)(flat_idx, lut)
    return out.reshape(b, l, D_EMB)

# --- scband reference (transcript-rebuilt; emitter-appended) ---
"""Pipeline reference for scband-norm-embeddings-90950227460860 (READ-ONLY COPY).

The authoritative reference and input builder live on the scoring server;
editing this copy changes nothing except your own understanding.
"""

import math
import jax, jax.numpy as jnp
import numpy as np

VOCAB = 1000000
D_MODEL = 64
B = 4096
L = 200

def setup_inputs(seed: int = 0) -> dict:
    key = jax.random.key(seed)
    k1, k2 = jax.random.split(key)
    x = jax.random.randint(k1, (B, L), 0, VOCAB, dtype=jnp.int64 if jax.config.jax_enable_x64 else jnp.int32)
    # learned embedding table per init_kwargs (vocab=1000000, d_model=64)
    lut = jax.random.normal(k2, (VOCAB, D_MODEL), dtype=jnp.float32)
    return {"x": x, "lut": lut}

def reference(x, lut):
    # NormEmbeddings.forward: self.lut(x) * math.sqrt(self.d_model)
    emb = jnp.take(lut, x, axis=0)
    return emb * math.sqrt(D_MODEL)

if __name__ == "__main__":
    import jax
    _d = setup_inputs()
    print(jax.jit(kernel)(*tuple(_d.values())))

</pallas_src>

<mosaic_0001>
#map = affine_map<(d0, d1) -> (0)>
#map1 = affine_map<(d0, d1) -> (0, 0)>
module attributes {stable_mosaic.version = 14 : i64} {
  func.func @body(%arg0: i32, %arg1: i32, %arg2: memref<819200xi32, #tpu.memory_space<hbm>>, %arg3: memref<1000000x64xf32, #tpu.memory_space<hbm>>, %arg4: memref<819200x64xf32, #tpu.memory_space<hbm>>, %arg5: memref<25600xi32, #tpu.memory_space<vmem>>, %arg6: memref<128x64xf32, #tpu.memory_space<vmem>>, %arg7: memref<128x64xf32, #tpu.memory_space<vmem>>, %arg8: memref<128x64xf32, #tpu.memory_space<vmem>>, %arg9: memref<128x64xf32, #tpu.memory_space<vmem>>, %arg10: memref<128x64xf32, #tpu.memory_space<vmem>>, %arg11: memref<128x64xf32, #tpu.memory_space<vmem>>, %arg12: memref<128x64xf32, #tpu.memory_space<vmem>>, %arg13: memref<128x64xf32, #tpu.memory_space<vmem>>, %arg14: memref<!tpu.dma_semaphore, #tpu.memory_space<semaphore_mem>>, %arg15: memref<!tpu.dma_semaphore, #tpu.memory_space<semaphore_mem>>, %arg16: memref<!tpu.dma_semaphore, #tpu.memory_space<semaphore_mem>>, %arg17: memref<!tpu.dma_semaphore, #tpu.memory_space<semaphore_mem>>, %arg18: memref<!tpu.dma_semaphore, #tpu.memory_space<semaphore_mem>>, %arg19: memref<!tpu.dma_semaphore, #tpu.memory_space<semaphore_mem>>, %arg20: memref<!tpu.dma_semaphore, #tpu.memory_space<semaphore_mem>>, %arg21: memref<!tpu.dma_semaphore, #tpu.memory_space<semaphore_mem>>) attributes {dimension_semantics = [#tpu.dimension_semantics<core_parallel>, #tpu.dimension_semantics<subcore_parallel>], iteration_bounds = array<i64: 2, 16>, scalar_prefetch = 0 : i64, scratch_operands = 17 : i64, tpu.core_type = #tpu.core_type<sc_vector_subcore>, window_params = [{transform_indices = #map}, {transform_indices = #map1}, {transform_indices = #map1}]} {
    %mul3A = arith.constant 2 : i32
    %mul3A_0 = arith.muli %arg1, %mul3A : i32
    %add3A = arith.addi %mul3A_0, %arg0 : i32
    %mul3A_1 = arith.constant 25600 : i32
    %mul3A_2 = arith.muli %add3A, %mul3A_1 : i32
    "tpu.region"() ({
      %run_scoped3A = tpu.sem_alloc : memref<!tpu.dma_semaphore, #tpu.memory_space<semaphore_mem>>
      %dma_start3A_49 = tpu.memref_slice %arg2[%mul3A_2] : memref<819200xi32, #tpu.memory_space<hbm>> -> memref<25600xi32, #tpu.memory_space<hbm>>
      %dma_start3A_50 = tpu.memref_slice %arg2[%mul3A_2] : memref<819200xi32, #tpu.memory_space<hbm>> -> memref<25600xi32, #tpu.memory_space<hbm>>
      tpu.enqueue_dma source(%dma_start3A_50 : memref<25600xi32, #tpu.memory_space<hbm>>) target(%arg5 : memref<25600xi32, #tpu.memory_space<vmem>>) target_semaphore(%run_scoped3A : memref<!tpu.dma_semaphore, #tpu.memory_space<semaphore_mem>>)
      %dma_wait3A_51 = tpu.memref_slice %arg2[%mul3A_2] : memref<819200xi32, #tpu.memory_space<hbm>> -> memref<25600xi32, #tpu.memory_space<hbm>>
      %dma_wait3A_52 = tpu.memref_slice %arg2[%mul3A_2] : memref<819200xi32, #tpu.memory_space<hbm>> -> memref<25600xi32, #tpu.memory_space<hbm>>
      tpu.wait_dma2 semaphore(%run_scoped3A : memref<!tpu.dma_semaphore, #tpu.memory_space<semaphore_mem>>) src(%dma_wait3A_52 : memref<25600xi32, #tpu.memory_space<hbm>>) dst(%arg5 : memref<25600xi32, #tpu.memory_space<vmem>>)
      tpu.yield
    }) : () -> ()
    %dma_start3A = arith.constant 0 : i32
    %dma_start3A_3 = tpu.memref_slice %arg5[%dma_start3A] : memref<25600xi32, #tpu.memory_space<vmem>> -> memref<128xi32, #tpu.memory_space<vmem>>
    %dma_start3A_4 = arith.constant 0 : i32
    %dma_start3A_5 = arith.constant 0 : i32
    %dma_start3A_6 = tpu.memref_slice %arg3[%dma_start3A_4, %dma_start3A_5] : memref<1000000x64xf32, #tpu.memory_space<hbm>> -> memref<1000000x64xf32, #tpu.memory_space<hbm>>
    tpu.enqueue_indirect_dma source(%dma_start3A_6 : memref<1000000x64xf32, #tpu.memory_space<hbm>>) target(%arg6 : memref<128x64xf32, #tpu.memory_space<vmem>>) offsets(%dma_start3A_3 : memref<128xi32, #tpu.memory_space<vmem>>) semaphore(%arg14 : memref<!tpu.dma_semaphore, #tpu.memory_space<semaphore_mem>>)
    %dma_start3A_7 = arith.constant 128 : i32
    %dma_start3A_8 = tpu.memref_slice %arg5[%dma_start3A_7] : memref<25600xi32, #tpu.memory_space<vmem>> -> memref<128xi32, #tpu.memory_space<vmem>>
    %dma_start3A_9 = arith.constant 0 : i32
    %dma_start3A_10 = arith.constant 0 : i32
    %dma_start3A_11 = tpu.memref_slice %arg3[%dma_start3A_9, %dma_start3A_10] : memref<1000000x64xf32, #tpu.memory_space<hbm>> -> memref<1000000x64xf32, #tpu.memory_space<hbm>>
    tpu.enqueue_indirect_dma source(%dma_start3A_11 : memref<1000000x64xf32, #tpu.memory_space<hbm>>) target(%arg7 : memref<128x64xf32, #tpu.memory_space<vmem>>) offsets(%dma_start3A_8 : memref<128xi32, #tpu.memory_space<vmem>>) semaphore(%arg15 : memref<!tpu.dma_semaphore, #tpu.memory_space<semaphore_mem>>)
    %dma_start3A_12 = arith.constant 256 : i32
    %dma_start3A_13 = tpu.memref_slice %arg5[%dma_start3A_12] : memref<25600xi32, #tpu.memory_space<vmem>> -> memref<128xi32, #tpu.memory_space<vmem>>
    %dma_start3A_14 = arith.constant 0 : i32
    %dma_start3A_15 = arith.constant 0 : i32
    %dma_start3A_16 = tpu.memref_slice %arg3[%dma_start3A_14, %dma_start3A_15] : memref<1000000x64xf32, #tpu.memory_space<hbm>> -> memref<1000000x64xf32, #tpu.memory_space<hbm>>
    tpu.enqueue_indirect_dma source(%dma_start3A_16 : memref<1000000x64xf32, #tpu.memory_space<hbm>>) target(%arg8 : memref<128x64xf32, #tpu.memory_space<vmem>>) offsets(%dma_start3A_13 : memref<128xi32, #tpu.memory_space<vmem>>) semaphore(%arg16 : memref<!tpu.dma_semaphore, #tpu.memory_space<semaphore_mem>>)
    %dma_start3A_17 = arith.constant 384 : i32
    %dma_start3A_18 = tpu.memref_slice %arg5[%dma_start3A_17] : memref<25600xi32, #tpu.memory_space<vmem>> -> memref<128xi32, #tpu.memory_space<vmem>>
    %dma_start3A_19 = arith.constant 0 : i32
    %dma_start3A_20 = arith.constant 0 : i32
    %dma_start3A_21 = tpu.memref_slice %arg3[%dma_start3A_19, %dma_start3A_20] : memref<1000000x64xf32, #tpu.memory_space<hbm>> -> memref<1000000x64xf32, #tpu.memory_space<hbm>>
    tpu.enqueue_indirect_dma source(%dma_start3A_21 : memref<1000000x64xf32, #tpu.memory_space<hbm>>) target(%arg9 : memref<128x64xf32, #tpu.memory_space<vmem>>) offsets(%dma_start3A_18 : memref<128xi32, #tpu.memory_space<vmem>>) semaphore(%arg17 : memref<!tpu.dma_semaphore, #tpu.memory_space<semaphore_mem>>)
    %scan3A = arith.constant 0 : i32
    %scan3A_22 = arith.constant 50 : i32
    %scan3A_23 = arith.addi %scan3A, %scan3A_22 : i32
    %scan3A_24 = arith.constant 1 : i32
    scf.for %scan3A_49 = %scan3A to %scan3A_23 step %scan3A_24  : i32 {
      %mul3A_50 = arith.constant 4 : i32
      %mul3A_51 = arith.muli %scan3A_49, %mul3A_50 : i32
      %add3A_52 = arith.constant 0 : i32
      %add3A_53 = arith.addi %mul3A_51, %add3A_52 : i32
      %mul3A_54 = arith.constant 128 : i32
      %mul3A_55 = arith.muli %add3A_53, %mul3A_54 : i32
      %dma_wait3A_56 = tpu.memref_slice %arg5[%mul3A_55] : memref<25600xi32, #tpu.memory_space<vmem>> -> memref<128xi32, #tpu.memory_space<vmem>>
      %dma_wait3A_57 = arith.constant 0 : i32
      %dma_wait3A_58 = arith.constant 0 : i32
      %dma_wait3A_59 = tpu.memref_slice %arg3[%dma_wait3A_57, %dma_wait3A_58] : memref<1000000x64xf32, #tpu.memory_space<hbm>> -> memref<1000000x64xf32, #tpu.memory_space<hbm>>
      tpu.wait_indirect_dma semaphore(%arg14 : memref<!tpu.dma_semaphore, #tpu.memory_space<semaphore_mem>>) src(%dma_wait3A_59 : memref<1000000x64xf32, #tpu.memory_space<hbm>>) dst(%arg6 : memref<128x64xf32, #tpu.memory_space<vmem>>)
      %gt3A = arith.constant 0 : i32
      %gt3A_60 = arith.cmpi sgt, %scan3A_49, %gt3A : i32
      %convert_element_type3A = arith.extui %gt3A_60 : i1 to i32
      %cond3A = arith.constant 0 : i32
      %cond3A_61 = arith.cmpi ne, %convert_element_type3A, %cond3A : i32
      scf.if %cond3A_61 {
        %mul3A_173 = arith.constant 128 : i32
        %mul3A_174 = arith.muli %add3A_53, %mul3A_173 : i32
        %add3A_175 = arith.addi %mul3A_2, %mul3A_174 : i32
        %dma_wait3A_176 = arith.constant 0 : i32
        %dma_wait3A_177 = tpu.memref_slice %arg4[%add3A_175, %dma_wait3A_176] : memref<819200x64xf32, #tpu.memory_space<hbm>> -> memref<128x64xf32, #tpu.memory_space<hbm>>
        %dma_wait3A_178 = arith.constant 0 : i32
        %dma_wait3A_179 = tpu.memref_slice %arg4[%add3A_175, %dma_wait3A_178] : memref<819200x64xf32, #tpu.memory_space<hbm>> -> memref<128x64xf32, #tpu.memory_space<hbm>>
        tpu.wait_dma2 semaphore(%arg18 : memref<!tpu.dma_semaphore, #tpu.memory_space<semaphore_mem>>) src(%arg10 : memref<128x64xf32, #tpu.memory_space<vmem>>) dst(%dma_wait3A_179 : memref<128x64xf32, #tpu.memory_space<hbm>>)
      } else {
      }
      %parallel_loop3A = arith.constant 0 : i32
      %parallel_loop3A_62 = arith.constant 32 : i32
      %parallel_loop3A_63 = arith.constant 1 : i32
      scf.for %parallel_loop3A_173 = %parallel_loop3A to %parallel_loop3A_62 step %parallel_loop3A_63  : i32 {
        %parallel_loop3A_174 = arith.constant 4 : i32
        %parallel_loop3A_175 = arith.muli %parallel_loop3A_173, %parallel_loop3A_174 : i32
        %parallel_loop3A_176 = arith.constant 0 : i32
        %parallel_loop3A_177 = arith.addi %parallel_loop3A_175, %parallel_loop3A_176 : i32
        %parallel_loop3A_178 = arith.index_cast %parallel_loop3A_177 : i32 to index
        %parallel_loop3A_179 = arith.constant 0 : index
        %parallel_loop3A_180 = tpu.vector_load %arg6[%parallel_loop3A_178, %parallel_loop3A_179] {strides = array<i32>} : memref<128x64xf32, #tpu.memory_space<vmem>>, vector<1x16xf32>,
        %parallel_loop3A_181 = vector.shape_cast %parallel_loop3A_180 : vector<1x16xf32> to vector<16xf32>
        %parallel_loop3A_182 = arith.constant 8.000000e+00 : f32
        %parallel_loop3A_183 = vector.broadcast %parallel_loop3A_182 : f32 to vector<16xf32>
        %parallel_loop3A_184 = arith.mulf %parallel_loop3A_181, %parallel_loop3A_183 : vector<16xf32>
        %parallel_loop3A_185 = arith.index_cast %parallel_loop3A_177 : i32 to index
        %parallel_loop3A_186 = arith.constant 0 : index
        %parallel_loop3A_187 = tpu.vector_load %arg10[%parallel_loop3A_185, %parallel_loop3A_186] {strides = array<i32>} : memref<128x64xf32, #tpu.memory_space<vmem>>, vector<1x16xf32>,
        %parallel_loop3A_188 = vector.shape_cast %parallel_loop3A_187 : vector<1x16xf32> to vector<16xf32>
        %parallel_loop3A_189 = vector.shape_cast %parallel_loop3A_184 : vector<16xf32> to vector<1x16xf32>
        tpu.vector_store %arg10[%parallel_loop3A_185, %parallel_loop3A_186], %parallel_loop3A_189 {strides = array<i32>} : memref<128x64xf32, #tpu.memory_space<vmem>>, vector<1x16xf32>,
        %parallel_loop3A_190 = arith.index_cast %parallel_loop3A_177 : i32 to index
        %parallel_loop3A_191 = arith.constant 16 : index
        %parallel_loop3A_192 = tpu.vector_load %arg6[%parallel_loop3A_190, %parallel_loop3A_191] {strides = array<i32>} : memref<128x64xf32, #tpu.memory_space<vmem>>, vector<1x16xf32>,
        %parallel_loop3A_193 = vector.shape_cast %parallel_loop3A_192 : vector<1x16xf32> to vector<16xf32>
        %parallel_loop3A_194 = arith.constant 8.000000e+00 : f32
        %parallel_loop3A_195 = vector.broadcast %parallel_loop3A_194 : f32 to vector<16xf32>
        %parallel_loop3A_196 = arith.mulf %parallel_loop3A_193, %parallel_loop3A_195 : vector<16xf32>
        %parallel_loop3A_197 = arith.index_cast %parallel_loop3A_177 : i32 to index
        %parallel_loop3A_198 = arith.constant 16 : index
        %parallel_loop3A_199 = tpu.vector_load %arg10[%parallel_loop3A_197, %parallel_loop3A_198] {strides = array<i32>} : memref<128x64xf32, #tpu.memory_space<vmem>>, vector<1x16xf32>,
        %parallel_loop3A_200 = vector.shape_cast %parallel_loop3A_199 : vector<1x16xf32> to vector<16xf32>
        %parallel_loop3A_201 = vector.shape_cast %parallel_loop3A_196 : vector<16xf32> to vector<1x16xf32>
        tpu.vector_store %arg10[%parallel_loop3A_197, %parallel_loop3A_198], %parallel_loop3A_201 {strides = array<i32>} : memref<128x64xf32, #tpu.memory_space<vmem>>, vector<1x16xf32>,
        %parallel_loop3A_202 = arith.index_cast %parallel_loop3A_177 : i32 to index
        %parallel_loop3A_203 = arith.constant 32 : index
        %parallel_loop3A_204 = tpu.vector_load %arg6[%parallel_loop3A_202, %parallel_loop3A_203] {strides = array<i32>} : memref<128x64xf32, #tpu.memory_space<vmem>>, vector<1x16xf32>,
        %parallel_loop3A_205 = vector.shape_cast %parallel_loop3A_204 : vector<1x16xf32> to vector<16xf32>
        %parallel_loop3A_206 = arith.constant 8.000000e+00 : f32
        %parallel_loop3A_207 = vector.broadcast %parallel_loop3A_206 : f32 to vector<16xf32>
        %parallel_loop3A_208 = arith.mulf %parallel_loop3A_205, %parallel_loop3A_207 : vector<16xf32>
        %parallel_loop3A_209 = arith.index_cast %parallel_loop3A_177 : i32 to index
        %parallel_loop3A_210 = arith.constant 32 : index
        %parallel_loop3A_211 = tpu.vector_load %arg10[%parallel_loop3A_209, %parallel_loop3A_210] {strides = array<i32>} : memref<128x64xf32, #tpu.memory_space<vmem>>, vector<1x16xf32>,
        %parallel_loop3A_212 = vector.shape_cast %parallel_loop3A_211 : vector<1x16xf32> to vector<16xf32>
        %parallel_loop3A_213 = vector.shape_cast %parallel_loop3A_208 : vector<16xf32> to vector<1x16xf32>
        tpu.vector_store %arg10[%parallel_loop3A_209, %parallel_loop3A_210], %parallel_loop3A_213 {strides = array<i32>} : memref<128x64xf32, #tpu.memory_space<vmem>>, vector<1x16xf32>,
        %parallel_loop3A_214 = arith.index_cast %parallel_loop3A_177 : i32 to index
        %parallel_loop3A_215 = arith.constant 48 : index
        %parallel_loop3A_216 = tpu.vector_load %arg6[%parallel_loop3A_214, %parallel_loop3A_215] {strides = array<i32>} : memref<128x64xf32, #tpu.memory_space<vmem>>, vector<1x16xf32>,
        %parallel_loop3A_217 = vector.shape_cast %parallel_loop3A_216 : vector<1x16xf32> to vector<16xf32>
        %parallel_loop3A_218 = arith.constant 8.000000e+00 : f32
        %parallel_loop3A_219 = vector.broadcast %parallel_loop3A_218 : f32 to vector<16xf32>
        %parallel_loop3A_220 = arith.mulf %parallel_loop3A_217, %parallel_loop3A_219 : vector<16xf32>
        %parallel_loop3A_221 = arith.index_cast %parallel_loop3A_177 : i32 to index
        %parallel_loop3A_222 = arith.constant 48 : index
        %parallel_loop3A_223 = tpu.vector_load %arg10[%parallel_loop3A_221, %parallel_loop3A_222] {strides = array<i32>} : memref<128x64xf32, #tpu.memory_space<vmem>>, vector<1x16xf32>,
        %parallel_loop3A_224 = vector.shape_cast %parallel_loop3A_223 : vector<1x16xf32> to vector<16xf32>
        %parallel_loop3A_225 = vector.shape_cast %parallel_loop3A_220 : vector<16xf32> to vector<1x16xf32>
        tpu.vector_store %arg10[%parallel_loop3A_221, %parallel_loop3A_222], %parallel_loop3A_225 {strides = array<i32>} : memref<128x64xf32, #tpu.memory_space<vmem>>, vector<1x16xf32>,
        %parallel_loop3A_226 = arith.constant 4 : i32
        %parallel_loop3A_227 = arith.muli %parallel_loop3A_173, %parallel_loop3A_226 : i32
        %parallel_loop3A_228 = arith.constant 1 : i32
        %parallel_loop3A_229 = arith.addi %parallel_loop3A_227, %parallel_loop3A_228 : i32
        %parallel_loop3A_230 = arith.index_cast %parallel_loop3A_229 : i32 to index
        %parallel_loop3A_231 = arith.constant 0 : index
        %parallel_loop3A_232 = tpu.vector_load %arg6[%parallel_loop3A_230, %parallel_loop3A_231] {strides = array<i32>} : memref<128x64xf32, #tpu.memory_space<vmem>>, vector<1x16xf32>,
        %parallel_loop3A_233 = vector.shape_cast %parallel_loop3A_232 : vector<1x16xf32> to vector<16xf32>
        %parallel_loop3A_234 = arith.constant 8.000000e+00 : f32
        %parallel_loop3A_235 = vector.broadcast %parallel_loop3A_234 : f32 to vector<16xf32>
        %parallel_loop3A_236 = arith.mulf %parallel_loop3A_233, %parallel_loop3A_235 : vector<16xf32>
        %parallel_loop3A_237 = arith.index_cast %parallel_loop3A_229 : i32 to index
        %parallel_loop3A_238 = arith.constant 0 : index
        %parallel_loop3A_239 = tpu.vector_load %arg10[%parallel_loop3A_237, %parallel_loop3A_238] {strides = array<i32>} : memref<128x64xf32, #tpu.memory_space<vmem>>, vector<1x16xf32>,
        %parallel_loop3A_240 = vector.shape_cast %parallel_loop3A_239 : vector<1x16xf32> to vector<16xf32>
        %parallel_loop3A_241 = vector.shape_cast %parallel_loop3A_236 : vector<16xf32> to vector<1x16xf32>
        tpu.vector_store %arg10[%parallel_loop3A_237, %parallel_loop3A_238], %parallel_loop3A_241 {strides = array<i32>} : memref<128x64xf32, #tpu.memory_space<vmem>>, vector<1x16xf32>,
        %parallel_loop3A_242 = arith.index_cast %parallel_loop3A_229 : i32 to index
        %parallel_loop3A_243 = arith.constant 16 : index
        %parallel_loop3A_244 = tpu.vector_load %arg6[%parallel_loop3A_242, %parallel_loop3A_243] {strides = array<i32>} : memref<128x64xf32, #tpu.memory_space<vmem>>, vector<1x16xf32>,
        %parallel_loop3A_245 = vector.shape_cast %parallel_loop3A_244 : vector<1x16xf32> to vector<16xf32>
        %parallel_loop3A_246 = arith.constant 8.000000e+00 : f32
        %parallel_loop3A_247 = vector.broadcast %parallel_loop3A_246 : f32 to vector<16xf32>
        %parallel_loop3A_248 = arith.mulf %parallel_loop3A_245, %parallel_loop3A_247 : vector<16xf32>
        %parallel_loop3A_249 = arith.index_cast %parallel_loop3A_229 : i32 to index
        %parallel_loop3A_250 = arith.constant 16 : index
        %parallel_loop3A_251 = tpu.vector_load %arg10[%parallel_loop3A_249, %parallel_loop3A_250] {strides = array<i32>} : memref<128x64xf32, #tpu.memory_space<vmem>>, vector<1x16xf32>,
        %parallel_loop3A_252 = vector.shape_cast %parallel_loop3A_251 : vector<1x16xf32> to vector<16xf32>
        %parallel_loop3A_253 = vector.shape_cast %parallel_loop3A_248 : vector<16xf32> to vector<1x16xf32>
        tpu.vector_store %arg10[%parallel_loop3A_249, %parallel_loop3A_250], %parallel_loop3A_253 {strides = array<i32>} : memref<128x64xf32, #tpu.memory_space<vmem>>, vector<1x16xf32>,
        %parallel_loop3A_254 = arith.index_cast %parallel_loop3A_229 : i32 to index
        %parallel_loop3A_255 = arith.constant 32 : index
        %parallel_loop3A_256 = tpu.vector_load %arg6[%parallel_loop3A_254, %parallel_loop3A_255] {strides = array<i32>} : memref<128x64xf32, #tpu.memory_space<vmem>>, vector<1x16xf32>,
        %parallel_loop3A_257 = vector.shape_cast %parallel_loop3A_256 : vector<1x16xf32> to vector<16xf32>
        %parallel_loop3A_258 = arith.constant 8.000000e+00 : f32
        %parallel_loop3A_259 = vector.broadcast %parallel_loop3A_258 : f32 to vector<16xf32>
        %parallel_loop3A_260 = arith.mulf %parallel_loop3A_257, %parallel_loop3A_259 : vector<16xf32>
        %parallel_loop3A_261 = arith.index_cast %parallel_loop3A_229 : i32 to index
        %parallel_loop3A_262 = arith.constant 32 : index
        %parallel_loop3A_263 = tpu.vector_load %arg10[%parallel_loop3A_261, %parallel_loop3A_262] {strides = array<i32>} : memref<128x64xf32, #tpu.memory_space<vmem>>, vector<1x16xf32>,
        %parallel_loop3A_264 = vector.shape_cast %parallel_loop3A_263 : vector<1x16xf32> to vector<16xf32>
        %parallel_loop3A_265 = vector.shape_cast %parallel_loop3A_260 : vector<16xf32> to vector<1x16xf32>
        tpu.vector_store %arg10[%parallel_loop3A_261, %parallel_loop3A_262], %parallel_loop3A_265 {strides = array<i32>} : memref<128x64xf32, #tpu.memory_space<vmem>>, vector<1x16xf32>,
        %parallel_loop3A_266 = arith.index_cast %parallel_loop3A_229 : i32 to index
        %parallel_loop3A_267 = arith.constant 48 : index
        %parallel_loop3A_268 = tpu.vector_load %arg6[%parallel_loop3A_266, %parallel_loop3A_267] {strides = array<i32>} : memref<128x64xf32, #tpu.memory_space<vmem>>, vector<1x16xf32>,
        %parallel_loop3A_269 = vector.shape_cast %parallel_loop3A_268 : vector<1x16xf32> to vector<16xf32>
        %parallel_loop3A_270 = arith.constant 8.000000e+00 : f32
        %parallel_loop3A_271 = vector.broadcast %parallel_loop3A_270 : f32 to vector<16xf32>
        %parallel_loop3A_272 = arith.mulf %parallel_loop3A_269, %parallel_loop3A_271 : vector<16xf32>
        %parallel_loop3A_273 = arith.index_cast %parallel_loop3A_229 : i32 to index
        %parallel_loop3A_274 = arith.constant 48 : index
        %parallel_loop3A_275 = tpu.vector_load %arg10[%parallel_loop3A_273, %parallel_loop3A_274] {strides = array<i32>} : memref<128x64xf32, #tpu.memory_space<vmem>>, vector<1x16xf32>,
        %parallel_loop3A_276 = vector.shape_cast %parallel_loop3A_275 : vector<1x16xf32> to vector<16xf32>
        %parallel_loop3A_277 = vector.shape_cast %parallel_loop3A_272 : vector<16xf32> to vector<1x16xf32>
        tpu.vector_store %arg10[%parallel_loop3A_273, %parallel_loop3A_274], %parallel_loop3A_277 {strides = array<i32>} : memref<128x64xf32, #tpu.memory_space<vmem>>, vector<1x16xf32>,
        %parallel_loop3A_278 = arith.constant 4 : i32
        %parallel_loop3A_279 = arith.muli %parallel_loop3A_173, %parallel_loop3A_278 : i32
        %parallel_loop3A_280 = arith.constant 2 : i32
        %parallel_loop3A_281 = arith.addi %parallel_loop3A_279, %parallel_loop3A_280 : i32
        %parallel_loop3A_282 = arith.index_cast %parallel_loop3A_281 : i32 to index
        %parallel_loop3A_283 = arith.constant 0 : index
        %parallel_loop3A_284 = tpu.vector_load %arg6[%parallel_loop3A_282, %parallel_loop3A_283] {strides = array<i32>} : memref<128x64xf32, #tpu.memory_space<vmem>>, vector<1x16xf32>,
        %parallel_loop3A_285 = vector.shape_cast %parallel_loop3A_284 : vector<1x16xf32> to vector<16xf32>
        %parallel_loop3A_286 = arith.constant 8.000000e+00 : f32
        %parallel_loop3A_287 = vector.broadcast %parallel_loop3A_286 : f32 to vector<16xf32>
        %parallel_loop3A_288 = arith.mulf %parallel_loop3A_285, %parallel_loop3A_287 : vector<16xf32>
        %parallel_loop3A_289 = arith.index_cast %parallel_loop3A_281 : i32 to index
        %parallel_loop3A_290 = arith.constant 0 : index
        %parallel_loop3A_291 = tpu.vector_load %arg10[%parallel_loop3A_289, %parallel_loop3A_290] {strides = array<i32>} : memref<128x64xf32, #tpu.memory_space<vmem>>, vector<1x16xf32>,
        %parallel_loop3A_292 = vector.shape_cast %parallel_loop3A_291 : vector<1x16xf32> to vector<16xf32>
        %parallel_loop3A_293 = vector.shape_cast %parallel_loop3A_288 : vector<16xf32> to vector<1x16xf32>
        tpu.vector_store %arg10[%parallel_loop3A_289, %parallel_loop3A_290], %parallel_loop3A_293 {strides = array<i32>} : memref<128x64xf32, #tpu.memory_space<vmem>>, vector<1x16xf32>,
        %parallel_loop3A_294 = arith.index_cast %parallel_loop3A_281 : i32 to index
        %parallel_loop3A_295 = arith.constant 16 : index
        %parallel_loop3A_296 = tpu.vector_load %arg6[%parallel_loop3A_294, %parallel_loop3A_295] {strides = array<i32>} : memref<128x64xf32, #tpu.memory_space<vmem>>, vector<1x16xf32>,
        %parallel_loop3A_297 = vector.shape_cast %parallel_loop3A_296 : vector<1x16xf32> to vector<16xf32>
        %parallel_loop3A_298 = arith.constant 8.000000e+00 : f32
        %parallel_loop3A_299 = vector.broadcast %parallel_loop3A_298 : f32 to vector<16xf32>
        %parallel_loop3A_300 = arith.mulf %parallel_loop3A_297, %parallel_loop3A_299 : vector<16xf32>
        %parallel_loop3A_301 = arith.index_cast %parallel_loop3A_281 : i32 to index
        %parallel_loop3A_302 = arith.constant 16 : index
        %parallel_loop3A_303 = tpu.vector_load %arg10[%parallel_loop3A_301, %parallel_loop3A_302] {strides = array<i32>} : memref<128x64xf32, #tpu.memory_space<vmem>>, vector<1x16xf32>,
        %parallel_loop3A_304 = vector.shape_cast %parallel_loop3A_303 : vector<1x16xf32> to vector<16xf32>
        %parallel_loop3A_305 = vector.shape_cast %parallel_loop3A_300 : vector<16xf32> to vector<1x16xf32>
        tpu.vector_store %arg10[%parallel_loop3A_301, %parallel_loop3A_302], %parallel_loop3A_305 {strides = array<i32>} : memref<128x64xf32, #tpu.memory_space<vmem>>, vector<1x16xf32>,
        %parallel_loop3A_306 = arith.index_cast %parallel_loop3A_281 : i32 to index
        %parallel_loop3A_307 = arith.constant 32 : index
        %parallel_loop3A_308 = tpu.vector_load %arg6[%parallel_loop3A_306, %parallel_loop3A_307] {strides = array<i32>} : memref<128x64xf32, #tpu.memory_space<vmem>>, vector<1x16xf32>,
        %parallel_loop3A_309 = vector.shape_cast %parallel_loop3A_308 : vector<1x16xf32> to vector<16xf32>
        %parallel_loop3A_310 = arith.constant 8.000000e+00 : f32
        %parallel_loop3A_311 = vector.broadcast %parallel_loop3A_310 : f32 to vector<16xf32>
        %parallel_loop3A_312 = arith.mulf %parallel_loop3A_309, %parallel_loop3A_311 : vector<16xf32>
        %parallel_loop3A_313 = arith.index_cast %parallel_loop3A_281 : i32 to index
        %parallel_loop3A_314 = arith.constant 32 : index
        %parallel_loop3A_315 = tpu.vector_load %arg10[%parallel_loop3A_313, %parallel_loop3A_314] {strides = array<i32>} : memref<128x64xf32, #tpu.memory_space<vmem>>, vector<1x16xf32>,
        %parallel_loop3A_316 = vector.shape_cast %parallel_loop3A_315 : vector<1x16xf32> to vector<16xf32>
        %parallel_loop3A_317 = vector.shape_cast %parallel_loop3A_312 : vector<16xf32> to vector<1x16xf32>
        tpu.vector_store %arg10[%parallel_loop3A_313, %parallel_loop3A_314], %parallel_loop3A_317 {strides = array<i32>} : memref<128x64xf32, #tpu.memory_space<vmem>>, vector<1x16xf32>,
        %parallel_loop3A_318 = arith.index_cast %parallel_loop3A_281 : i32 to index
        %parallel_loop3A_319 = arith.constant 48 : index
        %parallel_loop3A_320 = tpu.vector_load %arg6[%parallel_loop3A_318, %parallel_loop3A_319] {strides = array<i32>} : memref<128x64xf32, #tpu.memory_space<vmem>>, vector<1x16xf32>,
        %parallel_loop3A_321 = vector.shape_cast %parallel_loop3A_320 : vector<1x16xf32> to vector<16xf32>
        %parallel_loop3A_322 = arith.constant 8.000000e+00 : f32
        %parallel_loop3A_323 = vector.broadcast %parallel_loop3A_322 : f32 to vector<16xf32>
        %parallel_loop3A_324 = arith.mulf %parallel_loop3A_321, %parallel_loop3A_323 : vector<16xf32>
        %parallel_loop3A_325 = arith.index_cast %parallel_loop3A_281 : i32 to index
        %parallel_loop3A_326 = arith.constant 48 : index
        %parallel_loop3A_327 = tpu.vector_load %arg10[%parallel_loop3A_325, %parallel_loop3A_326] {strides = array<i32>} : memref<128x64xf32, #tpu.memory_space<vmem>>, vector<1x16xf32>,
        %parallel_loop3A_328 = vector.shape_cast %parallel_loop3A_327 : vector<1x16xf32> to vector<16xf32>
        %parallel_loop3A_329 = vector.shape_cast %parallel_loop3A_324 : vector<16xf32> to vector<1x16xf32>
        tpu.vector_store %arg10[%parallel_loop3A_325, %parallel_loop3A_326], %parallel_loop3A_329 {strides = array<i32>} : memref<128x64xf32, #tpu.memory_space<vmem>>, vector<1x16xf32>,
        %parallel_loop3A_330 = arith.constant 4 : i32
        %parallel_loop3A_331 = arith.muli %parallel_loop3A_173, %parallel_loop3A_330 : i32
        %parallel_loop3A_332 = arith.constant 3 : i32
        %parallel_loop3A_333 = arith.addi %parallel_loop3A_331, %parallel_loop3A_332 : i32
        %parallel_loop3A_334 = arith.index_cast %parallel_loop3A_333 : i32 to index
        %parallel_loop3A_335 = arith.constant 0 : index
        %parallel_loop3A_336 = tpu.vector_load %arg6[%parallel_loop3A_334, %parallel_loop3A_335] {strides = array<i32>} : memref<128x64xf32, #tpu.memory_space<vmem>>, vector<1x16xf32>,
        %parallel_loop3A_337 = vector.shape_cast %parallel_loop3A_336 : vector<1x16xf32> to vector<16xf32>
        %parallel_loop3A_338 = arith.constant 8.000000e+00 : f32
        %parallel_loop3A_339 = vector.broadcast %parallel_loop3A_338 : f32 to vector<16xf32>
        %parallel_loop3A_340 = arith.mulf %parallel_loop3A_337, %parallel_loop3A_339 : vector<16xf32>
        %parallel_loop3A_341 = arith.index_cast %parallel_loop3A_333 : i32 to index
        %parallel_loop3A_342 = arith.constant 0 : index
        %parallel_loop3A_343 = tpu.vector_load %arg10[%parallel_loop3A_341, %parallel_loop3A_342] {strides = array<i32>} : memref<128x64xf32, #tpu.memory_space<vmem>>, vector<1x16xf32>,
        %parallel_loop3A_344 = vector.shape_cast %parallel_loop3A_343 : vector<1x16xf32> to vector<16xf32>
        %parallel_loop3A_345 = vector.shape_cast %parallel_loop3A_340 : vector<16xf32> to vector<1x16xf32>
        tpu.vector_store %arg10[%parallel_loop3A_341, %parallel_loop3A_342], %parallel_loop3A_345 {strides = array<i32>} : memref<128x64xf32, #tpu.memory_space<vmem>>, vector<1x16xf32>,
        %parallel_loop3A_346 = arith.index_cast %parallel_loop3A_333 : i32 to index
        %parallel_loop3A_347 = arith.constant 16 : index
        %parallel_loop3A_348 = tpu.vector_load %arg6[%parallel_loop3A_346, %parallel_loop3A_347] {strides = array<i32>} : memref<128x64xf32, #tpu.memory_space<vmem>>, vector<1x16xf32>,
        %parallel_loop3A_349 = vector.shape_cast %parallel_loop3A_348 : vector<1x16xf32> to vector<16xf32>
        %parallel_loop3A_350 = arith.constant 8.000000e+00 : f32
        %parallel_loop3A_351 = vector.broadcast %parallel_loop3A_350 : f32 to vector<16xf32>
        %parallel_loop3A_352 = arith.mulf %parallel_loop3A_349, %parallel_loop3A_351 : vector<16xf32>
        %parallel_loop3A_353 = arith.index_cast %parallel_loop3A_333 : i32 to index
        %parallel_loop3A_354 = arith.constant 16 : index
        %parallel_loop3A_355 = tpu.vector_load %arg10[%parallel_loop3A_353, %parallel_loop3A_354] {strides = array<i32>} : memref<128x64xf32, #tpu.memory_space<vmem>>, vector<1x16xf32>,
        %parallel_loop3A_356 = vector.shape_cast %parallel_loop3A_355 : vector<1x16xf32> to vector<16xf32>
        %parallel_loop3A_357 = vector.shape_cast %parallel_loop3A_352 : vector<16xf32> to vector<1x16xf32>
        tpu.vector_store %arg10[%parallel_loop3A_353, %parallel_loop3A_354], %parallel_loop3A_357 {strides = array<i32>} : memref<128x64xf32, #tpu.memory_space<vmem>>, vector<1x16xf32>,
        %parallel_loop3A_358 = arith.index_cast %parallel_loop3A_333 : i32 to index
        %parallel_loop3A_359 = arith.constant 32 : index
        %parallel_loop3A_360 = tpu.vector_load %arg6[%parallel_loop3A_358, %parallel_loop3A_359] {strides = array<i32>} : memref<128x64xf32, #tpu.memory_space<vmem>>, vector<1x16xf32>,
        %parallel_loop3A_361 = vector.shape_cast %parallel_loop3A_360 : vector<1x16xf32> to vector<16xf32>
        %parallel_loop3A_362 = arith.constant 8.000000e+00 : f32
        %parallel_loop3A_363 = vector.broadcast %parallel_loop3A_362 : f32 to vector<16xf32>
        %parallel_loop3A_364 = arith.mulf %parallel_loop3A_361, %parallel_loop3A_363 : vector<16xf32>
        %parallel_loop3A_365 = arith.index_cast %parallel_loop3A_333 : i32 to index
        %parallel_loop3A_366 = arith.constant 32 : index
        %parallel_loop3A_367 = tpu.vector_load %arg10[%parallel_loop3A_365, %parallel_loop3A_366] {strides = array<i32>} : memref<128x64xf32, #tpu.memory_space<vmem>>, vector<1x16xf32>,
        %parallel_loop3A_368 = vector.shape_cast %parallel_loop3A_367 : vector<1x16xf32> to vector<16xf32>
        %parallel_loop3A_369 = vector.shape_cast %parallel_loop3A_364 : vector<16xf32> to vector<1x16xf32>
        tpu.vector_store %arg10[%parallel_loop3A_365, %parallel_loop3A_366], %parallel_loop3A_369 {strides = array<i32>} : memref<128x64xf32, #tpu.memory_space<vmem>>, vector<1x16xf32>,
        %parallel_loop3A_370 = arith.index_cast %parallel_loop3A_333 : i32 to index
        %parallel_loop3A_371 = arith.constant 48 : index
        %parallel_loop3A_372 = tpu.vector_load %arg6[%parallel_loop3A_370, %parallel_loop3A_371] {strides = array<i32>} : memref<128x64xf32, #tpu.memory_space<vmem>>, vector<1x16xf32>,
        %parallel_loop3A_373 = vector.shape_cast %parallel_loop3A_372 : vector<1x16xf32> to vector<16xf32>
        %parallel_loop3A_374 = arith.constant 8.000000e+00 : f32
        %parallel_loop3A_375 = vector.broadcast %parallel_loop3A_374 : f32 to vector<16xf32>
        %parallel_loop3A_376 = arith.mulf %parallel_loop3A_373, %parallel_loop3A_375 : vector<16xf32>
        %parallel_loop3A_377 = arith.index_cast %parallel_loop3A_333 : i32 to index
        %parallel_loop3A_378 = arith.constant 48 : index
        %parallel_loop3A_379 = tpu.vector_load %arg10[%parallel_loop3A_377, %parallel_loop3A_378] {strides = array<i32>} : memref<128x64xf32, #tpu.memory_space<vmem>>, vector<1x16xf32>,
        %parallel_loop3A_380 = vector.shape_cast %parallel_loop3A_379 : vector<1x16xf32> to vector<16xf32>
        %parallel_loop3A_381 = vector.shape_cast %parallel_loop3A_376 : vector<16xf32> to vector<1x16xf32>
        tpu.vector_store %arg10[%parallel_loop3A_377, %parallel_loop3A_378], %parallel_loop3A_381 {strides = array<i32>} : memref<128x64xf32, #tpu.memory_space<vmem>>, vector<1x16xf32>,
      } {sc.loop_unroll_factor = 4 : i64, sc.parallel_access}
      %mul3A_64 = arith.constant 128 : i32
      %mul3A_65 = arith.muli %add3A_53, %mul3A_64 : i32
      %add3A_66 = arith.addi %mul3A_2, %mul3A_65 : i32
      %dma_start3A_67 = arith.constant 0 : i32
      %dma_start3A_68 = tpu.memref_slice %arg4[%add3A_66, %dma_start3A_67] : memref<819200x64xf32, #tpu.memory_space<hbm>> -> memref<128x64xf32, #tpu.memory_space<hbm>>
      %dma_start3A_69 = arith.constant 0 : i32
      %dma_start3A_70 = tpu.memref_slice %arg4[%add3A_66, %dma_start3A_69] : memref<819200x64xf32, #tpu.memory_space<hbm>> -> memref<128x64xf32, #tpu.memory_space<hbm>>
      tpu.enqueue_dma source(%arg10 : memref<128x64xf32, #tpu.memory_space<vmem>>) target(%dma_start3A_70 : memref<128x64xf32, #tpu.memory_space<hbm>>) target_semaphore(%arg18 : memref<!tpu.dma_semaphore, #tpu.memory_space<semaphore_mem>>)
      %add3A_71 = arith.constant 1 : i32
      %add3A_72 = arith.addi %scan3A_49, %add3A_71 : i32
      %lt3A = arith.constant 50 : i32
      %lt3A_73 = arith.cmpi slt, %add3A_72, %lt3A : i32
      %convert_element_type3A_74 = arith.extui %lt3A_73 : i1 to i32
      %cond3A_75 = arith.constant 0 : i32
      %cond3A_76 = arith.cmpi ne, %convert_element_type3A_74, %cond3A_75 : i32
      scf.if %cond3A_76 {
        %add3A_173 = arith.constant 4 : i32
        %add3A_174 = arith.addi %add3A_53, %add3A_173 : i32
        %mul3A_175 = arith.constant 128 : i32
        %mul3A_176 = arith.muli %add3A_174, %mul3A_175 : i32
        %dma_start3A_177 = tpu.memref_slice %arg5[%mul3A_176] : memref<25600xi32, #tpu.memory_space<vmem>> -> memref<128xi32, #tpu.memory_space<vmem>>
        %dma_start3A_178 = arith.constant 0 : i32
        %dma_start3A_179 = arith.constant 0 : i32
        %dma_start3A_180 = tpu.memref_slice %arg3[%dma_start3A_178, %dma_start3A_179] : memref<1000000x64xf32, #tpu.memory_space<hbm>> -> memref<1000000x64xf32, #tpu.memory_space<hbm>>
        tpu.enqueue_indirect_dma source(%dma_start3A_180 : memref<1000000x64xf32, #tpu.memory_space<hbm>>) target(%arg6 : memref<128x64xf32, #tpu.memory_space<vmem>>) offsets(%dma_start3A_177 : memref<128xi32, #tpu.memory_space<vmem>>) semaphore(%arg14 : memref<!tpu.dma_semaphore, #tpu.memory_space<semaphore_mem>>)
      } else {
      }
      %mul3A_77 = arith.constant 4 : i32
      %mul3A_78 = arith.muli %scan3A_49, %mul3A_77 : i32
      %add3A_79 = arith.constant 1 : i32
      %add3A_80 = arith.addi %mul3A_78, %add3A_79 : i32
      %mul3A_81 = arith.constant 128 : i32
      %mul3A_82 = arith.muli %add3A_80, %mul3A_81 : i32
      %dma_wait3A_83 = tpu.memref_slice %arg5[%mul3A_82] : memref<25600xi32, #tpu.memory_space<vmem>> -> memref<128xi32, #tpu.memory_space<vmem>>
      %dma_wait3A_84 = arith.constant 0 : i32
      %dma_wait3A_85 = arith.constant 0 : i32
      %dma_wait3A_86 = tpu.memref_slice %arg3[%dma_wait3A_84, %dma_wait3A_85] : memref<1000000x64xf32, #tpu.memory_space<hbm>> -> memref<1000000x64xf32, #tpu.memory_space<hbm>>
      tpu.wait_indirect_dma semaphore(%arg15 : memref<!tpu.dma_semaphore, #tpu.memory_space<semaphore_mem>>) src(%dma_wait3A_86 : memref<1000000x64xf32, #tpu.memory_space<hbm>>) dst(%arg7 : memref<128x64xf32, #tpu.memory_space<vmem>>)
      %gt3A_87 = arith.constant 0 : i32
      %gt3A_88 = arith.cmpi sgt, %scan3A_49, %gt3A_87 : i32
      %convert_element_type3A_89 = arith.extui %gt3A_88 : i1 to i32
      %cond3A_90 = arith.constant 0 : i32
      %cond3A_91 = arith.cmpi ne, %convert_element_type3A_89, %cond3A_90 : i32
      scf.if %cond3A_91 {
        %mul3A_173 = arith.constant 128 : i32
        %mul3A_174 = arith.muli %add3A_80, %mul3A_173 : i32
        %add3A_175 = arith.addi %mul3A_2, %mul3A_174 : i32
        %dma_wait3A_176 = arith.constant 0 : i32
        %dma_wait3A_177 = tpu.memref_slice %arg4[%add3A_175, %dma_wait3A_176] : memref<819200x64xf32, #tpu.memory_space<hbm>> -> memref<128x64xf32, #tpu.memory_space<hbm>>
        %dma_wait3A_178 = arith.constant 0 : i32
        %dma_wait3A_179 = tpu.memref_slice %arg4[%add3A_175, %dma_wait3A_178] : memref<819200x64xf32, #tpu.memory_space<hbm>> -> memref<128x64xf32, #tpu.memory_space<hbm>>
        tpu.wait_dma2 semaphore(%arg19 : memref<!tpu.dma_semaphore, #tpu.memory_space<semaphore_mem>>) src(%arg11 : memref<128x64xf32, #tpu.memory_space<vmem>>) dst(%dma_wait3A_179 : memref<128x64xf32, #tpu.memory_space<hbm>>)
      } else {
      }
      %parallel_loop3A_92 = arith.constant 0 : i32
      %parallel_loop3A_93 = arith.constant 32 : i32
      %parallel_loop3A_94 = arith.constant 1 : i32
      scf.for %parallel_loop3A_173 = %parallel_loop3A_92 to %parallel_loop3A_93 step %parallel_loop3A_94  : i32 {
        %parallel_loop3A_174 = arith.constant 4 : i32
        %parallel_loop3A_175 = arith.muli %parallel_loop3A_173, %parallel_loop3A_174 : i32
        %parallel_loop3A_176 = arith.constant 0 : i32
        %parallel_loop3A_177 = arith.addi %parallel_loop3A_175, %parallel_loop3A_176 : i32
        %parallel_loop3A_178 = arith.index_cast %parallel_loop3A_177 : i32 to index
        %parallel_loop3A_179 = arith.constant 0 : index
        %parallel_loop3A_180 = tpu.vector_load %arg7[%parallel_loop3A_178, %parallel_loop3A_179] {strides = array<i32>} : memref<128x64xf32, #tpu.memory_space<vmem>>, vector<1x16xf32>,
        %parallel_loop3A_181 = vector.shape_cast %parallel_loop3A_180 : vector<1x16xf32> to vector<16xf32>
        %parallel_loop3A_182 = arith.constant 8.000000e+00 : f32
        %parallel_loop3A_183 = vector.broadcast %parallel_loop3A_182 : f32 to vector<16xf32>
        %parallel_loop3A_184 = arith.mulf %parallel_loop3A_181, %parallel_loop3A_183 : vector<16xf32>
        %parallel_loop3A_185 = arith.index_cast %parallel_loop3A_177 : i32 to index
        %parallel_loop3A_186 = arith.constant 0 : index
        %parallel_loop3A_187 = tpu.vector_load %arg11[%parallel_loop3A_185, %parallel_loop3A_186] {strides = array<i32>} : memref<128x64xf32, #tpu.memory_space<vmem>>, vector<1x16xf32>,
        %parallel_loop3A_188 = vector.shape_cast %parallel_loop3A_187 : vector<1x16xf32> to vector<16xf32>
        %parallel_loop3A_189 = vector.shape_cast %parallel_loop3A_184 : vector<16xf32> to vector<1x16xf32>
        tpu.vector_store %arg11[%parallel_loop3A_185, %parallel_loop3A_186], %parallel_loop3A_189 {strides = array<i32>} : memref<128x64xf32, #tpu.memory_space<vmem>>, vector<1x16xf32>,
        %parallel_loop3A_190 = arith.index_cast %parallel_loop3A_177 : i32 to index
        %parallel_loop3A_191 = arith.constant 16 : index
        %parallel_loop3A_192 = tpu.vector_load %arg7[%parallel_loop3A_190, %parallel_loop3A_191] {strides = array<i32>} : memref<128x64xf32, #tpu.memory_space<vmem>>, vector<1x16xf32>,
        %parallel_loop3A_193 = vector.shape_cast %parallel_loop3A_192 : vector<1x16xf32> to vector<16xf32>
        %parallel_loop3A_194 = arith.constant 8.000000e+00 : f32
        %parallel_loop3A_195 = vector.broadcast %parallel_loop3A_194 : f32 to vector<16xf32>
        %parallel_loop3A_196 = arith.mulf %parallel_loop3A_193, %parallel_loop3A_195 : vector<16xf32>
        %parallel_loop3A_197 = arith.index_cast %parallel_loop3A_177 : i32 to index
        %parallel_loop3A_198 = arith.constant 16 : index
        %parallel_loop3A_199 = tpu.vector_load %arg11[%parallel_loop3A_197, %parallel_loop3A_198] {strides = array<i32>} : memref<128x64xf32, #tpu.memory_space<vmem>>, vector<1x16xf32>,
        %parallel_loop3A_200 = vector.shape_cast %parallel_loop3A_199 : vector<1x16xf32> to vector<16xf32>
        %parallel_loop3A_201 = vector.shape_cast %parallel_loop3A_196 : vector<16xf32> to vector<1x16xf32>
        tpu.vector_store %arg11[%parallel_loop3A_197, %parallel_loop3A_198], %parallel_loop3A_201 {strides = array<i32>} : memref<128x64xf32, #tpu.memory_space<vmem>>, vector<1x16xf32>,
        %parallel_loop3A_202 = arith.index_cast %parallel_loop3A_177 : i32 to index
        %parallel_loop3A_203 = arith.constant 32 : index
        %parallel_loop3A_204 = tpu.vector_load %arg7[%parallel_loop3A_202, %parallel_loop3A_203] {strides = array<i32>} : memref<128x64xf32, #tpu.memory_space<vmem>>, vector<1x16xf32>,
        %parallel_loop3A_205 = vector.shape_cast %parallel_loop3A_204 : vector<1x16xf32> to vector<16xf32>
        %parallel_loop3A_206 = arith.constant 8.000000e+00 : f32
        %parallel_loop3A_207 = vector.broadcast %parallel_loop3A_206 : f32 to vector<16xf32>
        %parallel_loop3A_208 = arith.mulf %parallel_loop3A_205, %parallel_loop3A_207 : vector<16xf32>
        %parallel_loop3A_209 = arith.index_cast %parallel_loop3A_177 : i32 to index
        %parallel_loop3A_210 = arith.constant 32 : index
        %parallel_loop3A_211 = tpu.vector_load %arg11[%parallel_loop3A_209, %parallel_loop3A_210] {strides = array<i32>} : memref<128x64xf32, #tpu.memory_space<vmem>>, vector<1x16xf32>,
        %parallel_loop3A_212 = vector.shape_cast %parallel_loop3A_211 : vector<1x16xf32> to vector<16xf32>
        %parallel_loop3A_213 = vector.shape_cast %parallel_loop3A_208 : vector<16xf32> to vector<1x16xf32>
        tpu.vector_store %arg11[%parallel_loop3A_209, %parallel_loop3A_210], %parallel_loop3A_213 {strides = array<i32>} : memref<128x64xf32, #tpu.memory_space<vmem>>, vector<1x16xf32>,
        %parallel_loop3A_214 = arith.index_cast %parallel_loop3A_177 : i32 to index
        %parallel_loop3A_215 = arith.constant 48 : index
        %parallel_loop3A_216 = tpu.vector_load %arg7[%parallel_loop3A_214, %parallel_loop3A_215] {strides = array<i32>} : memref<128x64xf32, #tpu.memory_space<vmem>>, vector<1x16xf32>,
        %parallel_loop3A_217 = vector.shape_cast %parallel_loop3A_216 : vector<1x16xf32> to vector<16xf32>
        %parallel_loop3A_218 = arith.constant 8.000000e+00 : f32
        %parallel_loop3A_219 = vector.broadcast %parallel_loop3A_218 : f32 to vector<16xf32>
        %parallel_loop3A_220 = arith.mulf %parallel_loop3A_217, %parallel_loop3A_219 : vector<16xf32>
        %parallel_loop3A_221 = arith.index_cast %parallel_loop3A_177 : i32 to index
        %parallel_loop3A_222 = arith.constant 48 : index
        %parallel_loop3A_223 = tpu.vector_load %arg11[%parallel_loop3A_221, %parallel_loop3A_222] {strides = array<i32>} : memref<128x64xf32, #tpu.memory_space<vmem>>, vector<1x16xf32>,
        %parallel_loop3A_224 = vector.shape_cast %parallel_loop3A_223 : vector<1x16xf32> to vector<16xf32>
        %parallel_loop3A_225 = vector.shape_cast %parallel_loop3A_220 : vector<16xf32> to vector<1x16xf32>
        tpu.vector_store %arg11[%parallel_loop3A_221, %parallel_loop3A_222], %parallel_loop3A_225 {strides = array<i32>} : memref<128x64xf32, #tpu.memory_space<vmem>>, vector<1x16xf32>,
        %parallel_loop3A_226 = arith.constant 4 : i32
        %parallel_loop3A_227 = arith.muli %parallel_loop3A_173, %parallel_loop3A_226 : i32
        %parallel_loop3A_228 = arith.constant 1 : i32
        %parallel_loop3A_229 = arith.addi %parallel_loop3A_227, %parallel_loop3A_228 : i32
        %parallel_loop3A_230 = arith.index_cast %parallel_loop3A_229 : i32 to index
        %parallel_loop3A_231 = arith.constant 0 : index
        %parallel_loop3A_232 = tpu.vector_load %arg7[%parallel_loop3A_230, %parallel_loop3A_231] {strides = array<i32>} : memref<128x64xf32, #tpu.memory_space<vmem>>, vector<1x16xf32>,
        %parallel_loop3A_233 = vector.shape_cast %parallel_loop3A_232 : vector<1x16xf32> to vector<16xf32>
        %parallel_loop3A_234 = arith.constant 8.000000e+00 : f32
        %parallel_loop3A_235 = vector.broadcast %parallel_loop3A_234 : f32 to vector<16xf32>
        %parallel_loop3A_236 = arith.mulf %parallel_loop3A_233, %parallel_loop3A_235 : vector<16xf32>
        %parallel_loop3A_237 = arith.index_cast %parallel_loop3A_229 : i32 to index
        %parallel_loop3A_238 = arith.constant 0 : index
        %parallel_loop3A_239 = tpu.vector_load %arg11[%parallel_loop3A_237, %parallel_loop3A_238] {strides = array<i32>} : memref<128x64xf32, #tpu.memory_space<vmem>>, vector<1x16xf32>,
        %parallel_loop3A_240 = vector.shape_cast %parallel_loop3A_239 : vector<1x16xf32> to vector<16xf32>
        %parallel_loop3A_241 = vector.shape_cast %parallel_loop3A_236 : vector<16xf32> to vector<1x16xf32>
        tpu.vector_store %arg11[%parallel_loop3A_237, %parallel_loop3A_238], %parallel_loop3A_241 {strides = array<i32>} : memref<128x64xf32, #tpu.memory_space<vmem>>, vector<1x16xf32>,
        %parallel_loop3A_242 = arith.index_cast %parallel_loop3A_229 : i32 to index
        %parallel_loop3A_243 = arith.constant 16 : index
        %parallel_loop3A_244 = tpu.vector_load %arg7[%parallel_loop3A_242, %parallel_loop3A_243] {strides = array<i32>} : memref<128x64xf32, #tpu.memory_space<vmem>>, vector<1x16xf32>,
        %parallel_loop3A_245 = vector.shape_cast %parallel_loop3A_244 : vector<1x16xf32> to vector<16xf32>
        %parallel_loop3A_246 = arith.constant 8.000000e+00 : f32
        %parallel_loop3A_247 = vector.broadcast %parallel_loop3A_246 : f32 to vector<16xf32>
        %parallel_loop3A_248 = arith.mulf %parallel_loop3A_245, %parallel_loop3A_247 : vector<16xf32>
        %parallel_loop3A_249 = arith.index_cast %parallel_loop3A_229 : i32 to index
        %parallel_loop3A_250 = arith.constant 16 : index
        %parallel_loop3A_251 = tpu.vector_load %arg11[%parallel_loop3A_249, %parallel_loop3A_250] {strides = array<i32>} : memref<128x64xf32, #tpu.memory_space<vmem>>, vector<1x16xf32>,
        %parallel_loop3A_252 = vector.shape_cast %parallel_loop3A_251 : vector<1x16xf32> to vector<16xf32>
        %parallel_loop3A_253 = vector.shape_cast %parallel_loop3A_248 : vector<16xf32> to vector<1x16xf32>
        tpu.vector_store %arg11[%parallel_loop3A_249, %parallel_loop3A_250], %parallel_loop3A_253 {strides = array<i32>} : memref<128x64xf32, #tpu.memory_space<vmem>>, vector<1x16xf32>,
        %parallel_loop3A_254 = arith.index_cast %parallel_loop3A_229 : i32 to index
        %parallel_loop3A_255 = arith.constant 32 : index
        %parallel_loop3A_256 = tpu.vector_load %arg7[%parallel_loop3A_254, %parallel_loop3A_255] {strides = array<i32>} : memref<128x64xf32, #tpu.memory_space<vmem>>, vector<1x16xf32>,
        %parallel_loop3A_257 = vector.shape_cast %parallel_loop3A_256 : vector<1x16xf32> to vector<16xf32>
        %parallel_loop3A_258 = arith.constant 8.000000e+00 : f32
        %parallel_loop3A_259 = vector.broadcast %parallel_loop3A_258 : f32 to vector<16xf32>
        %parallel_loop3A_260 = arith.mulf %parallel_loop3A_257, %parallel_loop3A_259 : vector<16xf32>
        %parallel_loop3A_261 = arith.index_cast %parallel_loop3A_229 : i32 to index
        %parallel_loop3A_262 = arith.constant 32 : index
        %parallel_loop3A_263 = tpu.vector_load %arg11[%parallel_loop3A_261, %parallel_loop3A_262] {strides = array<i32>} : memref<128x64xf32, #tpu.memory_space<vmem>>, vector<1x16xf32>,
        %parallel_loop3A_264 = vector.shape_cast %parallel_loop3A_263 : vector<1x16xf32> to vector<16xf32>
        %parallel_loop3A_265 = vector.shape_cast %parallel_loop3A_260 : vector<16xf32> to vector<1x16xf32>
        tpu.vector_store %arg11[%parallel_loop3A_261, %parallel_loop3A_262], %parallel_loop3A_265 {strides = array<i32>} : memref<128x64xf32, #tpu.memory_space<vmem>>, vector<1x16xf32>,
        %parallel_loop3A_266 = arith.index_cast %parallel_loop3A_229 : i32 to index
        %parallel_loop3A_267 = arith.constant 48 : index
        %parallel_loop3A_268 = tpu.vector_load %arg7[%parallel_loop3A_266, %parallel_loop3A_267] {strides = array<i32>} : memref<128x64xf32, #tpu.memory_space<vmem>>, vector<1x16xf32>,
        %parallel_loop3A_269 = vector.shape_cast %parallel_loop3A_268 : vector<1x16xf32> to vector<16xf32>
        %parallel_loop3A_270 = arith.constant 8.000000e+00 : f32
        %parallel_loop3A_271 = vector.broadcast %parallel_loop3A_270 : f32 to vector<16xf32>
        %parallel_loop3A_272 = arith.mulf %parallel_loop3A_269, %parallel_loop3A_271 : vector<16xf32>
        %parallel_loop3A_273 = arith.index_cast %parallel_loop3A_229 : i32 to index
        %parallel_loop3A_274 = arith.constant 48 : index
        %parallel_loop3A_275 = tpu.vector_load %arg11[%parallel_loop3A_273, %parallel_loop3A_274] {strides = array<i32>} : memref<128x64xf32, #tpu.memory_space<vmem>>, vector<1x16xf32>,
        %parallel_loop3A_276 = vector.shape_cast %parallel_loop3A_275 : vector<1x16xf32> to vector<16xf32>
        %parallel_loop3A_277 = vector.shape_cast %parallel_loop3A_272 : vector<16xf32> to vector<1x16xf32>
        tpu.vector_store %arg11[%parallel_loop3A_273, %parallel_loop3A_274], %parallel_loop3A_277 {strides = array<i32>} : memref<128x64xf32, #tpu.memory_space<vmem>>, vector<1x16xf32>,
        %parallel_loop3A_278 = arith.constant 4 : i32
        %parallel_loop3A_279 = arith.muli %parallel_loop3A_173, %parallel_loop3A_278 : i32
        %parallel_loop3A_280 = arith.constant 2 : i32
        %parallel_loop3A_281 = arith.addi %parallel_loop3A_279, %parallel_loop3A_280 : i32
        %parallel_loop3A_282 = arith.index_cast %parallel_loop3A_281 : i32 to index
        %parallel_loop3A_283 = arith.constant 0 : index
        %parallel_loop3A_284 = tpu.vector_load %arg7[%parallel_loop3A_282, %parallel_loop3A_283] {strides = array<i32>} : memref<128x64xf32, #tpu.memory_space<vmem>>, vector<1x16xf32>,
        %parallel_loop3A_285 = vector.shape_cast %parallel_loop3A_284 : vector<1x16xf32> to vector<16xf32>
        %parallel_loop3A_286 = arith.constant 8.000000e+00 : f32
        %parallel_loop3A_287 = vector.broadcast %parallel_loop3A_286 : f32 to vector<16xf32>
        %parallel_loop3A_288 = arith.mulf %parallel_loop3A_285, %parallel_loop3A_287 : vector<16xf32>
        %parallel_loop3A_289 = arith.index_cast %parallel_loop3A_281 : i32 to index
        %parallel_loop3A_290 = arith.constant 0 : index
        %parallel_loop3A_291 = tpu.vector_load %arg11[%parallel_loop3A_289, %parallel_loop3A_290] {strides = array<i32>} : memref<128x64xf32, #tpu.memory_space<vmem>>, vector<1x16xf32>,
        %parallel_loop3A_292 = vector.shape_cast %parallel_loop3A_291 : vector<1x16xf32> to vector<16xf32>
        %parallel_loop3A_293 = vector.shape_cast %parallel_loop3A_288 : vector<16xf32> to vector<1x16xf32>
        tpu.vector_store %arg11[%parallel_loop3A_289, %parallel_loop3A_290], %parallel_loop3A_293 {strides = array<i32>} : memref<128x64xf32, #tpu.memory_space<vmem>>, vector<1x16xf32>,
        %parallel_loop3A_294 = arith.index_cast %parallel_loop3A_281 : i32 to index
        %parallel_loop3A_295 = arith.constant 16 : index
        %parallel_loop3A_296 = tpu.vector_load %arg7[%parallel_loop3A_294, %parallel_loop3A_295] {strides = array<i32>} : memref<128x64xf32, #tpu.memory_space<vmem>>, vector<1x16xf32>,
        %parallel_loop3A_297 = vector.shape_cast %parallel_loop3A_296 : vector<1x16xf32> to vector<16xf32>
        %parallel_loop3A_298 = arith.constant 8.000000e+00 : f32
        %parallel_loop3A_299 = vector.broadcast %parallel_loop3A_298 : f32 to vector<16xf32>
        %parallel_loop3A_300 = arith.mulf %parallel_loop3A_297, %parallel_loop3A_299 : vector<16xf32>
        %parallel_loop3A_301 = arith.index_cast %parallel_loop3A_281 : i32 to index
        %parallel_loop3A_302 = arith.constant 16 : index
        %parallel_loop3A_303 = tpu.vector_load %arg11[%parallel_loop3A_301, %parallel_loop3A_302] {strides = array<i32>} : memref<128x64xf32, #tpu.memory_space<vmem>>, vector<1x16xf32>,
        %parallel_loop3A_304 = vector.shape_cast %parallel_loop3A_303 : vector<1x16xf32> to vector<16xf32>
        %parallel_loop3A_305 = vector.shape_cast %parallel_loop3A_300 : vector<16xf32> to vector<1x16xf32>
        tpu.vector_store %arg11[%parallel_loop3A_301, %parallel_loop3A_302], %parallel_loop3A_305 {strides = array<i32>} : memref<128x64xf32, #tpu.memory_space<vmem>>, vector<1x16xf32>,
        %parallel_loop3A_306 = arith.index_cast %parallel_loop3A_281 : i32 to index
        %parallel_loop3A_307 = arith.constant 32 : index
        %parallel_loop3A_308 = tpu.vector_load %arg7[%parallel_loop3A_306, %parallel_loop3A_307] {strides = array<i32>} : memref<128x64xf32, #tpu.memory_space<vmem>>, vector<1x16xf32>,
        %parallel_loop3A_309 = vector.shape_cast %parallel_loop3A_308 : vector<1x16xf32> to vector<16xf32>
        %parallel_loop3A_310 = arith.constant 8.000000e+00 : f32
        %parallel_loop3A_311 = vector.broadcast %parallel_loop3A_310 : f32 to vector<16xf32>
        %parallel_loop3A_312 = arith.mulf %parallel_loop3A_309, %parallel_loop3A_311 : vector<16xf32>
        %parallel_loop3A_313 = arith.index_cast %parallel_loop3A_281 : i32 to index
        %parallel_loop3A_314 = arith.constant 32 : index
        %parallel_loop3A_315 = tpu.vector_load %arg11[%parallel_loop3A_313, %parallel_loop3A_314] {strides = array<i32>} : memref<128x64xf32, #tpu.memory_space<vmem>>, vector<1x16xf32>,
        %parallel_loop3A_316 = vector.shape_cast %parallel_loop3A_315 : vector<1x16xf32> to vector<16xf32>
        %parallel_loop3A_317 = vector.shape_cast %parallel_loop3A_312 : vector<16xf32> to vector<1x16xf32>
        tpu.vector_store %arg11[%parallel_loop3A_313, %parallel_loop3A_314], %parallel_loop3A_317 {strides = array<i32>} : memref<128x64xf32, #tpu.memory_space<vmem>>, vector<1x16xf32>,
        %parallel_loop3A_318 = arith.index_cast %parallel_loop3A_281 : i32 to index
        %parallel_loop3A_319 = arith.constant 48 : index
        %parallel_loop3A_320 = tpu.vector_load %arg7[%parallel_loop3A_318, %parallel_loop3A_319] {strides = array<i32>} : memref<128x64xf32, #tpu.memory_space<vmem>>, vector<1x16xf32>,
        %parallel_loop3A_321 = vector.shape_cast %parallel_loop3A_320 : vector<1x16xf32> to vector<16xf32>
        %parallel_loop3A_322 = arith.constant 8.000000e+00 : f32
        %parallel_loop3A_323 = vector.broadcast %parallel_loop3A_322 : f32 to vector<16xf32>
        %parallel_loop3A_324 = arith.mulf %parallel_loop3A_321, %parallel_loop3A_323 : vector<16xf32>
        %parallel_loop3A_325 = arith.index_cast %parallel_loop3A_281 : i32 to index
        %parallel_loop3A_326 = arith.constant 48 : index
        %parallel_loop3A_327 = tpu.vector_load %arg11[%parallel_loop3A_325, %parallel_loop3A_326] {strides = array<i32>} : memref<128x64xf32, #tpu.memory_space<vmem>>, vector<1x16xf32>,
        %parallel_loop3A_328 = vector.shape_cast %parallel_loop3A_327 : vector<1x16xf32> to vector<16xf32>
        %parallel_loop3A_329 = vector.shape_cast %parallel_loop3A_324 : vector<16xf32> to vector<1x16xf32>
        tpu.vector_store %arg11[%parallel_loop3A_325, %parallel_loop3A_326], %parallel_loop3A_329 {strides = array<i32>} : memref<128x64xf32, #tpu.memory_space<vmem>>, vector<1x16xf32>,
        %parallel_loop3A_330 = arith.constant 4 : i32
        %parallel_loop3A_331 = arith.muli %parallel_loop3A_173, %parallel_loop3A_330 : i32
        %parallel_loop3A_332 = arith.constant 3 : i32
        %parallel_loop3A_333 = arith.addi %parallel_loop3A_331, %parallel_loop3A_332 : i32
        %parallel_loop3A_334 = arith.index_cast %parallel_loop3A_333 : i32 to index
        %parallel_loop3A_335 = arith.constant 0 : index
        %parallel_loop3A_336 = tpu.vector_load %arg7[%parallel_loop3A_334, %parallel_loop3A_335] {strides = array<i32>} : memref<128x64xf32, #tpu.memory_space<vmem>>, vector<1x16xf32>,
        %parallel_loop3A_337 = vector.shape_cast %parallel_loop3A_336 : vector<1x16xf32> to vector<16xf32>
        %parallel_loop3A_338 = arith.constant 8.000000e+00 : f32
        %parallel_loop3A_339 = vector.broadcast %parallel_loop3A_338 : f32 to vector<16xf32>
        %parallel_loop3A_340 = arith.mulf %parallel_loop3A_337, %parallel_loop3A_339 : vector<16xf32>
        %parallel_loop3A_341 = arith.index_cast %parallel_loop3A_333 : i32 to index
        %parallel_loop3A_342 = arith.constant 0 : index
        %parallel_loop3A_343 = tpu.vector_load %arg11[%parallel_loop3A_341, %parallel_loop3A_342] {strides = array<i32>} : memref<128x64xf32, #tpu.memory_space<vmem>>, vector<1x16xf32>,
        %parallel_loop3A_344 = vector.shape_cast %parallel_loop3A_343 : vector<1x16xf32> to vector<16xf32>
        %parallel_loop3A_345 = vector.shape_cast %parallel_loop3A_340 : vector<16xf32> to vector<1x16xf32>
        tpu.vector_store %arg11[%parallel_loop3A_341, %parallel_loop3A_342], %parallel_loop3A_345 {strides = array<i32>} : memref<128x64xf32, #tpu.memory_space<vmem>>, vector<1x16xf32>,
        %parallel_loop3A_346 = arith.index_cast %parallel_loop3A_333 : i32 to index
        %parallel_loop3A_347 = arith.constant 16 : index
        %parallel_loop3A_348 = tpu.vector_load %arg7[%parallel_loop3A_346, %parallel_loop3A_347] {strides = array<i32>} : memref<128x64xf32, #tpu.memory_space<vmem>>, vector<1x16xf32>,
        %parallel_loop3A_349 = vector.shape_cast %parallel_loop3A_348 : vector<1x16xf32> to vector<16xf32>
        %parallel_loop3A_350 = arith.constant 8.000000e+00 : f32
        %parallel_loop3A_351 = vector.broadcast %parallel_loop3A_350 : f32 to vector<16xf32>
        %parallel_loop3A_352 = arith.mulf %parallel_loop3A_349, %parallel_loop3A_351 : vector<16xf32>
        %parallel_loop3A_353 = arith.index_cast %parallel_loop3A_333 : i32 to index
        %parallel_loop3A_354 = arith.constant 16 : index
        %parallel_loop3A_355 = tpu.vector_load %arg11[%parallel_loop3A_353, %parallel_loop3A_354] {strides = array<i32>} : memref<128x64xf32, #tpu.memory_space<vmem>>, vector<1x16xf32>,
        %parallel_loop3A_356 = vector.shape_cast %parallel_loop3A_355 : vector<1x16xf32> to vector<16xf32>
        %parallel_loop3A_357 = vector.shape_cast %parallel_loop3A_352 : vector<16xf32> to vector<1x16xf32>
        tpu.vector_store %arg11[%parallel_loop3A_353, %parallel_loop3A_354], %parallel_loop3A_357 {strides = array<i32>} : memref<128x64xf32, #tpu.memory_space<vmem>>, vector<1x16xf32>,
        %parallel_loop3A_358 = arith.index_cast %parallel_loop3A_333 : i32 to index
        %parallel_loop3A_359 = arith.constant 32 : index
        %parallel_loop3A_360 = tpu.vector_load %arg7[%parallel_loop3A_358, %parallel_loop3A_359] {strides = array<i32>} : memref<128x64xf32, #tpu.memory_space<vmem>>, vector<1x16xf32>,
        %parallel_loop3A_361 = vector.shape_cast %parallel_loop3A_360 : vector<1x16xf32> to vector<16xf32>
        %parallel_loop3A_362 = arith.constant 8.000000e+00 : f32
        %parallel_loop3A_363 = vector.broadcast %parallel_loop3A_362 : f32 to vector<16xf32>
        %parallel_loop3A_364 = arith.mulf %parallel_loop3A_361, %parallel_loop3A_363 : vector<16xf32>
        %parallel_loop3A_365 = arith.index_cast %parallel_loop3A_333 : i32 to index
        %parallel_loop3A_366 = arith.constant 32 : index
        %parallel_loop3A_367 = tpu.vector_load %arg11[%parallel_loop3A_365, %parallel_loop3A_366] {strides = array<i32>} : memref<128x64xf32, #tpu.memory_space<vmem>>, vector<1x16xf32>,
        %parallel_loop3A_368 = vector.shape_cast %parallel_loop3A_367 : vector<1x16xf32> to vector<16xf32>
        %parallel_loop3A_369 = vector.shape_cast %parallel_loop3A_364 : vector<16xf32> to vector<1x16xf32>
        tpu.vector_store %arg11[%parallel_loop3A_365, %parallel_loop3A_366], %parallel_loop3A_369 {strides = array<i32>} : memref<128x64xf32, #tpu.memory_space<vmem>>, vector<1x16xf32>,
        %parallel_loop3A_370 = arith.index_cast %parallel_loop3A_333 : i32 to index
        %parallel_loop3A_371 = arith.constant 48 : index
        %parallel_loop3A_372 = tpu.vector_load %arg7[%parallel_loop3A_370, %parallel_loop3A_371] {strides = array<i32>} : memref<128x64xf32, #tpu.memory_space<vmem>>, vector<1x16xf32>,
        %parallel_loop3A_373 = vector.shape_cast %parallel_loop3A_372 : vector<1x16xf32> to vector<16xf32>
        %parallel_loop3A_374 = arith.constant 8.000000e+00 : f32
        %parallel_loop3A_375 = vector.broadcast %parallel_loop3A_374 : f32 to vector<16xf32>
        %parallel_loop3A_376 = arith.mulf %parallel_loop3A_373, %parallel_loop3A_375 : vector<16xf32>
        %parallel_loop3A_377 = arith.index_cast %parallel_loop3A_333 : i32 to index
        %parallel_loop3A_378 = arith.constant 48 : index
        %parallel_loop3A_379 = tpu.vector_load %arg11[%parallel_loop3A_377, %parallel_loop3A_378] {strides = array<i32>} : memref<128x64xf32, #tpu.memory_space<vmem>>, vector<1x16xf32>,
        %parallel_loop3A_380 = vector.shape_cast %parallel_loop3A_379 : vector<1x16xf32> to vector<16xf32>
        %parallel_loop3A_381 = vector.shape_cast %parallel_loop3A_376 : vector<16xf32> to vector<1x16xf32>
        tpu.vector_store %arg11[%parallel_loop3A_377, %parallel_loop3A_378], %parallel_loop3A_381 {strides = array<i32>} : memref<128x64xf32, #tpu.memory_space<vmem>>, vector<1x16xf32>,
      } {sc.loop_unroll_factor = 4 : i64, sc.parallel_access}
      %mul3A_95 = arith.constant 128 : i32
      %mul3A_96 = arith.muli %add3A_80, %mul3A_95 : i32
      %add3A_97 = arith.addi %mul3A_2, %mul3A_96 : i32
      %dma_start3A_98 = arith.constant 0 : i32
      %dma_start3A_99 = tpu.memref_slice %arg4[%add3A_97, %dma_start3A_98] : memref<819200x64xf32, #tpu.memory_space<hbm>> -> memref<128x64xf32, #tpu.memory_space<hbm>>
      %dma_start3A_100 = arith.constant 0 : i32
      %dma_start3A_101 = tpu.memref_slice %arg4[%add3A_97, %dma_start3A_100] : memref<819200x64xf32, #tpu.memory_space<hbm>> -> memref<128x64xf32, #tpu.memory_space<hbm>>
      tpu.enqueue_dma source(%arg11 : memref<128x64xf32, #tpu.memory_space<vmem>>) target(%dma_start3A_101 : memref<128x64xf32, #tpu.memory_space<hbm>>) target_semaphore(%arg19 : memref<!tpu.dma_semaphore, #tpu.memory_space<semaphore_mem>>)
      %add3A_102 = arith.constant 1 : i32
      %add3A_103 = arith.addi %scan3A_49, %add3A_102 : i32
      %lt3A_104 = arith.constant 50 : i32
      %lt3A_105 = arith.cmpi slt, %add3A_103, %lt3A_104 : i32
      %convert_element_type3A_106 = arith.extui %lt3A_105 : i1 to i32
      %cond3A_107 = arith.constant 0 : i32
      %cond3A_108 = arith.cmpi ne, %convert_element_type3A_106, %cond3A_107 : i32
      scf.if %cond3A_108 {
        %add3A_173 = arith.constant 4 : i32
        %add3A_174 = arith.addi %add3A_80, %add3A_173 : i32
        %mul3A_175 = arith.constant 128 : i32
        %mul3A_176 = arith.muli %add3A_174, %mul3A_175 : i32
        %dma_start3A_177 = tpu.memref_slice %arg5[%mul3A_176] : memref<25600xi32, #tpu.memory_space<vmem>> -> memref<128xi32, #tpu.memory_space<vmem>>
        %dma_start3A_178 = arith.constant 0 : i32
        %dma_start3A_179 = arith.constant 0 : i32
        %dma_start3A_180 = tpu.memref_slice %arg3[%dma_start3A_178, %dma_start3A_179] : memref<1000000x64xf32, #tpu.memory_space<hbm>> -> memref<1000000x64xf32, #tpu.memory_space<hbm>>
        tpu.enqueue_indirect_dma source(%dma_start3A_180 : memref<1000000x64xf32, #tpu.memory_space<hbm>>) target(%arg7 : memref<128x64xf32, #tpu.memory_space<vmem>>) offsets(%dma_start3A_177 : memref<128xi32, #tpu.memory_space<vmem>>) semaphore(%arg15 : memref<!tpu.dma_semaphore, #tpu.memory_space<semaphore_mem>>)
      } else {
      }
      %mul3A_109 = arith.constant 4 : i32
      %mul3A_110 = arith.muli %scan3A_49, %mul3A_109 : i32
      %add3A_111 = arith.constant 2 : i32
      %add3A_112 = arith.addi %mul3A_110, %add3A_111 : i32
      %mul3A_113 = arith.constant 128 : i32
      %mul3A_114 = arith.muli %add3A_112, %mul3A_113 : i32
      %dma_wait3A_115 = tpu.memref_slice %arg5[%mul3A_114] : memref<25600xi32, #tpu.memory_space<vmem>> -> memref<128xi32, #tpu.memory_space<vmem>>
      %dma_wait3A_116 = arith.constant 0 : i32
      %dma_wait3A_117 = arith.constant 0 : i32
      %dma_wait3A_118 = tpu.memref_slice %arg3[%dma_wait3A_116, %dma_wait3A_117] : memref<1000000x64xf32, #tpu.memory_space<hbm>> -> memref<1000000x64xf32, #tpu.memory_space<hbm>>
      tpu.wait_indirect_dma semaphore(%arg16 : memref<!tpu.dma_semaphore, #tpu.memory_space<semaphore_mem>>) src(%dma_wait3A_118 : memref<1000000x64xf32, #tpu.memory_space<hbm>>) dst(%arg8 : memref<128x64xf32, #tpu.memory_space<vmem>>)
      %gt3A_119 = arith.constant 0 : i32
      %gt3A_120 = arith.cmpi sgt, %scan3A_49, %gt3A_119 : i32
      %convert_element_type3A_121 = arith.extui %gt3A_120 : i1 to i32
      %cond3A_122 = arith.constant 0 : i32
      %cond3A_123 = arith.cmpi ne, %convert_element_type3A_121, %cond3A_122 : i32
      scf.if %cond3A_123 {
        %mul3A_173 = arith.constant 128 : i32
        %mul3A_174 = arith.muli %add3A_112, %mul3A_173 : i32
        %add3A_175 = arith.addi %mul3A_2, %mul3A_174 : i32
        %dma_wait3A_176 = arith.constant 0 : i32
        %dma_wait3A_177 = tpu.memref_slice %arg4[%add3A_175, %dma_wait3A_176] : memref<819200x64xf32, #tpu.memory_space<hbm>> -> memref<128x64xf32, #tpu.memory_space<hbm>>
        %dma_wait3A_178 = arith.constant 0 : i32
        %dma_wait3A_179 = tpu.memref_slice %arg4[%add3A_175, %dma_wait3A_178] : memref<819200x64xf32, #tpu.memory_space<hbm>> -> memref<128x64xf32, #tpu.memory_space<hbm>>
        tpu.wait_dma2 semaphore(%arg20 : memref<!tpu.dma_semaphore, #tpu.memory_space<semaphore_mem>>) src(%arg12 : memref<128x64xf32, #tpu.memory_space<vmem>>) dst(%dma_wait3A_179 : memref<128x64xf32, #tpu.memory_space<hbm>>)
      } else {
      }
      %parallel_loop3A_124 = arith.constant 0 : i32
      %parallel_loop3A_125 = arith.constant 32 : i32
      %parallel_loop3A_126 = arith.constant 1 : i32
      scf.for %parallel_loop3A_173 = %parallel_loop3A_124 to %parallel_loop3A_125 step %parallel_loop3A_126  : i32 {
        %parallel_loop3A_174 = arith.constant 4 : i32
        %parallel_loop3A_175 = arith.muli %parallel_loop3A_173, %parallel_loop3A_174 : i32
        %parallel_loop3A_176 = arith.constant 0 : i32
        %parallel_loop3A_177 = arith.addi %parallel_loop3A_175, %parallel_loop3A_176 : i32
        %parallel_loop3A_178 = arith.index_cast %parallel_loop3A_177 : i32 to index
        %parallel_loop3A_179 = arith.constant 0 : index
        %parallel_loop3A_180 = tpu.vector_load %arg8[%parallel_loop3A_178, %parallel_loop3A_179] {strides = array<i32>} : memref<128x64xf32, #tpu.memory_space<vmem>>, vector<1x16xf32>,
        %parallel_loop3A_181 = vector.shape_cast %parallel_loop3A_180 : vector<1x16xf32> to vector<16xf32>
        %parallel_loop3A_182 = arith.constant 8.000000e+00 : f32
        %parallel_loop3A_183 = vector.broadcast %parallel_loop3A_182 : f32 to vector<16xf32>
        %parallel_loop3A_184 = arith.mulf %parallel_loop3A_181, %parallel_loop3A_183 : vector<16xf32>
        %parallel_loop3A_185 = arith.index_cast %parallel_loop3A_177 : i32 to index
        %parallel_loop3A_186 = arith.constant 0 : index
        %parallel_loop3A_187 = tpu.vector_load %arg12[%parallel_loop3A_185, %parallel_loop3A_186] {strides = array<i32>} : memref<128x64xf32, #tpu.memory_space<vmem>>, vector<1x16xf32>,
        %parallel_loop3A_188 = vector.shape_cast %parallel_loop3A_187 : vector<1x16xf32> to vector<16xf32>
        %parallel_loop3A_189 = vector.shape_cast %parallel_loop3A_184 : vector<16xf32> to vector<1x16xf32>
        tpu.vector_store %arg12[%parallel_loop3A_185, %parallel_loop3A_186], %parallel_loop3A_189 {strides = array<i32>} : memref<128x64xf32, #tpu.memory_space<vmem>>, vector<1x16xf32>,
        %parallel_loop3A_190 = arith.index_cast %parallel_loop3A_177 : i32 to index
        %parallel_loop3A_191 = arith.constant 16 : index
        %parallel_loop3A_192 = tpu.vector_load %arg8[%parallel_loop3A_190, %parallel_loop3A_191] {strides = array<i32>} : memref<128x64xf32, #tpu.memory_space<vmem>>, vector<1x16xf32>,
        %parallel_loop3A_193 = vector.shape_cast %parallel_loop3A_192 : vector<1x16xf32> to vector<16xf32>
        %parallel_loop3A_194 = arith.constant 8.000000e+00 : f32
        %parallel_loop3A_195 = vector.broadcast %parallel_loop3A_194 : f32 to vector<16xf32>
        %parallel_loop3A_196 = arith.mulf %parallel_loop3A_193, %parallel_loop3A_195 : vector<16xf32>
        %parallel_loop3A_197 = arith.index_cast %parallel_loop3A_177 : i32 to index
        %parallel_loop3A_198 = arith.constant 16 : index
        %parallel_loop3A_199 = tpu.vector_load %arg12[%parallel_loop3A_197, %parallel_loop3A_198] {strides = array<i32>} : memref<128x64xf32, #tpu.memory_space<vmem>>, vector<1x16xf32>,
        %parallel_loop3A_200 = vector.shape_cast %parallel_loop3A_199 : vector<1x16xf32> to vector<16xf32>
        %parallel_loop3A_201 = vector.shape_cast %parallel_loop3A_196 : vector<16xf32> to vector<1x16xf32>
        tpu.vector_store %arg12[%parallel_loop3A_197, %parallel_loop3A_198], %parallel_loop3A_201 {strides = array<i32>} : memref<128x64xf32, #tpu.memory_space<vmem>>, vector<1x16xf32>,
        %parallel_loop3A_202 = arith.index_cast %parallel_loop3A_177 : i32 to index
        %parallel_loop3A_203 = arith.constant 32 : index
        %parallel_loop3A_204 = tpu.vector_load %arg8[%parallel_loop3A_202, %parallel_loop3A_203] {strides = array<i32>} : memref<128x64xf32, #tpu.memory_space<vmem>>, vector<1x16xf32>,
        %parallel_loop3A_205 = vector.shape_cast %parallel_loop3A_204 : vector<1x16xf32> to vector<16xf32>
        %parallel_loop3A_206 = arith.constant 8.000000e+00 : f32
        %parallel_loop3A_207 = vector.broadcast %parallel_loop3A_206 : f32 to vector<16xf32>
        %parallel_loop3A_208 = arith.mulf %parallel_loop3A_205, %parallel_loop3A_207 : vector<16xf32>
        %parallel_loop3A_209 = arith.index_cast %parallel_loop3A_177 : i32 to index
        %parallel_loop3A_210 = arith.constant 32 : index
        %parallel_loop3A_211 = tpu.vector_load %arg12[%parallel_loop3A_209, %parallel_loop3A_210] {strides = array<i32>} : memref<128x64xf32, #tpu.memory_space<vmem>>, vector<1x16xf32>,
        %parallel_loop3A_212 = vector.shape_cast %parallel_loop3A_211 : vector<1x16xf32> to vector<16xf32>
        %parallel_loop3A_213 = vector.shape_cast %parallel_loop3A_208 : vector<16xf32> to vector<1x16xf32>
        tpu.vector_store %arg12[%parallel_loop3A_209, %parallel_loop3A_210], %parallel_loop3A_213 {strides = array<i32>} : memref<128x64xf32, #tpu.memory_space<vmem>>, vector<1x16xf32>,
        %parallel_loop3A_214 = arith.index_cast %parallel_loop3A_177 : i32 to index
        %parallel_loop3A_215 = arith.constant 48 : index
        %parallel_loop3A_216 = tpu.vector_load %arg8[%parallel_loop3A_214, %parallel_loop3A_215] {strides = array<i32>} : memref<128x64xf32, #tpu.memory_space<vmem>>, vector<1x16xf32>,
        %parallel_loop3A_217 = vector.shape_cast %parallel_loop3A_216 : vector<1x16xf32> to vector<16xf32>
        %parallel_loop3A_218 = arith.constant 8.000000e+00 : f32
        %parallel_loop3A_219 = vector.broadcast %parallel_loop3A_218 : f32 to vector<16xf32>
        %parallel_loop3A_220 = arith.mulf %parallel_loop3A_217, %parallel_loop3A_219 : vector<16xf32>
        %parallel_loop3A_221 = arith.index_cast %parallel_loop3A_177 : i32 to index
        %parallel_loop3A_222 = arith.constant 48 : index
        %parallel_loop3A_223 = tpu.vector_load %arg12[%parallel_loop3A_221, %parallel_loop3A_222] {strides = array<i32>} : memref<128x64xf32, #tpu.memory_space<vmem>>, vector<1x16xf32>,
        %parallel_loop3A_224 = vector.shape_cast %parallel_loop3A_223 : vector<1x16xf32> to vector<16xf32>
        %parallel_loop3A_225 = vector.shape_cast %parallel_loop3A_220 : vector<16xf32> to vector<1x16xf32>
        tpu.vector_store %arg12[%parallel_loop3A_221, %parallel_loop3A_222], %parallel_loop3A_225 {strides = array<i32>} : memref<128x64xf32, #tpu.memory_space<vmem>>, vector<1x16xf32>,
        %parallel_loop3A_226 = arith.constant 4 : i32
        %parallel_loop3A_227 = arith.muli %parallel_loop3A_173, %parallel_loop3A_226 : i32
        %parallel_loop3A_228 = arith.constant 1 : i32
        %parallel_loop3A_229 = arith.addi %parallel_loop3A_227, %parallel_loop3A_228 : i32
        %parallel_loop3A_230 = arith.index_cast %parallel_loop3A_229 : i32 to index
        %parallel_loop3A_231 = arith.constant 0 : index
        %parallel_loop3A_232 = tpu.vector_load %arg8[%parallel_loop3A_230, %parallel_loop3A_231] {strides = array<i32>} : memref<128x64xf32, #tpu.memory_space<vmem>>, vector<1x16xf32>,
        %parallel_loop3A_233 = vector.shape_cast %parallel_loop3A_232 : vector<1x16xf32> to vector<16xf32>
        %parallel_loop3A_234 = arith.constant 8.000000e+00 : f32
        %parallel_loop3A_235 = vector.broadcast %parallel_loop3A_234 : f32 to vector<16xf32>
        %parallel_loop3A_236 = arith.mulf %parallel_loop3A_233, %parallel_loop3A_235 : vector<16xf32>
        %parallel_loop3A_237 = arith.index_cast %parallel_loop3A_229 : i32 to index
        %parallel_loop3A_238 = arith.constant 0 : index
        %parallel_loop3A_239 = tpu.vector_load %arg12[%parallel_loop3A_237, %parallel_loop3A_238] {strides = array<i32>} : memref<128x64xf32, #tpu.memory_space<vmem>>, vector<1x16xf32>,
        %parallel_loop3A_240 = vector.shape_cast %parallel_loop3A_239 : vector<1x16xf32> to vector<16xf32>
        %parallel_loop3A_241 = vector.shape_cast %parallel_loop3A_236 : vector<16xf32> to vector<1x16xf32>
        tpu.vector_store %arg12[%parallel_loop3A_237, %parallel_loop3A_238], %parallel_loop3A_241 {strides = array<i32>} : memref<128x64xf32, #tpu.memory_space<vmem>>, vector<1x16xf32>,
        %parallel_loop3A_242 = arith.index_cast %parallel_loop3A_229 : i32 to index
        %parallel_loop3A_243 = arith.constant 16 : index
        %parallel_loop3A_244 = tpu.vector_load %arg8[%parallel_loop3A_242, %parallel_loop3A_243] {strides = array<i32>} : memref<128x64xf32, #tpu.memory_space<vmem>>, vector<1x16xf32>,
        %parallel_loop3A_245 = vector.shape_cast %parallel_loop3A_244 : vector<1x16xf32> to vector<16xf32>
        %parallel_loop3A_246 = arith.constant 8.000000e+00 : f32
        %parallel_loop3A_247 = vector.broadcast %parallel_loop3A_246 : f32 to vector<16xf32>
        %parallel_loop3A_248 = arith.mulf %parallel_loop3A_245, %parallel_loop3A_247 : vector<16xf32>
        %parallel_loop3A_249 = arith.index_cast %parallel_loop3A_229 : i32 to index
        %parallel_loop3A_250 = arith.constant 16 : index
        %parallel_loop3A_251 = tpu.vector_load %arg12[%parallel_loop3A_249, %parallel_loop3A_250] {strides = array<i32>} : memref<128x64xf32, #tpu.memory_space<vmem>>, vector<1x16xf32>,
        %parallel_loop3A_252 = vector.shape_cast %parallel_loop3A_251 : vector<1x16xf32> to vector<16xf32>
        %parallel_loop3A_253 = vector.shape_cast %parallel_loop3A_248 : vector<16xf32> to vector<1x16xf32>
        tpu.vector_store %arg12[%parallel_loop3A_249, %parallel_loop3A_250], %parallel_loop3A_253 {strides = array<i32>} : memref<128x64xf32, #tpu.memory_space<vmem>>, vector<1x16xf32>,
        %parallel_loop3A_254 = arith.index_cast %parallel_loop3A_229 : i32 to index
        %parallel_loop3A_255 = arith.constant 32 : index
        %parallel_loop3A_256 = tpu.vector_load %arg8[%parallel_loop3A_254, %parallel_loop3A_255] {strides = array<i32>} : memref<128x64xf32, #tpu.memory_space<vmem>>, vector<1x16xf32>,
        %parallel_loop3A_257 = vector.shape_cast %parallel_loop3A_256 : vector<1x16xf32> to vector<16xf32>
        %parallel_loop3A_258 = arith.constant 8.000000e+00 : f32
        %parallel_loop3A_259 = vector.broadcast %parallel_loop3A_258 : f32 to vector<16xf32>
        %parallel_loop3A_260 = arith.mulf %parallel_loop3A_257, %parallel_loop3A_259 : vector<16xf32>
        %parallel_loop3A_261 = arith.index_cast %parallel_loop3A_229 : i32 to index
        %parallel_loop3A_262 = arith.constant 32 : index
        %parallel_loop3A_263 = tpu.vector_load %arg12[%parallel_loop3A_261, %parallel_loop3A_262] {strides = array<i32>} : memref<128x64xf32, #tpu.memory_space<vmem>>, vector<1x16xf32>,
        %parallel_loop3A_264 = vector.shape_cast %parallel_loop3A_263 : vector<1x16xf32> to vector<16xf32>
        %parallel_loop3A_265 = vector.shape_cast %parallel_loop3A_260 : vector<16xf32> to vector<1x16xf32>
        tpu.vector_store %arg12[%parallel_loop3A_261, %parallel_loop3A_262], %parallel_loop3A_265 {strides = array<i32>} : memref<128x64xf32, #tpu.memory_space<vmem>>, vector<1x16xf32>,
        %parallel_loop3A_266 = arith.index_cast %parallel_loop3A_229 : i32 to index
        %parallel_loop3A_267 = arith.constant 48 : index
        %parallel_loop3A_268 = tpu.vector_load %arg8[%parallel_loop3A_266, %parallel_loop3A_267] {strides = array<i32>} : memref<128x64xf32, #tpu.memory_space<vmem>>, vector<1x16xf32>,
        %parallel_loop3A_269 = vector.shape_cast %parallel_loop3A_268 : vector<1x16xf32> to vector<16xf32>
        %parallel_loop3A_270 = arith.constant 8.000000e+00 : f32
        %parallel_loop3A_271 = vector.broadcast %parallel_loop3A_270 : f32 to vector<16xf32>
        %parallel_loop3A_272 = arith.mulf %parallel_loop3A_269, %parallel_loop3A_271 : vector<16xf32>
        %parallel_loop3A_273 = arith.index_cast %parallel_loop3A_229 : i32 to index
        %parallel_loop3A_274 = arith.constant 48 : index
        %parallel_loop3A_275 = tpu.vector_load %arg12[%parallel_loop3A_273, %parallel_loop3A_274] {strides = array<i32>} : memref<128x64xf32, #tpu.memory_space<vmem>>, vector<1x16xf32>,
        %parallel_loop3A_276 = vector.shape_cast %parallel_loop3A_275 : vector<1x16xf32> to vector<16xf32>
        %parallel_loop3A_277 = vector.shape_cast %parallel_loop3A_272 : vector<16xf32> to vector<1x16xf32>
        tpu.vector_store %arg12[%parallel_loop3A_273, %parallel_loop3A_274], %parallel_loop3A_277 {strides = array<i32>} : memref<128x64xf32, #tpu.memory_space<vmem>>, vector<1x16xf32>,
        %parallel_loop3A_278 = arith.constant 4 : i32
        %parallel_loop3A_279 = arith.muli %parallel_loop3A_173, %parallel_loop3A_278 : i32
        %parallel_loop3A_280 = arith.constant 2 : i32
        %parallel_loop3A_281 = arith.addi %parallel_loop3A_279, %parallel_loop3A_280 : i32
        %parallel_loop3A_282 = arith.index_cast %parallel_loop3A_281 : i32 to index
        %parallel_loop3A_283 = arith.constant 0 : index
        %parallel_loop3A_284 = tpu.vector_load %arg8[%parallel_loop3A_282, %parallel_loop3A_283] {strides = array<i32>} : memref<128x64xf32, #tpu.memory_space<vmem>>, vector<1x16xf32>,
        %parallel_loop3A_285 = vector.shape_cast %parallel_loop3A_284 : vector<1x16xf32> to vector<16xf32>
        %parallel_loop3A_286 = arith.constant 8.000000e+00 : f32
        %parallel_loop3A_287 = vector.broadcast %parallel_loop3A_286 : f32 to vector<16xf32>
        %parallel_loop3A_288 = arith.mulf %parallel_loop3A_285, %parallel_loop3A_287 : vector<16xf32>
        %parallel_loop3A_289 = arith.index_cast %parallel_loop3A_281 : i32 to index
        %parallel_loop3A_290 = arith.constant 0 : index
        %parallel_loop3A_291 = tpu.vector_load %arg12[%parallel_loop3A_289, %parallel_loop3A_290] {strides = array<i32>} : memref<128x64xf32, #tpu.memory_space<vmem>>, vector<1x16xf32>,
        %parallel_loop3A_292 = vector.shape_cast %parallel_loop3A_291 : vector<1x16xf32> to vector<16xf32>
        %parallel_loop3A_293 = vector.shape_cast %parallel_loop3A_288 : vector<16xf32> to vector<1x16xf32>
        tpu.vector_store %arg12[%parallel_loop3A_289, %parallel_loop3A_290], %parallel_loop3A_293 {strides = array<i32>} : memref<128x64xf32, #tpu.memory_space<vmem>>, vector<1x16xf32>,
        %parallel_loop3A_294 = arith.index_cast %parallel_loop3A_281 : i32 to index
        %parallel_loop3A_295 = arith.constant 16 : index
        %parallel_loop3A_296 = tpu.vector_load %arg8[%parallel_loop3A_294, %parallel_loop3A_295] {strides = array<i32>} : memref<128x64xf32, #tpu.memory_space<vmem>>, vector<1x16xf32>,
        %parallel_loop3A_297 = vector.shape_cast %parallel_loop3A_296 : vector<1x16xf32> to vector<16xf32>
        %parallel_loop3A_298 = arith.constant 8.000000e+00 : f32
        %parallel_loop3A_299 = vector.broadcast %parallel_loop3A_298 : f32 to vector<16xf32>
        %parallel_loop3A_300 = arith.mulf %parallel_loop3A_297, %parallel_loop3A_299 : vector<16xf32>
        %parallel_loop3A_301 = arith.index_cast %parallel_loop3A_281 : i32 to index
        %parallel_loop3A_302 = arith.constant 16 : index
        %parallel_loop3A_303 = tpu.vector_load %arg12[%parallel_loop3A_301, %parallel_loop3A_302] {strides = array<i32>} : memref<128x64xf32, #tpu.memory_space<vmem>>, vector<1x16xf32>,
        %parallel_loop3A_304 = vector.shape_cast %parallel_loop3A_303 : vector<1x16xf32> to vector<16xf32>
        %parallel_loop3A_305 = vector.shape_cast %parallel_loop3A_300 : vector<16xf32> to vector<1x16xf32>
        tpu.vector_store %arg12[%parallel_loop3A_301, %parallel_loop3A_302], %parallel_loop3A_305 {strides = array<i32>} : memref<128x64xf32, #tpu.memory_space<vmem>>, vector<1x16xf32>,
        %parallel_loop3A_306 = arith.index_cast %parallel_loop3A_281 : i32 to index
        %parallel_loop3A_307 = arith.constant 32 : index
        %parallel_loop3A_308 = tpu.vector_load %arg8[%parallel_loop3A_306, %parallel_loop3A_307] {strides = array<i32>} : memref<128x64xf32, #tpu.memory_space<vmem>>, vector<1x16xf32>,
        %parallel_loop3A_309 = vector.shape_cast %parallel_loop3A_308 : vector<1x16xf32> to vector<16xf32>
        %parallel_loop3A_310 = arith.constant 8.000000e+00 : f32
        %parallel_loop3A_311 = vector.broadcast %parallel_loop3A_310 : f32 to vector<16xf32>
        %parallel_loop3A_312 = arith.mulf %parallel_loop3A_309, %parallel_loop3A_311 : vector<16xf32>
        %parallel_loop3A_313 = arith.index_cast %parallel_loop3A_281 : i32 to index
        %parallel_loop3A_314 = arith.constant 32 : index
        %parallel_loop3A_315 = tpu.vector_load %arg12[%parallel_loop3A_313, %parallel_loop3A_314] {strides = array<i32>} : memref<128x64xf32, #tpu.memory_space<vmem>>, vector<1x16xf32>,
        %parallel_loop3A_316 = vector.shape_cast %parallel_loop3A_315 : vector<1x16xf32> to vector<16xf32>
        %parallel_loop3A_317 = vector.shape_cast %parallel_loop3A_312 : vector<16xf32> to vector<1x16xf32>
        tpu.vector_store %arg12[%parallel_loop3A_313, %parallel_loop3A_314], %parallel_loop3A_317 {strides = array<i32>} : memref<128x64xf32, #tpu.memory_space<vmem>>, vector<1x16xf32>,
        %parallel_loop3A_318 = arith.index_cast %parallel_loop3A_281 : i32 to index
        %parallel_loop3A_319 = arith.constant 48 : index
        %parallel_loop3A_320 = tpu.vector_load %arg8[%parallel_loop3A_318, %parallel_loop3A_319] {strides = array<i32>} : memref<128x64xf32, #tpu.memory_space<vmem>>, vector<1x16xf32>,
        %parallel_loop3A_321 = vector.shape_cast %parallel_loop3A_320 : vector<1x16xf32> to vector<16xf32>
        %parallel_loop3A_322 = arith.constant 8.000000e+00 : f32
        %parallel_loop3A_323 = vector.broadcast %parallel_loop3A_322 : f32 to vector<16xf32>
        %parallel_loop3A_324 = arith.mulf %parallel_loop3A_321, %parallel_loop3A_323 : vector<16xf32>
        %parallel_loop3A_325 = arith.index_cast %parallel_loop3A_281 : i32 to index
        %parallel_loop3A_326 = arith.constant 48 : index
        %parallel_loop3A_327 = tpu.vector_load %arg12[%parallel_loop3A_325, %parallel_loop3A_326] {strides = array<i32>} : memref<128x64xf32, #tpu.memory_space<vmem>>, vector<1x16xf32>,
        %parallel_loop3A_328 = vector.shape_cast %parallel_loop3A_327 : vector<1x16xf32> to vector<16xf32>
        %parallel_loop3A_329 = vector.shape_cast %parallel_loop3A_324 : vector<16xf32> to vector<1x16xf32>
        tpu.vector_store %arg12[%parallel_loop3A_325, %parallel_loop3A_326], %parallel_loop3A_329 {strides = array<i32>} : memref<128x64xf32, #tpu.memory_space<vmem>>, vector<1x16xf32>,
        %parallel_loop3A_330 = arith.constant 4 : i32
        %parallel_loop3A_331 = arith.muli %parallel_loop3A_173, %parallel_loop3A_330 : i32
        %parallel_loop3A_332 = arith.constant 3 : i32
        %parallel_loop3A_333 = arith.addi %parallel_loop3A_331, %parallel_loop3A_332 : i32
        %parallel_loop3A_334 = arith.index_cast %parallel_loop3A_333 : i32 to index
        %parallel_loop3A_335 = arith.constant 0 : index
        %parallel_loop3A_336 = tpu.vector_load %arg8[%parallel_loop3A_334, %parallel_loop3A_335] {strides = array<i32>} : memref<128x64xf32, #tpu.memory_space<vmem>>, vector<1x16xf32>,
        %parallel_loop3A_337 = vector.shape_cast %parallel_loop3A_336 : vector<1x16xf32> to vector<16xf32>
        %parallel_loop3A_338 = arith.constant 8.000000e+00 : f32
        %parallel_loop3A_339 = vector.broadcast %parallel_loop3A_338 : f32 to vector<16xf32>
        %parallel_loop3A_340 = arith.mulf %parallel_loop3A_337, %parallel_loop3A_339 : vector<16xf32>
        %parallel_loop3A_341 = arith.index_cast %parallel_loop3A_333 : i32 to index
        %parallel_loop3A_342 = arith.constant 0 : index
        %parallel_loop3A_343 = tpu.vector_load %arg12[%parallel_loop3A_341, %parallel_loop3A_342] {strides = array<i32>} : memref<128x64xf32, #tpu.memory_space<vmem>>, vector<1x16xf32>,
        %parallel_loop3A_344 = vector.shape_cast %parallel_loop3A_343 : vector<1x16xf32> to vector<16xf32>
        %parallel_loop3A_345 = vector.shape_cast %parallel_loop3A_340 : vector<16xf32> to vector<1x16xf32>
        tpu.vector_store %arg12[%parallel_loop3A_341, %parallel_loop3A_342], %parallel_loop3A_345 {strides = array<i32>} : memref<128x64xf32, #tpu.memory_space<vmem>>, vector<1x16xf32>,
        %parallel_loop3A_346 = arith.index_cast %parallel_loop3A_333 : i32 to index
        %parallel_loop3A_347 = arith.constant 16 : index
        %parallel_loop3A_348 = tpu.vector_load %arg8[%parallel_loop3A_346, %parallel_loop3A_347] {strides = array<i32>} : memref<128x64xf32, #tpu.memory_space<vmem>>, vector<1x16xf32>,
        %parallel_loop3A_349 = vector.shape_cast %parallel_loop3A_348 : vector<1x16xf32> to vector<16xf32>
        %parallel_loop3A_350 = arith.constant 8.000000e+00 : f32
        %parallel_loop3A_351 = vector.broadcast %parallel_loop3A_350 : f32 to vector<16xf32>
        %parallel_loop3A_352 = arith.mulf %parallel_loop3A_349, %parallel_loop3A_351 : vector<16xf32>
        %parallel_loop3A_353 = arith.index_cast %parallel_loop3A_333 : i32 to index
        %parallel_loop3A_354 = arith.constant 16 : index
        %parallel_loop3A_355 = tpu.vector_load %arg12[%parallel_loop3A_353, %parallel_loop3A_354] {strides = array<i32>} : memref<128x64xf32, #tpu.memory_space<vmem>>, vector<1x16xf32>,
        %parallel_loop3A_356 = vector.shape_cast %parallel_loop3A_355 : vector<1x16xf32> to vector<16xf32>
        %parallel_loop3A_357 = vector.shape_cast %parallel_loop3A_352 : vector<16xf32> to vector<1x16xf32>
        tpu.vector_store %arg12[%parallel_loop3A_353, %parallel_loop3A_354], %parallel_loop3A_357 {strides = array<i32>} : memref<128x64xf32, #tpu.memory_space<vmem>>, vector<1x16xf32>,
        %parallel_loop3A_358 = arith.index_cast %parallel_loop3A_333 : i32 to index
        %parallel_loop3A_359 = arith.constant 32 : index
        %parallel_loop3A_360 = tpu.vector_load %arg8[%parallel_loop3A_358, %parallel_loop3A_359] {strides = array<i32>} : memref<128x64xf32, #tpu.memory_space<vmem>>, vector<1x16xf32>,
        %parallel_loop3A_361 = vector.shape_cast %parallel_loop3A_360 : vector<1x16xf32> to vector<16xf32>
        %parallel_loop3A_362 = arith.constant 8.000000e+00 : f32
        %parallel_loop3A_363 = vector.broadcast %parallel_loop3A_362 : f32 to vector<16xf32>
        %parallel_loop3A_364 = arith.mulf %parallel_loop3A_361, %parallel_loop3A_363 : vector<16xf32>
        %parallel_loop3A_365 = arith.index_cast %parallel_loop3A_333 : i32 to index
        %parallel_loop3A_366 = arith.constant 32 : index
        %parallel_loop3A_367 = tpu.vector_load %arg12[%parallel_loop3A_365, %parallel_loop3A_366] {strides = array<i32>} : memref<128x64xf32, #tpu.memory_space<vmem>>, vector<1x16xf32>,
        %parallel_loop3A_368 = vector.shape_cast %parallel_loop3A_367 : vector<1x16xf32> to vector<16xf32>
        %parallel_loop3A_369 = vector.shape_cast %parallel_loop3A_364 : vector<16xf32> to vector<1x16xf32>
        tpu.vector_store %arg12[%parallel_loop3A_365, %parallel_loop3A_366], %parallel_loop3A_369 {strides = array<i32>} : memref<128x64xf32, #tpu.memory_space<vmem>>, vector<1x16xf32>,
        %parallel_loop3A_370 = arith.index_cast %parallel_loop3A_333 : i32 to index
        %parallel_loop3A_371 = arith.constant 48 : index
        %parallel_loop3A_372 = tpu.vector_load %arg8[%parallel_loop3A_370, %parallel_loop3A_371] {strides = array<i32>} : memref<128x64xf32, #tpu.memory_space<vmem>>, vector<1x16xf32>,
        %parallel_loop3A_373 = vector.shape_cast %parallel_loop3A_372 : vector<1x16xf32> to vector<16xf32>
        %parallel_loop3A_374 = arith.constant 8.000000e+00 : f32
        %parallel_loop3A_375 = vector.broadcast %parallel_loop3A_374 : f32 to vector<16xf32>
        %parallel_loop3A_376 = arith.mulf %parallel_loop3A_373, %parallel_loop3A_375 : vector<16xf32>
        %parallel_loop3A_377 = arith.index_cast %parallel_loop3A_333 : i32 to index
        %parallel_loop3A_378 = arith.constant 48 : index
        %parallel_loop3A_379 = tpu.vector_load %arg12[%parallel_loop3A_377, %parallel_loop3A_378] {strides = array<i32>} : memref<128x64xf32, #tpu.memory_space<vmem>>, vector<1x16xf32>,
        %parallel_loop3A_380 = vector.shape_cast %parallel_loop3A_379 : vector<1x16xf32> to vector<16xf32>
        %parallel_loop3A_381 = vector.shape_cast %parallel_loop3A_376 : vector<16xf32> to vector<1x16xf32>
        tpu.vector_store %arg12[%parallel_loop3A_377, %parallel_loop3A_378], %parallel_loop3A_381 {strides = array<i32>} : memref<128x64xf32, #tpu.memory_space<vmem>>, vector<1x16xf32>,
      } {sc.loop_unroll_factor = 4 : i64, sc.parallel_access}
      %mul3A_127 = arith.constant 128 : i32
      %mul3A_128 = arith.muli %add3A_112, %mul3A_127 : i32
      %add3A_129 = arith.addi %mul3A_2, %mul3A_128 : i32
      %dma_start3A_130 = arith.constant 0 : i32
      %dma_start3A_131 = tpu.memref_slice %arg4[%add3A_129, %dma_start3A_130] : memref<819200x64xf32, #tpu.memory_space<hbm>> -> memref<128x64xf32, #tpu.memory_space<hbm>>
      %dma_start3A_132 = arith.constant 0 : i32
      %dma_start3A_133 = tpu.memref_slice %arg4[%add3A_129, %dma_start3A_132] : memref<819200x64xf32, #tpu.memory_space<hbm>> -> memref<128x64xf32, #tpu.memory_space<hbm>>
      tpu.enqueue_dma source(%arg12 : memref<128x64xf32, #tpu.memory_space<vmem>>) target(%dma_start3A_133 : memref<128x64xf32, #tpu.memory_space<hbm>>) target_semaphore(%arg20 : memref<!tpu.dma_semaphore, #tpu.memory_space<semaphore_mem>>)
      %add3A_134 = arith.constant 1 : i32
      %add3A_135 = arith.addi %scan3A_49, %add3A_134 : i32
      %lt3A_136 = arith.constant 50 : i32
      %lt3A_137 = arith.cmpi slt, %add3A_135, %lt3A_136 : i32
      %convert_element_type3A_138 = arith.extui %lt3A_137 : i1 to i32
      %cond3A_139 = arith.constant 0 : i32
      %cond3A_140 = arith.cmpi ne, %convert_element_type3A_138, %cond3A_139 : i32
      scf.if %cond3A_140 {
        %add3A_173 = arith.constant 4 : i32
        %add3A_174 = arith.addi %add3A_112, %add3A_173 : i32
        %mul3A_175 = arith.constant 128 : i32
        %mul3A_176 = arith.muli %add3A_174, %mul3A_175 : i32
        %dma_start3A_177 = tpu.memref_slice %arg5[%mul3A_176] : memref<25600xi32, #tpu.memory_space<vmem>> -> memref<128xi32, #tpu.memory_space<vmem>>
        %dma_start3A_178 = arith.constant 0 : i32
        %dma_start3A_179 = arith.constant 0 : i32
        %dma_start3A_180 = tpu.memref_slice %arg3[%dma_start3A_178, %dma_start3A_179] : memref<1000000x64xf32, #tpu.memory_space<hbm>> -> memref<1000000x64xf32, #tpu.memory_space<hbm>>
        tpu.enqueue_indirect_dma source(%dma_start3A_180 : memref<1000000x64xf32, #tpu.memory_space<hbm>>) target(%arg8 : memref<128x64xf32, #tpu.memory_space<vmem>>) offsets(%dma_start3A_177 : memref<128xi32, #tpu.memory_space<vmem>>) semaphore(%arg16 : memref<!tpu.dma_semaphore, #tpu.memory_space<semaphore_mem>>)
      } else {
      }
      %mul3A_141 = arith.constant 4 : i32
      %mul3A_142 = arith.muli %scan3A_49, %mul3A_141 : i32
      %add3A_143 = arith.constant 3 : i32
      %add3A_144 = arith.addi %mul3A_142, %add3A_143 : i32
      %mul3A_145 = arith.constant 128 : i32
      %mul3A_146 = arith.muli %add3A_144, %mul3A_145 : i32
      %dma_wait3A_147 = tpu.memref_slice %arg5[%mul3A_146] : memref<25600xi32, #tpu.memory_space<vmem>> -> memref<128xi32, #tpu.memory_space<vmem>>
      %dma_wait3A_148 = arith.constant 0 : i32
      %dma_wait3A_149 = arith.constant 0 : i32
      %dma_wait3A_150 = tpu.memref_slice %arg3[%dma_wait3A_148, %dma_wait3A_149] : memref<1000000x64xf32, #tpu.memory_space<hbm>> -> memref<1000000x64xf32, #tpu.memory_space<hbm>>
      tpu.wait_indirect_dma semaphore(%arg17 : memref<!tpu.dma_semaphore, #tpu.memory_space<semaphore_mem>>) src(%dma_wait3A_150 : memref<1000000x64xf32, #tpu.memory_space<hbm>>) dst(%arg9 : memref<128x64xf32, #tpu.memory_space<vmem>>)
      %gt3A_151 = arith.constant 0 : i32
      %gt3A_152 = arith.cmpi sgt, %scan3A_49, %gt3A_151 : i32
      %convert_element_type3A_153 = arith.extui %gt3A_152 : i1 to i32
      %cond3A_154 = arith.constant 0 : i32
      %cond3A_155 = arith.cmpi ne, %convert_element_type3A_153, %cond3A_154 : i32
      scf.if %cond3A_155 {
        %mul3A_173 = arith.constant 128 : i32
        %mul3A_174 = arith.muli %add3A_144, %mul3A_173 : i32
        %add3A_175 = arith.addi %mul3A_2, %mul3A_174 : i32
        %dma_wait3A_176 = arith.constant 0 : i32
        %dma_wait3A_177 = tpu.memref_slice %arg4[%add3A_175, %dma_wait3A_176] : memref<819200x64xf32, #tpu.memory_space<hbm>> -> memref<128x64xf32, #tpu.memory_space<hbm>>
        %dma_wait3A_178 = arith.constant 0 : i32
        %dma_wait3A_179 = tpu.memref_slice %arg4[%add3A_175, %dma_wait3A_178] : memref<819200x64xf32, #tpu.memory_space<hbm>> -> memref<128x64xf32, #tpu.memory_space<hbm>>
        tpu.wait_dma2 semaphore(%arg21 : memref<!tpu.dma_semaphore, #tpu.memory_space<semaphore_mem>>) src(%arg13 : memref<128x64xf32, #tpu.memory_space<vmem>>) dst(%dma_wait3A_179 : memref<128x64xf32, #tpu.memory_space<hbm>>)
      } else {
      }
      %parallel_loop3A_156 = arith.constant 0 : i32
      %parallel_loop3A_157 = arith.constant 32 : i32
      %parallel_loop3A_158 = arith.constant 1 : i32
      scf.for %parallel_loop3A_173 = %parallel_loop3A_156 to %parallel_loop3A_157 step %parallel_loop3A_158  : i32 {
        %parallel_loop3A_174 = arith.constant 4 : i32
        %parallel_loop3A_175 = arith.muli %parallel_loop3A_173, %parallel_loop3A_174 : i32
        %parallel_loop3A_176 = arith.constant 0 : i32
        %parallel_loop3A_177 = arith.addi %parallel_loop3A_175, %parallel_loop3A_176 : i32
        %parallel_loop3A_178 = arith.index_cast %parallel_loop3A_177 : i32 to index
        %parallel_loop3A_179 = arith.constant 0 : index
        %parallel_loop3A_180 = tpu.vector_load %arg9[%parallel_loop3A_178, %parallel_loop3A_179] {strides = array<i32>} : memref<128x64xf32, #tpu.memory_space<vmem>>, vector<1x16xf32>,
        %parallel_loop3A_181 = vector.shape_cast %parallel_loop3A_180 : vector<1x16xf32> to vector<16xf32>
        %parallel_loop3A_182 = arith.constant 8.000000e+00 : f32
        %parallel_loop3A_183 = vector.broadcast %parallel_loop3A_182 : f32 to vector<16xf32>
        %parallel_loop3A_184 = arith.mulf %parallel_loop3A_181, %parallel_loop3A_183 : vector<16xf32>
        %parallel_loop3A_185 = arith.index_cast %parallel_loop3A_177 : i32 to index
        %parallel_loop3A_186 = arith.constant 0 : index
        %parallel_loop3A_187 = tpu.vector_load %arg13[%parallel_loop3A_185, %parallel_loop3A_186] {strides = array<i32>} : memref<128x64xf32, #tpu.memory_space<vmem>>, vector<1x16xf32>,
        %parallel_loop3A_188 = vector.shape_cast %parallel_loop3A_187 : vector<1x16xf32> to vector<16xf32>
        %parallel_loop3A_189 = vector.shape_cast %parallel_loop3A_184 : vector<16xf32> to vector<1x16xf32>
        tpu.vector_store %arg13[%parallel_loop3A_185, %parallel_loop3A_186], %parallel_loop3A_189 {strides = array<i32>} : memref<128x64xf32, #tpu.memory_space<vmem>>, vector<1x16xf32>,
        %parallel_loop3A_190 = arith.index_cast %parallel_loop3A_177 : i32 to index
        %parallel_loop3A_191 = arith.constant 16 : index
        %parallel_loop3A_192 = tpu.vector_load %arg9[%parallel_loop3A_190, %parallel_loop3A_191] {strides = array<i32>} : memref<128x64xf32, #tpu.memory_space<vmem>>, vector<1x16xf32>,
        %parallel_loop3A_193 = vector.shape_cast %parallel_loop3A_192 : vector<1x16xf32> to vector<16xf32>
        %parallel_loop3A_194 = arith.constant 8.000000e+00 : f32
        %parallel_loop3A_195 = vector.broadcast %parallel_loop3A_194 : f32 to vector<16xf32>
        %parallel_loop3A_196 = arith.mulf %parallel_loop3A_193, %parallel_loop3A_195 : vector<16xf32>
        %parallel_loop3A_197 = arith.index_cast %parallel_loop3A_177 : i32 to index
        %parallel_loop3A_198 = arith.constant 16 : index
        %parallel_loop3A_199 = tpu.vector_load %arg13[%parallel_loop3A_197, %parallel_loop3A_198] {strides = array<i32>} : memref<128x64xf32, #tpu.memory_space<vmem>>, vector<1x16xf32>,
        %parallel_loop3A_200 = vector.shape_cast %parallel_loop3A_199 : vector<1x16xf32> to vector<16xf32>
        %parallel_loop3A_201 = vector.shape_cast %parallel_loop3A_196 : vector<16xf32> to vector<1x16xf32>
        tpu.vector_store %arg13[%parallel_loop3A_197, %parallel_loop3A_198], %parallel_loop3A_201 {strides = array<i32>} : memref<128x64xf32, #tpu.memory_space<vmem>>, vector<1x16xf32>,
        %parallel_loop3A_202 = arith.index_cast %parallel_loop3A_177 : i32 to index
        %parallel_loop3A_203 = arith.constant 32 : index
        %parallel_loop3A_204 = tpu.vector_load %arg9[%parallel_loop3A_202, %parallel_loop3A_203] {strides = array<i32>} : memref<128x64xf32, #tpu.memory_space<vmem>>, vector<1x16xf32>,
        %parallel_loop3A_205 = vector.shape_cast %parallel_loop3A_204 : vector<1x16xf32> to vector<16xf32>
        %parallel_loop3A_206 = arith.constant 8.000000e+00 : f32
        %parallel_loop3A_207 = vector.broadcast %parallel_loop3A_206 : f32 to vector<16xf32>
        %parallel_loop3A_208 = arith.mulf %parallel_loop3A_205, %parallel_loop3A_207 : vector<16xf32>
        %parallel_loop3A_209 = arith.index_cast %parallel_loop3A_177 : i32 to index
        %parallel_loop3A_210 = arith.constant 32 : index
        %parallel_loop3A_211 = tpu.vector_load %arg13[%parallel_loop3A_209, %parallel_loop3A_210] {strides = array<i32>} : memref<128x64xf32, #tpu.memory_space<vmem>>, vector<1x16xf32>,
        %parallel_loop3A_212 = vector.shape_cast %parallel_loop3A_211 : vector<1x16xf32> to vector<16xf32>
        %parallel_loop3A_213 = vector.shape_cast %parallel_loop3A_208 : vector<16xf32> to vector<1x16xf32>
        tpu.vector_store %arg13[%parallel_loop3A_209, %parallel_loop3A_210], %parallel_loop3A_213 {strides = array<i32>} : memref<128x64xf32, #tpu.memory_space<vmem>>, vector<1x16xf32>,
        %parallel_loop3A_214 = arith.index_cast %parallel_loop3A_177 : i32 to index
        %parallel_loop3A_215 = arith.constant 48 : index
        %parallel_loop3A_216 = tpu.vector_load %arg9[%parallel_loop3A_214, %parallel_loop3A_215] {strides = array<i32>} : memref<128x64xf32, #tpu.memory_space<vmem>>, vector<1x16xf32>,
        %parallel_loop3A_217 = vector.shape_cast %parallel_loop3A_216 : vector<1x16xf32> to vector<16xf32>
        %parallel_loop3A_218 = arith.constant 8.000000e+00 : f32
        %parallel_loop3A_219 = vector.broadcast %parallel_loop3A_218 : f32 to vector<16xf32>
        %parallel_loop3A_220 = arith.mulf %parallel_loop3A_217, %parallel_loop3A_219 : vector<16xf32>
        %parallel_loop3A_221 = arith.index_cast %parallel_loop3A_177 : i32 to index
        %parallel_loop3A_222 = arith.constant 48 : index
        %parallel_loop3A_223 = tpu.vector_load %arg13[%parallel_loop3A_221, %parallel_loop3A_222] {strides = array<i32>} : memref<128x64xf32, #tpu.memory_space<vmem>>, vector<1x16xf32>,
        %parallel_loop3A_224 = vector.shape_cast %parallel_loop3A_223 : vector<1x16xf32> to vector<16xf32>
        %parallel_loop3A_225 = vector.shape_cast %parallel_loop3A_220 : vector<16xf32> to vector<1x16xf32>
        tpu.vector_store %arg13[%parallel_loop3A_221, %parallel_loop3A_222], %parallel_loop3A_225 {strides = array<i32>} : memref<128x64xf32, #tpu.memory_space<vmem>>, vector<1x16xf32>,
        %parallel_loop3A_226 = arith.constant 4 : i32
        %parallel_loop3A_227 = arith.muli %parallel_loop3A_173, %parallel_loop3A_226 : i32
        %parallel_loop3A_228 = arith.constant 1 : i32
        %parallel_loop3A_229 = arith.addi %parallel_loop3A_227, %parallel_loop3A_228 : i32
        %parallel_loop3A_230 = arith.index_cast %parallel_loop3A_229 : i32 to index
        %parallel_loop3A_231 = arith.constant 0 : index
        %parallel_loop3A_232 = tpu.vector_load %arg9[%parallel_loop3A_230, %parallel_loop3A_231] {strides = array<i32>} : memref<128x64xf32, #tpu.memory_space<vmem>>, vector<1x16xf32>,
        %parallel_loop3A_233 = vector.shape_cast %parallel_loop3A_232 : vector<1x16xf32> to vector<16xf32>
        %parallel_loop3A_234 = arith.constant 8.000000e+00 : f32
        %parallel_loop3A_235 = vector.broadcast %parallel_loop3A_234 : f32 to vector<16xf32>
        %parallel_loop3A_236 = arith.mulf %parallel_loop3A_233, %parallel_loop3A_235 : vector<16xf32>
        %parallel_loop3A_237 = arith.index_cast %parallel_loop3A_229 : i32 to index
        %parallel_loop3A_238 = arith.constant 0 : index
        %parallel_loop3A_239 = tpu.vector_load %arg13[%parallel_loop3A_237, %parallel_loop3A_238] {strides = array<i32>} : memref<128x64xf32, #tpu.memory_space<vmem>>, vector<1x16xf32>,
        %parallel_loop3A_240 = vector.shape_cast %parallel_loop3A_239 : vector<1x16xf32> to vector<16xf32>
        %parallel_loop3A_241 = vector.shape_cast %parallel_loop3A_236 : vector<16xf32> to vector<1x16xf32>
        tpu.vector_store %arg13[%parallel_loop3A_237, %parallel_loop3A_238], %parallel_loop3A_241 {strides = array<i32>} : memref<128x64xf32, #tpu.memory_space<vmem>>, vector<1x16xf32>,
        %parallel_loop3A_242 = arith.index_cast %parallel_loop3A_229 : i32 to index
        %parallel_loop3A_243 = arith.constant 16 : index
        %parallel_loop3A_244 = tpu.vector_load %arg9[%parallel_loop3A_242, %parallel_loop3A_243] {strides = array<i32>} : memref<128x64xf32, #tpu.memory_space<vmem>>, vector<1x16xf32>,
        %parallel_loop3A_245 = vector.shape_cast %parallel_loop3A_244 : vector<1x16xf32> to vector<16xf32>
        %parallel_loop3A_246 = arith.constant 8.000000e+00 : f32
        %parallel_loop3A_247 = vector.broadcast %parallel_loop3A_246 : f32 to vector<16xf32>
        %parallel_loop3A_248 = arith.mulf %parallel_loop3A_245, %parallel_loop3A_247 : vector<16xf32>
        %parallel_loop3A_249 = arith.index_cast %parallel_loop3A_229 : i32 to index
        %parallel_loop3A_250 = arith.constant 16 : index
        %parallel_loop3A_251 = tpu.vector_load %arg13[%parallel_loop3A_249, %parallel_loop3A_250] {strides = array<i32>} : memref<128x64xf32, #tpu.memory_space<vmem>>, vector<1x16xf32>,
        %parallel_loop3A_252 = vector.shape_cast %parallel_loop3A_251 : vector<1x16xf32> to vector<16xf32>
        %parallel_loop3A_253 = vector.shape_cast %parallel_loop3A_248 : vector<16xf32> to vector<1x16xf32>
        tpu.vector_store %arg13[%parallel_loop3A_249, %parallel_loop3A_250], %parallel_loop3A_253 {strides = array<i32>} : memref<128x64xf32, #tpu.memory_space<vmem>>, vector<1x16xf32>,
        %parallel_loop3A_254 = arith.index_cast %parallel_loop3A_229 : i32 to index
        %parallel_loop3A_255 = arith.constant 32 : index
        %parallel_loop3A_256 = tpu.vector_load %arg9[%parallel_loop3A_254, %parallel_loop3A_255] {strides = array<i32>} : memref<128x64xf32, #tpu.memory_space<vmem>>, vector<1x16xf32>,
        %parallel_loop3A_257 = vector.shape_cast %parallel_loop3A_256 : vector<1x16xf32> to vector<16xf32>
        %parallel_loop3A_258 = arith.constant 8.000000e+00 : f32
        %parallel_loop3A_259 = vector.broadcast %parallel_loop3A_258 : f32 to vector<16xf32>
        %parallel_loop3A_260 = arith.mulf %parallel_loop3A_257, %parallel_loop3A_259 : vector<16xf32>
        %parallel_loop3A_261 = arith.index_cast %parallel_loop3A_229 : i32 to index
        %parallel_loop3A_262 = arith.constant 32 : index
        %parallel_loop3A_263 = tpu.vector_load %arg13[%parallel_loop3A_261, %parallel_loop3A_262] {strides = array<i32>} : memref<128x64xf32, #tpu.memory_space<vmem>>, vector<1x16xf32>,
        %parallel_loop3A_264 = vector.shape_cast %parallel_loop3A_263 : vector<1x16xf32> to vector<16xf32>
        %parallel_loop3A_265 = vector.shape_cast %parallel_loop3A_260 : vector<16xf32> to vector<1x16xf32>
        tpu.vector_store %arg13[%parallel_loop3A_261, %parallel_loop3A_262], %parallel_loop3A_265 {strides = array<i32>} : memref<128x64xf32, #tpu.memory_space<vmem>>, vector<1x16xf32>,
        %parallel_loop3A_266 = arith.index_cast %parallel_loop3A_229 : i32 to index
        %parallel_loop3A_267 = arith.constant 48 : index
        %parallel_loop3A_268 = tpu.vector_load %arg9[%parallel_loop3A_266, %parallel_loop3A_267] {strides = array<i32>} : memref<128x64xf32, #tpu.memory_space<vmem>>, vector<1x16xf32>,
        %parallel_loop3A_269 = vector.shape_cast %parallel_loop3A_268 : vector<1x16xf32> to vector<16xf32>
        %parallel_loop3A_270 = arith.constant 8.000000e+00 : f32
        %parallel_loop3A_271 = vector.broadcast %parallel_loop3A_270 : f32 to vector<16xf32>
        %parallel_loop3A_272 = arith.mulf %parallel_loop3A_269, %parallel_loop3A_271 : vector<16xf32>
        %parallel_loop3A_273 = arith.index_cast %parallel_loop3A_229 : i32 to index
        %parallel_loop3A_274 = arith.constant 48 : index
        %parallel_loop3A_275 = tpu.vector_load %arg13[%parallel_loop3A_273, %parallel_loop3A_274] {strides = array<i32>} : memref<128x64xf32, #tpu.memory_space<vmem>>, vector<1x16xf32>,
        %parallel_loop3A_276 = vector.shape_cast %parallel_loop3A_275 : vector<1x16xf32> to vector<16xf32>
        %parallel_loop3A_277 = vector.shape_cast %parallel_loop3A_272 : vector<16xf32> to vector<1x16xf32>
        tpu.vector_store %arg13[%parallel_loop3A_273, %parallel_loop3A_274], %parallel_loop3A_277 {strides = array<i32>} : memref<128x64xf32, #tpu.memory_space<vmem>>, vector<1x16xf32>,
        %parallel_loop3A_278 = arith.constant 4 : i32
        %parallel_loop3A_279 = arith.muli %parallel_loop3A_173, %parallel_loop3A_278 : i32
        %parallel_loop3A_280 = arith.constant 2 : i32
        %parallel_loop3A_281 = arith.addi %parallel_loop3A_279, %parallel_loop3A_280 : i32
        %parallel_loop3A_282 = arith.index_cast %parallel_loop3A_281 : i32 to index
        %parallel_loop3A_283 = arith.constant 0 : index
        %parallel_loop3A_284 = tpu.vector_load %arg9[%parallel_loop3A_282, %parallel_loop3A_283] {strides = array<i32>} : memref<128x64xf32, #tpu.memory_space<vmem>>, vector<1x16xf32>,
        %parallel_loop3A_285 = vector.shape_cast %parallel_loop3A_284 : vector<1x16xf32> to vector<16xf32>
        %parallel_loop3A_286 = arith.constant 8.000000e+00 : f32
        %parallel_loop3A_287 = vector.broadcast %parallel_loop3A_286 : f32 to vector<16xf32>
        %parallel_loop3A_288 = arith.mulf %parallel_loop3A_285, %parallel_loop3A_287 : vector<16xf32>
        %parallel_loop3A_289 = arith.index_cast %parallel_loop3A_281 : i32 to index
        %parallel_loop3A_290 = arith.constant 0 : index
        %parallel_loop3A_291 = tpu.vector_load %arg13[%parallel_loop3A_289, %parallel_loop3A_290] {strides = array<i32>} : memref<128x64xf32, #tpu.memory_space<vmem>>, vector<1x16xf32>,
        %parallel_loop3A_292 = vector.shape_cast %parallel_loop3A_291 : vector<1x16xf32> to vector<16xf32>
        %parallel_loop3A_293 = vector.shape_cast %parallel_loop3A_288 : vector<16xf32> to vector<1x16xf32>
        tpu.vector_store %arg13[%parallel_loop3A_289, %parallel_loop3A_290], %parallel_loop3A_293 {strides = array<i32>} : memref<128x64xf32, #tpu.memory_space<vmem>>, vector<1x16xf32>,
        %parallel_loop3A_294 = arith.index_cast %parallel_loop3A_281 : i32 to index
        %parallel_loop3A_295 = arith.constant 16 : index
        %parallel_loop3A_296 = tpu.vector_load %arg9[%parallel_loop3A_294, %parallel_loop3A_295] {strides = array<i32>} : memref<128x64xf32, #tpu.memory_space<vmem>>, vector<1x16xf32>,
        %parallel_loop3A_297 = vector.shape_cast %parallel_loop3A_296 : vector<1x16xf32> to vector<16xf32>
        %parallel_loop3A_298 = arith.constant 8.000000e+00 : f32
        %parallel_loop3A_299 = vector.broadcast %parallel_loop3A_298 : f32 to vector<16xf32>
        %parallel_loop3A_300 = arith.mulf %parallel_loop3A_297, %parallel_loop3A_299 : vector<16xf32>
        %parallel_loop3A_301 = arith.index_cast %parallel_loop3A_281 : i32 to index
        %parallel_loop3A_302 = arith.constant 16 : index
        %parallel_loop3A_303 = tpu.vector_load %arg13[%parallel_loop3A_301, %parallel_loop3A_302] {strides = array<i32>} : memref<128x64xf32, #tpu.memory_space<vmem>>, vector<1x16xf32>,
        %parallel_loop3A_304 = vector.shape_cast %parallel_loop3A_303 : vector<1x16xf32> to vector<16xf32>
        %parallel_loop3A_305 = vector.shape_cast %parallel_loop3A_300 : vector<16xf32> to vector<1x16xf32>
        tpu.vector_store %arg13[%parallel_loop3A_301, %parallel_loop3A_302], %parallel_loop3A_305 {strides = array<i32>} : memref<128x64xf32, #tpu.memory_space<vmem>>, vector<1x16xf32>,
        %parallel_loop3A_306 = arith.index_cast %parallel_loop3A_281 : i32 to index
        %parallel_loop3A_307 = arith.constant 32 : index
        %parallel_loop3A_308 = tpu.vector_load %arg9[%parallel_loop3A_306, %parallel_loop3A_307] {strides = array<i32>} : memref<128x64xf32, #tpu.memory_space<vmem>>, vector<1x16xf32>,
        %parallel_loop3A_309 = vector.shape_cast %parallel_loop3A_308 : vector<1x16xf32> to vector<16xf32>
        %parallel_loop3A_310 = arith.constant 8.000000e+00 : f32
        %parallel_loop3A_311 = vector.broadcast %parallel_loop3A_310 : f32 to vector<16xf32>
        %parallel_loop3A_312 = arith.mulf %parallel_loop3A_309, %parallel_loop3A_311 : vector<16xf32>
        %parallel_loop3A_313 = arith.index_cast %parallel_loop3A_281 : i32 to index
        %parallel_loop3A_314 = arith.constant 32 : index
        %parallel_loop3A_315 = tpu.vector_load %arg13[%parallel_loop3A_313, %parallel_loop3A_314] {strides = array<i32>} : memref<128x64xf32, #tpu.memory_space<vmem>>, vector<1x16xf32>,
        %parallel_loop3A_316 = vector.shape_cast %parallel_loop3A_315 : vector<1x16xf32> to vector<16xf32>
        %parallel_loop3A_317 = vector.shape_cast %parallel_loop3A_312 : vector<16xf32> to vector<1x16xf32>
        tpu.vector_store %arg13[%parallel_loop3A_313, %parallel_loop3A_314], %parallel_loop3A_317 {strides = array<i32>} : memref<128x64xf32, #tpu.memory_space<vmem>>, vector<1x16xf32>,
        %parallel_loop3A_318 = arith.index_cast %parallel_loop3A_281 : i32 to index
        %parallel_loop3A_319 = arith.constant 48 : index
        %parallel_loop3A_320 = tpu.vector_load %arg9[%parallel_loop3A_318, %parallel_loop3A_319] {strides = array<i32>} : memref<128x64xf32, #tpu.memory_space<vmem>>, vector<1x16xf32>,
        %parallel_loop3A_321 = vector.shape_cast %parallel_loop3A_320 : vector<1x16xf32> to vector<16xf32>
        %parallel_loop3A_322 = arith.constant 8.000000e+00 : f32
        %parallel_loop3A_323 = vector.broadcast %parallel_loop3A_322 : f32 to vector<16xf32>
        %parallel_loop3A_324 = arith.mulf %parallel_loop3A_321, %parallel_loop3A_323 : vector<16xf32>
        %parallel_loop3A_325 = arith.index_cast %parallel_loop3A_281 : i32 to index
        %parallel_loop3A_326 = arith.constant 48 : index
        %parallel_loop3A_327 = tpu.vector_load %arg13[%parallel_loop3A_325, %parallel_loop3A_326] {strides = array<i32>} : memref<128x64xf32, #tpu.memory_space<vmem>>, vector<1x16xf32>,
        %parallel_loop3A_328 = vector.shape_cast %parallel_loop3A_327 : vector<1x16xf32> to vector<16xf32>
        %parallel_loop3A_329 = vector.shape_cast %parallel_loop3A_324 : vector<16xf32> to vector<1x16xf32>
        tpu.vector_store %arg13[%parallel_loop3A_325, %parallel_loop3A_326], %parallel_loop3A_329 {strides = array<i32>} : memref<128x64xf32, #tpu.memory_space<vmem>>, vector<1x16xf32>,
        %parallel_loop3A_330 = arith.constant 4 : i32
        %parallel_loop3A_331 = arith.muli %parallel_loop3A_173, %parallel_loop3A_330 : i32
        %parallel_loop3A_332 = arith.constant 3 : i32
        %parallel_loop3A_333 = arith.addi %parallel_loop3A_331, %parallel_loop3A_332 : i32
        %parallel_loop3A_334 = arith.index_cast %parallel_loop3A_333 : i32 to index
        %parallel_loop3A_335 = arith.constant 0 : index
        %parallel_loop3A_336 = tpu.vector_load %arg9[%parallel_loop3A_334, %parallel_loop3A_335] {strides = array<i32>} : memref<128x64xf32, #tpu.memory_space<vmem>>, vector<1x16xf32>,
        %parallel_loop3A_337 = vector.shape_cast %parallel_loop3A_336 : vector<1x16xf32> to vector<16xf32>
        %parallel_loop3A_338 = arith.constant 8.000000e+00 : f32
        %parallel_loop3A_339 = vector.broadcast %parallel_loop3A_338 : f32 to vector<16xf32>
        %parallel_loop3A_340 = arith.mulf %parallel_loop3A_337, %parallel_loop3A_339 : vector<16xf32>
        %parallel_loop3A_341 = arith.index_cast %parallel_loop3A_333 : i32 to index
        %parallel_loop3A_342 = arith.constant 0 : index
        %parallel_loop3A_343 = tpu.vector_load %arg13[%parallel_loop3A_341, %parallel_loop3A_342] {strides = array<i32>} : memref<128x64xf32, #tpu.memory_space<vmem>>, vector<1x16xf32>,
        %parallel_loop3A_344 = vector.shape_cast %parallel_loop3A_343 : vector<1x16xf32> to vector<16xf32>
        %parallel_loop3A_345 = vector.shape_cast %parallel_loop3A_340 : vector<16xf32> to vector<1x16xf32>
        tpu.vector_store %arg13[%parallel_loop3A_341, %parallel_loop3A_342], %parallel_loop3A_345 {strides = array<i32>} : memref<128x64xf32, #tpu.memory_space<vmem>>, vector<1x16xf32>,
        %parallel_loop3A_346 = arith.index_cast %parallel_loop3A_333 : i32 to index
        %parallel_loop3A_347 = arith.constant 16 : index
        %parallel_loop3A_348 = tpu.vector_load %arg9[%parallel_loop3A_346, %parallel_loop3A_347] {strides = array<i32>} : memref<128x64xf32, #tpu.memory_space<vmem>>, vector<1x16xf32>,
        %parallel_loop3A_349 = vector.shape_cast %parallel_loop3A_348 : vector<1x16xf32> to vector<16xf32>
        %parallel_loop3A_350 = arith.constant 8.000000e+00 : f32
        %parallel_loop3A_351 = vector.broadcast %parallel_loop3A_350 : f32 to vector<16xf32>
        %parallel_loop3A_352 = arith.mulf %parallel_loop3A_349, %parallel_loop3A_351 : vector<16xf32>
        %parallel_loop3A_353 = arith.index_cast %parallel_loop3A_333 : i32 to index
        %parallel_loop3A_354 = arith.constant 16 : index
        %parallel_loop3A_355 = tpu.vector_load %arg13[%parallel_loop3A_353, %parallel_loop3A_354] {strides = array<i32>} : memref<128x64xf32, #tpu.memory_space<vmem>>, vector<1x16xf32>,
        %parallel_loop3A_356 = vector.shape_cast %parallel_loop3A_355 : vector<1x16xf32> to vector<16xf32>
        %parallel_loop3A_357 = vector.shape_cast %parallel_loop3A_352 : vector<16xf32> to vector<1x16xf32>
        tpu.vector_store %arg13[%parallel_loop3A_353, %parallel_loop3A_354], %parallel_loop3A_357 {strides = array<i32>} : memref<128x64xf32, #tpu.memory_space<vmem>>, vector<1x16xf32>,
        %parallel_loop3A_358 = arith.index_cast %parallel_loop3A_333 : i32 to index
        %parallel_loop3A_359 = arith.constant 32 : index
        %parallel_loop3A_360 = tpu.vector_load %arg9[%parallel_loop3A_358, %parallel_loop3A_359] {strides = array<i32>} : memref<128x64xf32, #tpu.memory_space<vmem>>, vector<1x16xf32>,
        %parallel_loop3A_361 = vector.shape_cast %parallel_loop3A_360 : vector<1x16xf32> to vector<16xf32>
        %parallel_loop3A_362 = arith.constant 8.000000e+00 : f32
        %parallel_loop3A_363 = vector.broadcast %parallel_loop3A_362 : f32 to vector<16xf32>
        %parallel_loop3A_364 = arith.mulf %parallel_loop3A_361, %parallel_loop3A_363 : vector<16xf32>
        %parallel_loop3A_365 = arith.index_cast %parallel_loop3A_333 : i32 to index
        %parallel_loop3A_366 = arith.constant 32 : index
        %parallel_loop3A_367 = tpu.vector_load %arg13[%parallel_loop3A_365, %parallel_loop3A_366] {strides = array<i32>} : memref<128x64xf32, #tpu.memory_space<vmem>>, vector<1x16xf32>,
        %parallel_loop3A_368 = vector.shape_cast %parallel_loop3A_367 : vector<1x16xf32> to vector<16xf32>
        %parallel_loop3A_369 = vector.shape_cast %parallel_loop3A_364 : vector<16xf32> to vector<1x16xf32>
        tpu.vector_store %arg13[%parallel_loop3A_365, %parallel_loop3A_366], %parallel_loop3A_369 {strides = array<i32>} : memref<128x64xf32, #tpu.memory_space<vmem>>, vector<1x16xf32>,
        %parallel_loop3A_370 = arith.index_cast %parallel_loop3A_333 : i32 to index
        %parallel_loop3A_371 = arith.constant 48 : index
        %parallel_loop3A_372 = tpu.vector_load %arg9[%parallel_loop3A_370, %parallel_loop3A_371] {strides = array<i32>} : memref<128x64xf32, #tpu.memory_space<vmem>>, vector<1x16xf32>,
        %parallel_loop3A_373 = vector.shape_cast %parallel_loop3A_372 : vector<1x16xf32> to vector<16xf32>
        %parallel_loop3A_374 = arith.constant 8.000000e+00 : f32
        %parallel_loop3A_375 = vector.broadcast %parallel_loop3A_374 : f32 to vector<16xf32>
        %parallel_loop3A_376 = arith.mulf %parallel_loop3A_373, %parallel_loop3A_375 : vector<16xf32>
        %parallel_loop3A_377 = arith.index_cast %parallel_loop3A_333 : i32 to index
        %parallel_loop3A_378 = arith.constant 48 : index
        %parallel_loop3A_379 = tpu.vector_load %arg13[%parallel_loop3A_377, %parallel_loop3A_378] {strides = array<i32>} : memref<128x64xf32, #tpu.memory_space<vmem>>, vector<1x16xf32>,
        %parallel_loop3A_380 = vector.shape_cast %parallel_loop3A_379 : vector<1x16xf32> to vector<16xf32>
        %parallel_loop3A_381 = vector.shape_cast %parallel_loop3A_376 : vector<16xf32> to vector<1x16xf32>
        tpu.vector_store %arg13[%parallel_loop3A_377, %parallel_loop3A_378], %parallel_loop3A_381 {strides = array<i32>} : memref<128x64xf32, #tpu.memory_space<vmem>>, vector<1x16xf32>,
      } {sc.loop_unroll_factor = 4 : i64, sc.parallel_access}
      %mul3A_159 = arith.constant 128 : i32
      %mul3A_160 = arith.muli %add3A_144, %mul3A_159 : i32
      %add3A_161 = arith.addi %mul3A_2, %mul3A_160 : i32
      %dma_start3A_162 = arith.constant 0 : i32
      %dma_start3A_163 = tpu.memref_slice %arg4[%add3A_161, %dma_start3A_162] : memref<819200x64xf32, #tpu.memory_space<hbm>> -> memref<128x64xf32, #tpu.memory_space<hbm>>
      %dma_start3A_164 = arith.constant 0 : i32
      %dma_start3A_165 = tpu.memref_slice %arg4[%add3A_161, %dma_start3A_164] : memref<819200x64xf32, #tpu.memory_space<hbm>> -> memref<128x64xf32, #tpu.memory_space<hbm>>
      tpu.enqueue_dma source(%arg13 : memref<128x64xf32, #tpu.memory_space<vmem>>) target(%dma_start3A_165 : memref<128x64xf32, #tpu.memory_space<hbm>>) target_semaphore(%arg21 : memref<!tpu.dma_semaphore, #tpu.memory_space<semaphore_mem>>)
      %add3A_166 = arith.constant 1 : i32
      %add3A_167 = arith.addi %scan3A_49, %add3A_166 : i32
      %lt3A_168 = arith.constant 50 : i32
      %lt3A_169 = arith.cmpi slt, %add3A_167, %lt3A_168 : i32
      %convert_element_type3A_170 = arith.extui %lt3A_169 : i1 to i32
      %cond3A_171 = arith.constant 0 : i32
      %cond3A_172 = arith.cmpi ne, %convert_element_type3A_170, %cond3A_171 : i32
      scf.if %cond3A_172 {
        %add3A_173 = arith.constant 4 : i32
        %add3A_174 = arith.addi %add3A_144, %add3A_173 : i32
        %mul3A_175 = arith.constant 128 : i32
        %mul3A_176 = arith.muli %add3A_174, %mul3A_175 : i32
        %dma_start3A_177 = tpu.memref_slice %arg5[%mul3A_176] : memref<25600xi32, #tpu.memory_space<vmem>> -> memref<128xi32, #tpu.memory_space<vmem>>
        %dma_start3A_178 = arith.constant 0 : i32
        %dma_start3A_179 = arith.constant 0 : i32
        %dma_start3A_180 = tpu.memref_slice %arg3[%dma_start3A_178, %dma_start3A_179] : memref<1000000x64xf32, #tpu.memory_space<hbm>> -> memref<1000000x64xf32, #tpu.memory_space<hbm>>
        tpu.enqueue_indirect_dma source(%dma_start3A_180 : memref<1000000x64xf32, #tpu.memory_space<hbm>>) target(%arg9 : memref<128x64xf32, #tpu.memory_space<vmem>>) offsets(%dma_start3A_177 : memref<128xi32, #tpu.memory_space<vmem>>) semaphore(%arg17 : memref<!tpu.dma_semaphore, #tpu.memory_space<semaphore_mem>>)
      } else {
      }
    }
    %scan3A_25 = arith.constant 50 : i32
    %add3A_26 = arith.constant 25088 : i32
    %add3A_27 = arith.addi %mul3A_2, %add3A_26 : i32
    %dma_wait3A = arith.constant 0 : i32
    %dma_wait3A_28 = tpu.memref_slice %arg4[%add3A_27, %dma_wait3A] : memref<819200x64xf32, #tpu.memory_space<hbm>> -> memref<128x64xf32, #tpu.memory_space<hbm>>
    %dma_wait3A_29 = arith.constant 0 : i32
    %dma_wait3A_30 = tpu.memref_slice %arg4[%add3A_27, %dma_wait3A_29] : memref<819200x64xf32, #tpu.memory_space<hbm>> -> memref<128x64xf32, #tpu.memory_space<hbm>>
    tpu.wait_dma2 semaphore(%arg18 : memref<!tpu.dma_semaphore, #tpu.memory_space<semaphore_mem>>) src(%arg10 : memref<128x64xf32, #tpu.memory_space<vmem>>) dst(%dma_wait3A_30 : memref<128x64xf32, #tpu.memory_space<hbm>>)
    %add3A_31 = arith.constant 25216 : i32
    %add3A_32 = arith.addi %mul3A_2, %add3A_31 : i32
    %dma_wait3A_33 = arith.constant 0 : i32
    %dma_wait3A_34 = tpu.memref_slice %arg4[%add3A_32, %dma_wait3A_33] : memref<819200x64xf32, #tpu.memory_space<hbm>> -> memref<128x64xf32, #tpu.memory_space<hbm>>
    %dma_wait3A_35 = arith.constant 0 : i32
    %dma_wait3A_36 = tpu.memref_slice %arg4[%add3A_32, %dma_wait3A_35] : memref<819200x64xf32, #tpu.memory_space<hbm>> -> memref<128x64xf32, #tpu.memory_space<hbm>>
    tpu.wait_dma2 semaphore(%arg19 : memref<!tpu.dma_semaphore, #tpu.memory_space<semaphore_mem>>) src(%arg11 : memref<128x64xf32, #tpu.memory_space<vmem>>) dst(%dma_wait3A_36 : memref<128x64xf32, #tpu.memory_space<hbm>>)
    %add3A_37 = arith.constant 25344 : i32
    %add3A_38 = arith.addi %mul3A_2, %add3A_37 : i32
    %dma_wait3A_39 = arith.constant 0 : i32
    %dma_wait3A_40 = tpu.memref_slice %arg4[%add3A_38, %dma_wait3A_39] : memref<819200x64xf32, #tpu.memory_space<hbm>> -> memref<128x64xf32, #tpu.memory_space<hbm>>
    %dma_wait3A_41 = arith.constant 0 : i32
    %dma_wait3A_42 = tpu.memref_slice %arg4[%add3A_38, %dma_wait3A_41] : memref<819200x64xf32, #tpu.memory_space<hbm>> -> memref<128x64xf32, #tpu.memory_space<hbm>>
    tpu.wait_dma2 semaphore(%arg20 : memref<!tpu.dma_semaphore, #tpu.memory_space<semaphore_mem>>) src(%arg12 : memref<128x64xf32, #tpu.memory_space<vmem>>) dst(%dma_wait3A_42 : memref<128x64xf32, #tpu.memory_space<hbm>>)
    %add3A_43 = arith.constant 25472 : i32
    %add3A_44 = arith.addi %mul3A_2, %add3A_43 : i32
    %dma_wait3A_45 = arith.constant 0 : i32
    %dma_wait3A_46 = tpu.memref_slice %arg4[%add3A_44, %dma_wait3A_45] : memref<819200x64xf32, #tpu.memory_space<hbm>> -> memref<128x64xf32, #tpu.memory_space<hbm>>
    %dma_wait3A_47 = arith.constant 0 : i32
    %dma_wait3A_48 = tpu.memref_slice %arg4[%add3A_44, %dma_wait3A_47] : memref<819200x64xf32, #tpu.memory_space<hbm>> -> memref<128x64xf32, #tpu.memory_space<hbm>>
    tpu.wait_dma2 semaphore(%arg21 : memref<!tpu.dma_semaphore, #tpu.memory_space<semaphore_mem>>) src(%arg13 : memref<128x64xf32, #tpu.memory_space<vmem>>) dst(%dma_wait3A_48 : memref<128x64xf32, #tpu.memory_space<hbm>>)
    return
  }
}

</mosaic_0001>

<sc_bundles>
// kernel: kernel.3.cloned.1.call-start
scs
__scs_entry_jumppad:
0x0: {  	(pc) =	sbr.rel $0x88, $3  }
0x1: {  	(tag) =	ssettag $0x0;
	lr =	simm.s32 $0x1  }
0x2: {  	[smem:$0x3F9F] =	sst lr;
	_ =	strace $0xD0000000  }
0x3: {  	_ = 	snop  }
0x4: {  	_ = 	snop  }
0x5: {  	_ = 	snop  }
0x6: {  	_ = 	snop  }
0x7: {  	_ = 	snop  }
__scs_overlays_trampoline_lowered:
0x8: {  	[smem:$0x3FAE] =	sst s0  }
0x9: {  	[smem:$0x3FAF] =	sst s1  }
0xa: {  	[smem:$0x3FB0] =	sst s2  }
0xb: {  	[smem:$0x3FB1] =	sst s3  }
0xc: {  	[smem:$0x3FB2] =	sst s4  }
0xd: {  	[smem:$0x3FB3] =	sst s5  }
0xe: {  	[smem:$0x3FB4] =	sst s6  }
0xf: {  	[smem:$0x3FB5] =	sst s7  }
0x10: {  	[smem:$0x3FB6] =	sst s8  }
0x11: {  	[smem:$0x3FB7] =	sst s9;
	s0 =	simm.s32 @!p0 $0x0  }
0x12: {  	s1 =	sld [smem:$0x3F9D];
	s0 =	simm.s32 @p0 $0x1  }
0x13: {  	[smem:$0x3FB8] =	sst s0;
	s0 =	simm.s32 @!p1 $0x0  }
0x14: {  	s2 =	sld [smem:$0x3F9C];
	s0 =	simm.s32 @p1 $0x1  }
0x15: {  	[smem:$0x3FB9] =	sst s0;
	s0 =	simm.s32 @!p2 $0x0  }
0x16: {  	s3 =	sld [smem:$0x3FDB];
	s0 =	simm.s32 @p2 $0x1  }
0x17: {  	s4 =	simm.s32 $0x1BF5;
	[smem:$0x3FBB] =	sst s0  }
0x18: {  	s0 =	sld [smem:$0x3F9E];
	_ =	swait.ge [sflag:s4], $0x0  }
0x19: {  	s7 =	sld [smem:$0x3F9F]  }
0x1a: {  	s8 =	sadd.s32 $0xFFFFE003, lr  }
0x1b: {  	s9 =	sadd.s32 $0xFFFFFEF7, lr;
	s5 =	simm.s32 $0xFFFFFFFF;
	p2 =	slt.u32 s8, $0xFFFFF086  }
0x1c: {  	p1 =	slt.u32 s9, $0xF7A;
	s5 =	simm.s32 @!p2 $0x0  }
0x1d: {  	s5 =	simm.s32 @p1 $0x1;
	p0 =	seq.s32 s7, s2  }
0x1e: {  	s7 =	smul.u32 @!p0 $0xF7A, s2;
	p2 =	seq.s32 @!p0 s5, $0x0  }
0x1f: {  	s9 =	smul.u32 $0xF7A, s1;
	s8 =	simm.s32 @!p0 $0x1BF5;
	p2 =	por !p2, p0  }
0x20: {  	[sflag:s8] =	ssyncset.s32 @!p0 $0xFFFFF086;
	s6 =	sadd.s32 @!p0 s3, s7;
	s7 =	simm.s32 @!p0 $0x108  }
0x21: {  	s3 =	sadd.s32 s3, s9;
	s6 =	sadd.s32 @!p0 $0x88, s6;
	s7 =	simm.s32 @p2 $0x1082  }
0x22: {  	[simem:s7], [sflag:s8] =	dma.local @!p0 [hbm:s6], $0xF7A  }
0x23: {  	s9 =	sor.u32 $0xD0000000, s2;
	s6 =	simm.s32 $0x108;
	_ =	swait.ge @!p0 [sflag:s8], $0x0  }
0x24: {  	s3 =	sadd.s32 $0x88, s3;
	s6 =	simm.s32 @!p1 $0x1082;
	[sflag:s4] =	ssyncset.s32 $0xFFFFF086  }
0x25: {  	[simem:s6], [sflag:s4] =	dma.local [hbm:s3], $0xF7A  }
0x26: {  	[smem:$0x3F9F] =	sst s1;
	(tag) =	ssettag s2;
	_ =	strace s9  }
0x27: {  	s1 =	sld [smem:$0x3FAF]  }
0x28: {  	s2 =	sld [smem:$0x3FB0]  }
0x29: {  	s4 =	sld [smem:$0x3FB2]  }
0x2a: {  	p0 =	seq.s32 s5, $0x0;
	s5 =	sld [smem:$0x3FB3]  }
0x2b: {  	s6 =	sld [smem:$0x3FB4]  }
0x2c: {  	s7 =	sld [smem:$0x3FB5]  }
0x2d: {  	s3 =	simm.s32 $0x108;
	s8 =	sld [smem:$0x3FB6]  }
0x2e: {  	s3 =	simm.s32 @!p0 $0x1082;
	s9 =	sld [smem:$0x3FB7]  }
0x2f: {  	lr =	sadd.s32 s0, s3;
	s0 =	sld [smem:$0x3FAE]  }
0x30: {  	s3 =	sld [smem:$0x3FB1]  }
0x31: {  	[smem:$0x3FBA] =	sst s10  }
0x32: {  	s10 =	sld [smem:$0x3FB8];
	_ =	sdelay $0x3  }
0x33: {  	p0 =	seq.s32 s10, $0x1;
	s10 =	sld [smem:$0x3FBA];
	_ =	sdelay $0x3  }
0x34: {  	[smem:$0x3FBA] =	sst s10  }
0x35: {  	s10 =	sld [smem:$0x3FB9];
	_ =	sdelay $0x3  }
0x36: {  	p1 =	seq.s32 s10, $0x1;
	s10 =	sld [smem:$0x3FBA];
	_ =	sdelay $0x3  }
0x37: {  	[smem:$0x3FBA] =	sst s10  }
0x38: {  	s10 =	sld [smem:$0x3FBB]  }
0x39: {  	_ = 	snop;
	(pc) =	sbr.ind lr, $3  }
0x3a: {  	_ = 	snop  }
0x3b: {  	_ = 	snop  }
0x3c: {  	p2 =	seq.s32 s10, $0x1;
	s10 =	sld [smem:$0x3FBA]  }
0x3d: {  	_ =	shalt  }
0x3e: {  	_ =	shalt  }
0x3f: {  	_ =	shalt  }
0x40: {  	_ =	shalt  }
0x41: {  	_ =	shalt  }
0x42: {  	_ =	shalt  }
0x43: {  	_ =	shalt  }
0x44: {  	_ =	shalt  }
0x45: {  	_ =	shalt  }
0x46: {  	_ =	shalt  }
0x47: {  	_ =	shalt  }
0x48: {  	_ =	shalt  }
0x49: {  	_ =	shalt  }
0x4a: {  	_ =	shalt  }
0x4b: {  	_ =	shalt  }
0x4c: {  	_ =	shalt  }
0x4d: {  	_ =	shalt  }
0x4e: {  	_ =	shalt  }
0x4f: {  	_ =	shalt  }
0x50: {  	_ =	shalt  }
0x51: {  	_ =	shalt  }
0x52: {  	_ =	shalt  }
0x53: {  	_ =	shalt  }
0x54: {  	_ =	shalt  }
0x55: {  	_ =	shalt  }
0x56: {  	_ =	shalt  }
0x57: {  	_ =	shalt  }
0x58: {  	_ =	shalt  }
0x59: {  	_ =	shalt  }
0x5a: {  	_ =	shalt  }
0x5b: {  	_ =	shalt  }
0x5c: {  	_ =	shalt  }
0x5d: {  	_ =	shalt  }
0x5e: {  	_ =	shalt  }
0x5f: {  	_ =	shalt  }
0x60: {  	_ =	shalt  }
0x61: {  	_ =	shalt  }
0x62: {  	_ =	shalt  }
0x63: {  	_ =	shalt  }
0x64: {  	_ =	shalt  }
0x65: {  	_ =	shalt  }
0x66: {  	_ =	shalt  }
0x67: {  	_ =	shalt  }
0x68: {  	_ =	shalt  }
0x69: {  	_ =	shalt  }
0x6a: {  	_ =	shalt  }
0x6b: {  	_ =	shalt  }
0x6c: {  	_ =	shalt  }
0x6d: {  	_ =	shalt  }
0x6e: {  	_ =	shalt  }
0x6f: {  	_ =	shalt  }
0x70: {  	_ =	shalt  }
0x71: {  	_ =	shalt  }
0x72: {  	_ =	shalt  }
0x73: {  	_ =	shalt  }
0x74: {  	_ =	shalt  }
0x75: {  	_ =	shalt  }
0x76: {  	_ =	shalt  }
0x77: {  	_ =	shalt  }
0x78: {  	_ =	shalt  }
0x79: {  	_ =	shalt  }
0x7a: {  	_ =	shalt  }
0x7b: {  	_ =	shalt  }
0x7c: {  	_ =	shalt  }
0x7d: {  	_ =	shalt  }
0x7e: {  	_ =	shalt  }
0x7f: {  	_ =	shalt  }
0x80: {  	_ =	shalt  }
0x81: {  	_ =	shalt  }
0x82: {  	_ =	shalt  }
0x83: {  	_ =	shalt  }
0x84: {  	_ =	shalt  }
0x85: {  	_ =	shalt  }
0x86: {  	_ =	shalt  }
0x87: {  	_ =	shalt  }
.Lfunc_end0:
.L_simem_size_0:
called_computation.1_lowered:
.L_overlay_start_0:
0x88: {  	s2 =	sld [smem:$0x3FD9]  }
0x89: {  	s3 =	sld [smem:$0x3FFE];
	_ =	sdelay $0x1  }
0x8a: {  	s1 =	srdreg.scid  }
0x8b: {  	s0 =	sand.u32 $0x1, s1  }
0x8c: {  	s17 =	sshll.u32 s0, $0xA;
	s2 =	sadd.s32 s3, s2  }
0x8d: {  	s2 =	sadd.s32 s2, s17  }
0x8e: {  	[smem:$0x3FC6] =	sst s2  }
0x8f: {  	_ = 	snop  }
0x90: {  	s2 =	sld [smem:$0x3FD0];
	(tm) =	ssettm $0x1  }
0x91: {  	s18 =	sld [smem:$0x3FFB];
	_ =	sdelay $0x3  }
0x92: {  	_ =	strace s18  }
0x93: {  	s3 =	sld [smem:$0x3FFC];
	_ =	sdelay $0x3  }
0x94: {  	_ =	strace s3  }
0x95: {  	s3 =	sld [smem:$0x3FFD];
	_ =	sdelay $0x3  }
0x96: {  	_ =	strace s3  }
0x97: {  	_ =	strace $0x8FFFFFFF  }
0x98: {  	s19 =	sld [smem:$0x3FDB];
	_ =	sdelay $0x1  }
0x99: {  	s4 =	simm.s32 $_scs_section_size  }
0x9a: {  	s5 =	simm.s32 $_size__tile_overlayer_lowered;
	s6 =	simm.s32 $_tile_overlayer_lowered  }
0x9b: {  	s22 =	simm.s32 $0x1BFF;
	s21 =	sshll.u32 s6, $0x1;
	s3 =	sadd.s32 s4, s19  }
0x9c: {  	s7 =	simm.s32 $0x0;
	s20 =	sshll.u32 s5, $0x1;
	s5 =	sadd.s32 s21, s3  }
0x9d: {  	[timem:s7], [sflag:s22] =	dma.local [hbm:s5], s20  }
0x9e: {  	_ =	swait.ge [sflag:s22], s20  }
0x9f: {  	s4 =	ssub.s32 $0x0, s20;
	[sflag:s22] =	ssyncset.done $0x0  }
0xa0: {  	[sflag:s22] =	ssyncadd.s32 s4;
	_ =	sdelay $0x1  }
0xa1: {  	s23 =	simm.s32 $0x1B8B  }
0xa2: {  	_ =	swait.ge [sflag:s23], $0x1  }
0xa3: {  	[sflag:s23] =	ssyncset.done $0x0  }
0xa4: {  	s25 =	simm.s32 $0x1B8E;
	s24 =	sld [smem:$0x3FFE];
	[sflag:s23] =	ssyncadd.s32 $0xFFFFFFFF  }
0xa5: {  	s26 =	simm.s32 $execute0_lowered;
	[smem:$0x3FD2] =	sst s25  }
0xa6: {  	s5 =	sshll.u32 s26, $0x1;
	_ =	strace $0x80000046;
	[dreg:$0x1] =	wrdreg $0xFFFFFFFF  }
0xa7: {  	s28 =	simm.s32 $_size_execute0_lowered;
	s3 =	sadd.s32 s3, s5;
	[dreg:$0x0] =	wrdreg $0x0  }
0xa8: {  	s5 =	sshll.u32 s28, $0x1;
	[dreg:$0x2] =	wrdreg s3  }
0xa9: {  	[dreg:$0x3] =	wrdreg s5  }
0xaa: {  	[dreg:$0x4] =	wrdreg $0xC0  }
0xab: {  	_ =	task [dreg:s7], $0x5FFFF  }
0xac: {  	[dreg:$0x1] =	wrdreg $0xFFFFFFFF  }
0xad: {  	[dreg:$0x0] =	wrdreg $0x60  }
0xae: {  	[dreg:$0x2] =	wrdreg s24  }
0xaf: {  	[dreg:$0x3] =	wrdreg s2  }
0xb0: {  	[dreg:$0x4] =	wrdreg $0x9  }
0xb1: {  	_ =	task.clear_ibuf [dreg:s7], $0x5FFFF;
	_ =	strace $0x90000046  }
0xb2: {  	s29 =	simm.s32 $0x9;
	_ =	strace $0x80000048  }
0xb3: {  	_ =	swait.ge [sflag:s29], $0x1  }
0xb4: {  	[sflag:s29] =	ssyncadd.s32 $0xFFFFFFFF  }
0xb5: {  	_ =	strace $0x90000048  }
0xb6: {  	_ =	sfence  }
0xb7: {  	s30 =	sld [smem:$0x0];
	_ =	sdelay $0x2  }
0xb8: {  	s31 =	sshll.u32 s1, $0xD;
	s1 =	sshrl.u32 s1, $0x2  }
0xb9: {  	s3 =	sand.u32 $0x4000, s31;
	s1 =	sadd.s32 s1, s30  }
0xba: {  	s0 =	sor.u32 s3, s0;
	s1 =	sshll.u32 s1, $0x11  }
0xbb: {  	s0 =	sor.u32 s1, s0  }
0xbc: {  	s0 =	sadd.s32 $0x8F2B, s0  }
0xbd: {  	[sflag:s0] =	ssyncadd.remote.s32 $0x1  }
0xbe: {  	_ =	sfence.sel $0xFFFF  }
0xbf: {  	[dreg:$0x0] =	wrdreg $0xFFFFFFFF;
	(pc) =	sbr.abs _section_cstart, $3  }
0xc0: {  	[dreg:$0x1] =	wrdreg $0xFFFFFFFF  }
0xc1: {  	_ =	task.clear_ibuf [dreg:s7], $0x2FFFF;
	_ =	strace $0x9FFFFFFF  }
0xc2: {  	(tm) =	ssettm $0x7FFFFFFF  }
0xc3: {  	_ =	shalt  }
tec
execute0_lowered:
.L_overlay_start_1:
0x0: {  	(tag) =	ssettag $0x1  }
0x1: {  	s0 =	srdreg.scid;
	s2 =	stileid.u32  }
0x2: {  	s1 =	rddreg [dreg:$0x0];
	s12 =	simm.s32 $0x80;
	s13 =	simm.s32 $0x6400  }
0x3: {  	s14 =	simm.s32 $0x8400;
	s16 =	simm.s32 $0xA400;
	s19 =	simm.s32 $0x1  }
0x4: {  	s20 =	simm.s32 $0xE400;
	s21 =	simm.s32 $0x2;
	s22 =	simm.s32 $0x6  }
0x5: {  	s23 =	simm.s32 $0x10400;
	s24 =	simm.s32 $0x3;
	s25 =	simm.s32 $0x7  }
0x6: {  	s26 =	simm.s32 $0x12400;
	s28 =	simm.s32 $0x4;
	s29 =	simm.s32 $0x8  }
0x7: {  	s30 =	simm.s32 $0x14400;
	s0 =	sand.u32 $0x1, s0;
	s3 =	sshll.u32 s2, $0x1  }
0x8: {  	s5 =	sor.u32 s0, s3;
	s3 =	simm.s32 $0x0;
	s0 =	ssub.s32 $0x2, s0  }
0x9: {  	s9 =	smul.u32 $0x6400, s5;
	[smem:$0x7FF] =	sst s3;
	s6 =	sshrl.u32 s0, $0x1  }
0xa: {  	s2 =	rddreg [dreg:$0x1];
	_ =	strace $0x80000047;
	s0 =	ssub.s32 s0, s6  }
0xb: {  	s6 =	smul.u32 $0x190000, s5;
	s4 =	sshrl.u32 s9, $0x3;
	s8 =	sor.u32 $0x100, s9  }
0xc: {  	s0 =	smax.u32 s0, $0x1;
	s7 =	sadd.s32 s4, s1;
	s4 =	sadd.s32 $0xF42E00, s1  }
0xd: {  	[dreg:$0x4] =	wrdreg s0;
	s1 =	simm.s32 $0x0;
	s31 =	sadd.s32 $0xA00, s7  }
0xe: {  	s7 =	sor.u32 $0x80, s9;
	s9 =	sor.u32 $0x180, s9;
	[dreg:$0x3] =	wrdreg s31  }
.LBB2_1:
0xf: {  	[dreg:$0x5] =	wrdreg s1  }
0x10: {  	s0 =	rddreg [dreg:$0x3];
	s15 =	simm.s32 $0x9  }
0x11: {  	[tilespmem:s3], [sflag:$0x9] =	stream.linear.gather [hbm4b:s0+s3], $0x6400, $0x38;
	[tilespmem:$0x16400] =	vst v63  }
0x12: {  	_ =	swait.ge [sflag:s15], $0x6400  }
0x13: {  	[sflag:s15] =	ssyncset.done $0x0  }
0x14: {  	[sflag:s15] =	ssyncadd.s32 $0xFFFF9C00  }
0x15: {  	[tilespmem:s13], [sflag:$0x1] =	stream.indirect.gather [hbm4b:s4+s12], $0x40, s3, s12, $0xb8;
	[tilespmem:$0x16400] =	vst v63  }
0x16: {  	_ = 	snop  }
0x17: {  	[tilespmem:s14], [sflag:$0x2] =	stream.indirect.gather [hbm4b:s4+s12], $0x40, s12, s12, $0xb8;
	[tilespmem:$0x16400] =	vst v63  }
0x18: {  	s17 =	simm.s32 $0x100  }
0x19: {  	[tilespmem:s16], [sflag:$0x3] =	stream.indirect.gather [hbm4b:s4+s12], $0x40, s17, s12, $0xb8;
	[tilespmem:$0x16400] =	vst v63  }
0x1a: {  	s18 =	simm.s32 $0x180;
	s31 =	simm.s32 $0xC400;
	s0 =	simm.s32 $0x0  }
0x1b: {  	[tilespmem:s31], [sflag:$0x4] =	stream.indirect.gather [hbm4b:s4+s12], $0x40, s18, s12, $0xb8;
	[tilespmem:$0x16400] =	vst v63  }
.LBB2_2:
0x1c: {  	_ =	swait.ge [sflag:s19], $0x2000  }
0x1d: {  	p0 =	seq.s32 s0, $0x0;
	[sflag:s19] =	ssyncset.done $0x0  }
0x1e: {  	s1 =	simm.s32 @!p0 $0x5;
	[sflag:s19] =	ssyncadd.s32 $0xFFFFE000  }
0x1f: {  	_ =	swait.ge @!p0 [sflag:s1], $0x2000  }
0x20: {  	[sflag:s1] =	ssyncset.done @!p0 $0x0  }
0x21: {  	s10 =	simm.s32 $0x6600;
	[sflag:s1] =	ssyncadd.s32 @!p0 $0xFFFFE000  }
0x22: {  	v0 =	vld [tilespmem:s10+$0x100];
	_ =	sdelay $0x3  }
0x23: {  	v1 =	vld [tilespmem:s10+$0xFFFFFE00]  }
0x24: {  	v2 =	vld [tilespmem:s10+$0xFFFFFF00];
	v0 =	vmul.f32 $8.000000000e+00, v0  }
0x25: {  	s15 =	simm.s32 $0xE600;
	v3 =	vld [tilespmem:s10+$0x0]  }
0x26: {  	[tilespmem:s15+$0x100] =	vst v0  }
0x27: {  	v0 =	vld [tilespmem:s10+$0x110]  }
0x28: {  	v1 =	vmul.f32 $8.000000000e+00, v1  }
0x29: {  	v2 =	vmul.f32 $8.000000000e+00, v2  }
0x2a: {  	v3 =	vmul.f32 $8.000000000e+00, v3;
	[tilespmem:s15+$0xFFFFFE00] =	vst v1  }
0x2b: {  	[tilespmem:s15+$0xFFFFFF00] =	vst v2;
	v1 =	vld [tilespmem:s10+$0xFFFFFE10]  }
0x2c: {  	[tilespmem:s15+$0x0] =	vst v3;
	v2 =	vld [tilespmem:s10+$0xFFFFFF10];
	v0 =	vmul.f32 $8.000000000e+00, v0  }
0x2d: {  	v3 =	vld [tilespmem:s10+$0x10]  }
0x2e: {  	[tilespmem:s15+$0x110] =	vst v0  }
0x2f: {  	v0 =	vld [tilespmem:s10+$0x120]  }
0x30: {  	v1 =	vmul.f32 $8.000000000e+00, v1  }
0x31: {  	v2 =	vmul.f32 $8.000000000e+00, v2  }
0x32: {  	v3 =	vmul.f32 $8.000000000e+00, v3;
	[tilespmem:s15+$0xFFFFFE10] =	vst v1  }
0x33: {  	[tilespmem:s15+$0xFFFFFF10] =	vst v2;
	v1 =	vld [tilespmem:s10+$0xFFFFFE20]  }
0x34: {  	[tilespmem:s15+$0x10] =	vst v3;
	v2 =	vld [tilespmem:s10+$0xFFFFFF20];
	v0 =	vmul.f32 $8.000000000e+00, v0  }
0x35: {  	v3 =	vld [tilespmem:s10+$0x20]  }
0x36: {  	[tilespmem:s15+$0x120] =	vst v0  }
0x37: {  	v0 =	vld [tilespmem:s10+$0x130]  }
0x38: {  	v1 =	vmul.f32 $8.000000000e+00, v1  }
0x39: {  	v2 =	vmul.f32 $8.000000000e+00, v2  }
0x3a: {  	v3 =	vmul.f32 $8.000000000e+00, v3;
	[tilespmem:s15+$0xFFFFFE20] =	vst v1  }
0x3b: {  	[tilespmem:s15+$0xFFFFFF20] =	vst v2;
	v1 =	vld [tilespmem:s10+$0xFFFFFE30]  }
0x3c: {  	[tilespmem:s15+$0x20] =	vst v3;
	v2 =	vld [tilespmem:s10+$0xFFFFFF30];
	v0 =	vmul.f32 $8.000000000e+00, v0  }
0x3d: {  	v3 =	vld [tilespmem:s10+$0x30]  }
0x3e: {  	[tilespmem:s15+$0x130] =	vst v0  }
0x3f: {  	v0 =	vld [tilespmem:s10+$0x140]  }
0x40: {  	v1 =	vmul.f32 $8.000000000e+00, v1  }
0x41: {  	v2 =	vmul.f32 $8.000000000e+00, v2  }
0x42: {  	v3 =	vmul.f32 $8.000000000e+00, v3;
	[tilespmem:s15+$0xFFFFFE30] =	vst v1  }
0x43: {  	[tilespmem:s15+$0xFFFFFF30] =	vst v2;
	v1 =	vld [tilespmem:s10+$0xFFFFFE40]  }
0x44: {  	[tilespmem:s15+$0x30] =	vst v3;
	v2 =	vld [tilespmem:s10+$0xFFFFFF40];
	v0 =	vmul.f32 $8.000000000e+00, v0  }
0x45: {  	v3 =	vld [tilespmem:s10+$0x40]  }
0x46: {  	[tilespmem:s15+$0x140] =	vst v0  }
0x47: {  	v0 =	vld [tilespmem:s10+$0x150]  }
0x48: {  	v1 =	vmul.f32 $8.000000000e+00, v1  }
0x49: {  	v2 =	vmul.f32 $8.000000000e+00, v2  }
0x4a: {  	v3 =	vmul.f32 $8.000000000e+00, v3;
	[tilespmem:s15+$0xFFFFFE40] =	vst v1  }
0x4b: {  	[tilespmem:s15+$0xFFFFFF40] =	vst v2;
	v1 =	vld [tilespmem:s10+$0xFFFFFE50]  }
0x4c: {  	[tilespmem:s15+$0x40] =	vst v3;
	v2 =	vld [tilespmem:s10+$0xFFFFFF50];
	v0 =	vmul.f32 $8.000000000e+00, v0  }
0x4d: {  	v3 =	vld [tilespmem:s10+$0x50]  }
0x4e: {  	[tilespmem:s15+$0x150] =	vst v0  }
0x4f: {  	v0 =	vld [tilespmem:s10+$0x160]  }
0x50: {  	v1 =	vmul.f32 $8.000000000e+00, v1  }
0x51: {  	v2 =	vmul.f32 $8.000000000e+00, v2  }
0x52: {  	v3 =	vmul.f32 $8.000000000e+00, v3;
	[tilespmem:s15+$0xFFFFFE50] =	vst v1  }
0x53: {  	[tilespmem:s15+$0xFFFFFF50] =	vst v2;
	v1 =	vld [tilespmem:s10+$0xFFFFFE60]  }
0x54: {  	[tilespmem:s15+$0x50] =	vst v3;
	v2 =	vld [tilespmem:s10+$0xFFFFFF60];
	v0 =	vmul.f32 $8.000000000e+00, v0  }
0x55: {  	v3 =	vld [tilespmem:s10+$0x60]  }
0x56: {  	[tilespmem:s15+$0x160] =	vst v0  }
0x57: {  	v0 =	vld [tilespmem:s10+$0x170]  }
0x58: {  	v1 =	vmul.f32 $8.000000000e+00, v1  }
0x59: {  	v2 =	vmul.f32 $8.000000000e+00, v2  }
0x5a: {  	v3 =	vmul.f32 $8.000000000e+00, v3;
	[tilespmem:s15+$0xFFFFFE60] =	vst v1  }
0x5b: {  	[tilespmem:s15+$0xFFFFFF60] =	vst v2;
	v1 =	vld [tilespmem:s10+$0xFFFFFE70]  }
0x5c: {  	[tilespmem:s15+$0x60] =	vst v3;
	v2 =	vld [tilespmem:s10+$0xFFFFFF70];
	v0 =	vmul.f32 $8.000000000e+00, v0  }
0x5d: {  	s5 =	simm.s32 $0x6A00;
	v3 =	vld [tilespmem:s10+$0x70]  }
0x5e: {  	[tilespmem:s15+$0x170] =	vst v0;
	v0 =	vld [tilespmem:s5+$0x100]  }
0x5f: {  	v4 =	vld [tilespmem:s10+$0x180]  }
0x60: {  	v5 =	vld [tilespmem:s5+$0xFFFFFF00];
	v1 =	vmul.f32 $8.000000000e+00, v1  }
0x61: {  	v6 =	vld [tilespmem:s5+$0x0];
	v2 =	vmul.f32 $8.000000000e+00, v2  }
0x62: {  	v3 =	vmul.f32 $8.000000000e+00, v3;
	[tilespmem:s15+$0xFFFFFE70] =	vst v1;
	v1 =	vld [tilespmem:s5+$0xFFFFFE00]  }
0x63: {  	[tilespmem:s15+$0xFFFFFF70] =	vst v2;
	v2 =	vld [tilespmem:s10+$0xFFFFFE80];
	v0 =	vmul.f32 $8.000000000e+00, v0  }
0x64: {  	s17 =	simm.s32 $0xEA00;
	[tilespmem:s15+$0x70] =	vst v3;
	v3 =	vld [tilespmem:s10+$0xFFFFFF80];
	v4 =	vmul.f32 $8.000000000e+00, v4  }
0x65: {  	v5 =	vmul.f32 $8.000000000e+00, v5;
	[tilespmem:s17+$0x100] =	vst v0;
	v0 =	vld [tilespmem:s10+$0x80]  }
0x66: {  	v6 =	vmul.f32 $8.000000000e+00, v6;
	v7 =	vld [tilespmem:s5+$0x110];
	[tilespmem:s15+$0x180] =	vst v4  }
0x67: {  	[tilespmem:s17+$0xFFFFFF00] =	vst v5;
	v1 =	vmul.f32 $8.000000000e+00, v1;
	v4 =	vld [tilespmem:s10+$0x190]  }
0x68: {  	[tilespmem:s17+$0x0] =	vst v6;
	v5 =	vld [tilespmem:s5+$0xFFFFFF10];
	v2 =	vmul.f32 $8.000000000e+00, v2  }
0x69: {  	v3 =	vmul.f32 $8.000000000e+00, v3;
	[tilespmem:s17+$0xFFFFFE00] =	vst v1;
	v1 =	vld [tilespmem:s5+$0x10]  }
0x6a: {  	v6 =	vld [tilespmem:s5+$0xFFFFFE10];
	[tilespmem:s15+$0xFFFFFE80] =	vst v2;
	v0 =	vmul.f32 $8.000000000e+00, v0  }
0x6b: {  	[tilespmem:s15+$0xFFFFFF80] =	vst v3;
	v2 =	vmul.f32 $8.000000000e+00, v7;
	v7 =	vld [tilespmem:s10+$0xFFFFFE90]  }
0x6c: {  	v3 =	vld [tilespmem:s10+$0xFFFFFF90];
	[tilespmem:s15+$0x80] =	vst v0;
	v0 =	vmul.f32 $8.000000000e+00, v4  }
0x6d: {  	v4 =	vmul.f32 $8.000000000e+00, v5;
	[tilespmem:s17+$0x110] =	vst v2;
	v2 =	vld [tilespmem:s10+$0x90]  }
0x6e: {  	v1 =	vmul.f32 $8.000000000e+00, v1;
	v5 =	vld [tilespmem:s5+$0x120];
	[tilespmem:s15+$0x190] =	vst v0  }
0x6f: {  	v0 =	vmul.f32 $8.000000000e+00, v6;
	[tilespmem:s17+$0xFFFFFF10] =	vst v4;
	v4 =	vld [tilespmem:s10+$0x1A0]  }
0x70: {  	[tilespmem:s17+$0x10] =	vst v1;
	v6 =	vld [tilespmem:s5+$0xFFFFFF20];
	v1 =	vmul.f32 $8.000000000e+00, v7  }
0x71: {  	v3 =	vmul.f32 $8.000000000e+00, v3;
	[tilespmem:s17+$0xFFFFFE10] =	vst v0;
	v0 =	vld [tilespmem:s5+$0x20]  }
0x72: {  	v7 =	vld [tilespmem:s5+$0xFFFFFE20];
	[tilespmem:s15+$0xFFFFFE90] =	vst v1;
	v1 =	vmul.f32 $8.000000000e+00, v2  }
0x73: {  	[tilespmem:s15+$0xFFFFFF90] =	vst v3;
	v2 =	vmul.f32 $8.000000000e+00, v5;
	v5 =	vld [tilespmem:s10+$0xFFFFFEA0]  }
0x74: {  	v3 =	vld [tilespmem:s10+$0xFFFFFFA0];
	[tilespmem:s15+$0x90] =	vst v1;
	v1 =	vmul.f32 $8.000000000e+00, v4  }
0x75: {  	v4 =	vmul.f32 $8.000000000e+00, v6;
	[tilespmem:s17+$0x120] =	vst v2;
	v2 =	vld [tilespmem:s10+$0xA0]  }
0x76: {  	v0 =	vmul.f32 $8.000000000e+00, v0;
	v6 =	vld [tilespmem:s5+$0x130];
	[tilespmem:s15+$0x1A0] =	vst v1  }
0x77: {  	v1 =	vmul.f32 $8.000000000e+00, v7;
	[tilespmem:s17+$0xFFFFFF20] =	vst v4;
	v4 =	vld [tilespmem:s10+$0x1B0]  }
0x78: {  	v7 =	vld [tilespmem:s5+$0xFFFFFF30];
	[tilespmem:s17+$0x20] =	vst v0;
	v0 =	vmul.f32 $8.000000000e+00, v5  }
0x79: {  	v3 =	vmul.f32 $8.000000000e+00, v3;
	[tilespmem:s17+$0xFFFFFE20] =	vst v1;
	v1 =	vld [tilespmem:s5+$0x30]  }
0x7a: {  	v5 =	vld [tilespmem:s5+$0xFFFFFE30];
	[tilespmem:s15+$0xFFFFFEA0] =	vst v0;
	v0 =	vmul.f32 $8.000000000e+00, v2  }
0x7b: {  	[tilespmem:s15+$0xFFFFFFA0] =	vst v3;
	v2 =	vmul.f32 $8.000000000e+00, v6;
	v6 =	vld [tilespmem:s10+$0xFFFFFEB0]  }
0x7c: {  	v3 =	vld [tilespmem:s10+$0xFFFFFFB0];
	[tilespmem:s15+$0xA0] =	vst v0;
	v0 =	vmul.f32 $8.000000000e+00, v4  }
0x7d: {  	v4 =	vmul.f32 $8.000000000e+00, v7;
	[tilespmem:s17+$0x130] =	vst v2;
	v2 =	vld [tilespmem:s10+$0xB0]  }
0x7e: {  	v1 =	vmul.f32 $8.000000000e+00, v1;
	v7 =	vld [tilespmem:s5+$0x140];
	[tilespmem:s15+$0x1B0] =	vst v0  }
0x7f: {  	v0 =	vmul.f32 $8.000000000e+00, v5;
	[tilespmem:s17+$0xFFFFFF30] =	vst v4;
	v4 =	vld [tilespmem:s10+$0x1C0]  }
0x80: {  	v5 =	vld [tilespmem:s5+$0xFFFFFF40];
	[tilespmem:s17+$0x30] =	vst v1;
	v1 =	vmul.f32 $8.000000000e+00, v6  }
0x81: {  	v3 =	vmul.f32 $8.000000000e+00, v3;
	[tilespmem:s17+$0xFFFFFE30] =	vst v0;
	v0 =	vld [tilespmem:s5+$0x40]  }
0x82: {  	v6 =	vld [tilespmem:s5+$0xFFFFFE40];
	[tilespmem:s15+$0xFFFFFEB0] =	vst v1;
	v1 =	vmul.f32 $8.000000000e+00, v2  }
0x83: {  	[tilespmem:s15+$0xFFFFFFB0] =	vst v3;
	v2 =	vmul.f32 $8.000000000e+00, v7;
	v7 =	vld [tilespmem:s10+$0xFFFFFEC0]  }
0x84: {  	v3 =	vld [tilespmem:s10+$0xFFFFFFC0];
	[tilespmem:s15+$0xB0] =	vst v1;
	v1 =	vmul.f32 $8.000000000e+00, v4  }
0x85: {  	v4 =	vmul.f32 $8.000000000e+00, v5;
	[tilespmem:s17+$0x140] =	vst v2;
	v2 =	vld [tilespmem:s10+$0xC0]  }
0x86: {  	v0 =	vmul.f32 $8.000000000e+00, v0;
	v5 =	vld [tilespmem:s5+$0x150];
	[tilespmem:s15+$0x1C0] =	vst v1  }
0x87: {  	v1 =	vmul.f32 $8.000000000e+00, v6;
	[tilespmem:s17+$0xFFFFFF40] =	vst v4;
	v4 =	vld [tilespmem:s10+$0x1D0]  }
0x88: {  	v6 =	vld [tilespmem:s5+$0xFFFFFF50];
	[tilespmem:s17+$0x40] =	vst v0;
	v0 =	vmul.f32 $8.000000000e+00, v7  }
0x89: {  	v3 =	vmul.f32 $8.000000000e+00, v3;
	[tilespmem:s17+$0xFFFFFE40] =	vst v1;
	v1 =	vld [tilespmem:s5+$0x50]  }
0x8a: {  	v7 =	vld [tilespmem:s5+$0xFFFFFE50];
	[tilespmem:s15+$0xFFFFFEC0] =	vst v0;
	v0 =	vmul.f32 $8.000000000e+00, v2  }
0x8b: {  	[tilespmem:s15+$0xFFFFFFC0] =	vst v3;
	v2 =	vmul.f32 $8.000000000e+00, v5;
	v5 =	vld [tilespmem:s10+$0xFFFFFED0]  }
0x8c: {  	v3 =	vld [tilespmem:s10+$0xFFFFFFD0];
	[tilespmem:s15+$0xC0] =	vst v0;
	v0 =	vmul.f32 $8.000000000e+00, v4  }
0x8d: {  	v4 =	vmul.f32 $8.000000000e+00, v6;
	[tilespmem:s17+$0x150] =	vst v2;
	v2 =	vld [tilespmem:s10+$0xD0]  }
0x8e: {  	v1 =	vmul.f32 $8.000000000e+00, v1;
	v6 =	vld [tilespmem:s5+$0x160];
	[tilespmem:s15+$0x1D0] =	vst v0  }
0x8f: {  	v0 =	vmul.f32 $8.000000000e+00, v7;
	[tilespmem:s17+$0xFFFFFF50] =	vst v4;
	v4 =	vld [tilespmem:s10+$0x1E0]  }
0x90: {  	v7 =	vld [tilespmem:s5+$0xFFFFFF60];
	[tilespmem:s17+$0x50] =	vst v1;
	v1 =	vmul.f32 $8.000000000e+00, v5  }
0x91: {  	v3 =	vmul.f32 $8.000000000e+00, v3;
	[tilespmem:s17+$0xFFFFFE50] =	vst v0;
	v0 =	vld [tilespmem:s5+$0x60]  }
0x92: {  	v5 =	vld [tilespmem:s5+$0xFFFFFE60];
	[tilespmem:s15+$0xFFFFFED0] =	vst v1;
	v1 =	vmul.f32 $8.000000000e+00, v2  }
0x93: {  	[tilespmem:s15+$0xFFFFFFD0] =	vst v3;
	v2 =	vmul.f32 $8.000000000e+00, v6;
	v6 =	vld [tilespmem:s10+$0xFFFFFEE0]  }
0x94: {  	v3 =	vld [tilespmem:s10+$0xFFFFFFE0];
	[tilespmem:s15+$0xD0] =	vst v1;
	v1 =	vmul.f32 $8.000000000e+00, v4  }
0x95: {  	v4 =	vmul.f32 $8.000000000e+00, v7;
	[tilespmem:s17+$0x160] =	vst v2;
	v2 =	vld [tilespmem:s10+$0xE0]  }
0x96: {  	v0 =	vmul.f32 $8.000000000e+00, v0;
	v7 =	vld [tilespmem:s5+$0x170];
	[tilespmem:s15+$0x1E0] =	vst v1  }
0x97: {  	v1 =	vmul.f32 $8.000000000e+00, v5;
	[tilespmem:s17+$0xFFFFFF60] =	vst v4;
	v8 =	vld [tilespmem:s10+$0x1F0]  }
0x98: {  	v9 =	vld [tilespmem:s5+$0xFFFFFF70];
	[tilespmem:s17+$0x60] =	vst v0;
	v0 =	vmul.f32 $8.000000000e+00, v6  }
0x99: {  	v3 =	vmul.f32 $8.000000000e+00, v3;
	[tilespmem:s17+$0xFFFFFE60] =	vst v1;
	v4 =	vld [tilespmem:s5+$0x70]  }
0x9a: {  	v5 =	vld [tilespmem:s5+$0xFFFFFE70];
	[tilespmem:s15+$0xFFFFFEE0] =	vst v0;
	v2 =	vmul.f32 $8.000000000e+00, v2  }
0x9b: {  	[tilespmem:s15+$0xFFFFFFE0] =	vst v3;
	v7 =	vmul.f32 $8.000000000e+00, v7;
	v1 =	vld [tilespmem:s10+$0xFFFFFEF0]  }
0x9c: {  	v0 =	vld [tilespmem:s10+$0xFFFFFFF0];
	[tilespmem:s15+$0xE0] =	vst v2;
	v3 =	vmul.f32 $8.000000000e+00, v8  }
0x9d: {  	s11 =	simm.s32 $0x4;
	s18 =	simm.s32 $0x6E00;
	v6 =	vmul.f32 $8.000000000e+00, v9;
	[tilespmem:s17+$0x170] =	vst v7;
	v2 =	vld [tilespmem:s10+$0xF0]  }
.LBB2_3:
0x9e: {  	v7 =	vld [tilespmem:s18+$0x100];
	v4 =	vmul.f32 $8.000000000e+00, v4;
	[tilespmem:s15+$0x1F0] =	vst v3  }
0x9f: {  	s11 =	sadd.s32 $0x4, s11;
	v3 =	vmul.f32 $8.000000000e+00, v5;
	[tilespmem:s17+$0xFFFFFF70] =	vst v6;
	v5 =	vld [tilespmem:s5+$0x180]  }
0xa0: {  	p1 =	slt.u32 s11, $0x1C;
	v6 =	vld [tilespmem:s18+$0xFFFFFF00];
	[tilespmem:s17+$0x70] =	vst v4;
	v1 =	vmul.f32 $8.000000000e+00, v1  }
0xa1: {  	v4 =	vld [tilespmem:s18+$0x0];
	[tilespmem:s17+$0xFFFFFE70] =	vst v3;
	v0 =	vmul.f32 $8.000000000e+00, v0  }
0xa2: {  	v3 =	vld [tilespmem:s18+$0xFFFFFE00];
	[tilespmem:s15+$0xFFFFFEF0] =	vst v1;
	v1 =	vmul.f32 $8.000000000e+00, v2  }
0xa3: {  	v2 =	vmul.f32 $8.000000000e+00, v7;
	v7 =	vld [tilespmem:s5+$0xFFFFFE80];
	[tilespmem:s15+$0xFFFFFFF0] =	vst v0  }
0xa4: {  	v0 =	vld [tilespmem:s5+$0xFFFFFF80];
	v5 =	vmul.f32 $8.000000000e+00, v5;
	[tilespmem:s15+$0xF0] =	vst v1;
	s15 =	smov.u32 s17;
	s17 =	sadd.s32 $0x400, s17  }
0xa5: {  	v1 =	vmul.f32 $8.000000000e+00, v6;
	[tilespmem:s17+$0x100] =	vst v2;
	v2 =	vld [tilespmem:s5+$0x80]  }
0xa6: {  	v4 =	vmul.f32 $8.000000000e+00, v4;
	v6 =	vld [tilespmem:s18+$0x110];
	[tilespmem:s15+$0x180] =	vst v5  }
0xa7: {  	v3 =	vmul.f32 $8.000000000e+00, v3;
	[tilespmem:s17+$0xFFFFFF00] =	vst v1;
	v1 =	vld [tilespmem:s5+$0x190]  }
0xa8: {  	v5 =	vld [tilespmem:s18+$0xFFFFFF10];
	[tilespmem:s17+$0x0] =	vst v4;
	v4 =	vmul.f32 $8.000000000e+00, v7  }
0xa9: {  	[tilespmem:s17+$0xFFFFFE00] =	vst v3;
	v3 =	vld [tilespmem:s18+$0x10];
	v0 =	vmul.f32 $8.000000000e+00, v0  }
0xaa: {  	v7 =	vld [tilespmem:s18+$0xFFFFFE10];
	[tilespmem:s15+$0xFFFFFE80] =	vst v4;
	v2 =	vmul.f32 $8.000000000e+00, v2  }
0xab: {  	v4 =	vmul.f32 $8.000000000e+00, v6;
	v6 =	vld [tilespmem:s5+$0xFFFFFE90];
	[tilespmem:s15+$0xFFFFFF80] =	vst v0  }
0xac: {  	v0 =	vld [tilespmem:s5+$0xFFFFFF90];
	[tilespmem:s15+$0x80] =	vst v2;
	v1 =	vmul.f32 $8.000000000e+00, v1  }
0xad: {  	v2 =	vmul.f32 $8.000000000e+00, v5;
	[tilespmem:s17+$0x110] =	vst v4;
	v4 =	vld [tilespmem:s5+$0x90]  }
0xae: {  	v3 =	vmul.f32 $8.000000000e+00, v3;
	v5 =	vld [tilespmem:s18+$0x120];
	[tilespmem:s15+$0x190] =	vst v1  }
0xaf: {  	v1 =	vmul.f32 $8.000000000e+00, v7;
	[tilespmem:s17+$0xFFFFFF10] =	vst v2;
	v2 =	vld [tilespmem:s5+$0x1A0]  }
0xb0: {  	v7 =	vld [tilespmem:s18+$0xFFFFFF20];
	[tilespmem:s17+$0x10] =	vst v3;
	v3 =	vmul.f32 $8.000000000e+00, v6  }
0xb1: {  	[tilespmem:s17+$0xFFFFFE10] =	vst v1;
	v1 =	vld [tilespmem:s18+$0x20];
	v0 =	vmul.f32 $8.000000000e+00, v0  }
0xb2: {  	v6 =	vld [tilespmem:s18+$0xFFFFFE20];
	[tilespmem:s15+$0xFFFFFE90] =	vst v3;
	v3 =	vmul.f32 $8.000000000e+00, v4  }
0xb3: {  	v4 =	vmul.f32 $8.000000000e+00, v5;
	v5 =	vld [tilespmem:s5+$0xFFFFFEA0];
	[tilespmem:s15+$0xFFFFFF90] =	vst v0  }
0xb4: {  	v0 =	vld [tilespmem:s5+$0xFFFFFFA0];
	[tilespmem:s15+$0x90] =	vst v3;
	v2 =	vmul.f32 $8.000000000e+00, v2  }
0xb5: {  	v3 =	vmul.f32 $8.000000000e+00, v7;
	[tilespmem:s17+$0x120] =	vst v4;
	v4 =	vld [tilespmem:s5+$0xA0]  }
0xb6: {  	v1 =	vmul.f32 $8.000000000e+00, v1;
	v7 =	vld [tilespmem:s18+$0x130];
	[tilespmem:s15+$0x1A0] =	vst v2  }
0xb7: {  	v2 =	vmul.f32 $8.000000000e+00, v6;
	[tilespmem:s17+$0xFFFFFF20] =	vst v3;
	v3 =	vld [tilespmem:s5+$0x1B0]  }
0xb8: {  	v6 =	vld [tilespmem:s18+$0xFFFFFF30];
	[tilespmem:s17+$0x20] =	vst v1;
	v1 =	vmul.f32 $8.000000000e+00, v5  }
0xb9: {  	[tilespmem:s17+$0xFFFFFE20] =	vst v2;
	v2 =	vld [tilespmem:s18+$0x30];
	v0 =	vmul.f32 $8.000000000e+00, v0  }
0xba: {  	v5 =	vld [tilespmem:s18+$0xFFFFFE30];
	[tilespmem:s15+$0xFFFFFEA0] =	vst v1;
	v1 =	vmul.f32 $8.000000000e+00, v4  }
0xbb: {  	v4 =	vmul.f32 $8.000000000e+00, v7;
	v7 =	vld [tilespmem:s5+$0xFFFFFEB0];
	[tilespmem:s15+$0xFFFFFFA0] =	vst v0  }
0xbc: {  	v0 =	vld [tilespmem:s5+$0xFFFFFFB0];
	[tilespmem:s15+$0xA0] =	vst v1;
	v1 =	vmul.f32 $8.000000000e+00, v3  }
0xbd: {  	v3 =	vmul.f32 $8.000000000e+00, v6;
	[tilespmem:s17+$0x130] =	vst v4;
	v4 =	vld [tilespmem:s5+$0xB0]  }
0xbe: {  	v2 =	vmul.f32 $8.000000000e+00, v2;
	v6 =	vld [tilespmem:s18+$0x140];
	[tilespmem:s15+$0x1B0] =	vst v1  }
0xbf: {  	v1 =	vmul.f32 $8.000000000e+00, v5;
	[tilespmem:s17+$0xFFFFFF30] =	vst v3;
	v3 =	vld [tilespmem:s5+$0x1C0]  }
0xc0: {  	v5 =	vld [tilespmem:s18+$0xFFFFFF40];
	[tilespmem:s17+$0x30] =	vst v2;
	v2 =	vmul.f32 $8.000000000e+00, v7  }
0xc1: {  	[tilespmem:s17+$0xFFFFFE30] =	vst v1;
	v1 =	vld [tilespmem:s18+$0x40];
	v0 =	vmul.f32 $8.000000000e+00, v0  }
0xc2: {  	v7 =	vld [tilespmem:s18+$0xFFFFFE40];
	[tilespmem:s15+$0xFFFFFEB0] =	vst v2;
	v2 =	vmul.f32 $8.000000000e+00, v4  }
0xc3: {  	v4 =	vmul.f32 $8.000000000e+00, v6;
	v6 =	vld [tilespmem:s5+$0xFFFFFEC0];
	[tilespmem:s15+$0xFFFFFFB0] =	vst v0  }
0xc4: {  	v0 =	vld [tilespmem:s5+$0xFFFFFFC0];
	[tilespmem:s15+$0xB0] =	vst v2;
	v2 =	vmul.f32 $8.000000000e+00, v3  }
0xc5: {  	v3 =	vmul.f32 $8.000000000e+00, v5;
	[tilespmem:s17+$0x140] =	vst v4;
	v4 =	vld [tilespmem:s5+$0xC0]  }
0xc6: {  	v1 =	vmul.f32 $8.000000000e+00, v1;
	v5 =	vld [tilespmem:s18+$0x150];
	[tilespmem:s15+$0x1C0] =	vst v2  }
0xc7: {  	v2 =	vmul.f32 $8.000000000e+00, v7;
	[tilespmem:s17+$0xFFFFFF40] =	vst v3;
	v3 =	vld [tilespmem:s5+$0x1D0]  }
0xc8: {  	v7 =	vld [tilespmem:s18+$0xFFFFFF50];
	[tilespmem:s17+$0x40] =	vst v1;
	v1 =	vmul.f32 $8.000000000e+00, v6  }
0xc9: {  	[tilespmem:s17+$0xFFFFFE40] =	vst v2;
	v2 =	vld [tilespmem:s18+$0x50];
	v0 =	vmul.f32 $8.000000000e+00, v0  }
0xca: {  	v6 =	vld [tilespmem:s18+$0xFFFFFE50];
	[tilespmem:s15+$0xFFFFFEC0] =	vst v1;
	v1 =	vmul.f32 $8.000000000e+00, v4  }
0xcb: {  	v4 =	vmul.f32 $8.000000000e+00, v5;
	v5 =	vld [tilespmem:s5+$0xFFFFFED0];
	[tilespmem:s15+$0xFFFFFFC0] =	vst v0  }
0xcc: {  	v0 =	vld [tilespmem:s5+$0xFFFFFFD0];
	[tilespmem:s15+$0xC0] =	vst v1;
	v1 =	vmul.f32 $8.000000000e+00, v3  }
0xcd: {  	v3 =	vmul.f32 $8.000000000e+00, v7;
	[tilespmem:s17+$0x150] =	vst v4;
	v4 =	vld [tilespmem:s5+$0xD0]  }
0xce: {  	v2 =	vmul.f32 $8.000000000e+00, v2;
	v7 =	vld [tilespmem:s18+$0x160];
	[tilespmem:s15+$0x1D0] =	vst v1  }
0xcf: {  	v1 =	vmul.f32 $8.000000000e+00, v6;
	[tilespmem:s17+$0xFFFFFF50] =	vst v3;
	v3 =	vld [tilespmem:s5+$0x1E0]  }
0xd0: {  	v6 =	vld [tilespmem:s18+$0xFFFFFF60];
	[tilespmem:s17+$0x50] =	vst v2;
	v2 =	vmul.f32 $8.000000000e+00, v5  }
0xd1: {  	[tilespmem:s17+$0xFFFFFE50] =	vst v1;
	v1 =	vld [tilespmem:s18+$0x60];
	v0 =	vmul.f32 $8.000000000e+00, v0  }
0xd2: {  	v5 =	vld [tilespmem:s18+$0xFFFFFE60];
	[tilespmem:s15+$0xFFFFFED0] =	vst v2;
	v2 =	vmul.f32 $8.000000000e+00, v4  }
0xd3: {  	v4 =	vmul.f32 $8.000000000e+00, v7;
	v7 =	vld [tilespmem:s5+$0xFFFFFEE0];
	[tilespmem:s15+$0xFFFFFFD0] =	vst v0  }
0xd4: {  	v0 =	vld [tilespmem:s5+$0xFFFFFFE0];
	[tilespmem:s15+$0xD0] =	vst v2;
	v2 =	vmul.f32 $8.000000000e+00, v3  }
0xd5: {  	v3 =	vmul.f32 $8.000000000e+00, v6;
	[tilespmem:s17+$0x160] =	vst v4;
	v6 =	vld [tilespmem:s5+$0xE0]  }
0xd6: {  	v1 =	vmul.f32 $8.000000000e+00, v1;
	v8 =	vld [tilespmem:s18+$0x170];
	[tilespmem:s15+$0x1E0] =	vst v2  }
0xd7: {  	v2 =	vmul.f32 $8.000000000e+00, v5;
	[tilespmem:s17+$0xFFFFFF60] =	vst v3;
	v3 =	vld [tilespmem:s5+$0x1F0]  }
0xd8: {  	v9 =	vld [tilespmem:s18+$0xFFFFFF70];
	[tilespmem:s17+$0x60] =	vst v1;
	v1 =	vmul.f32 $8.000000000e+00, v7  }
.Ltmp0:
0xd9: {  	[tilespmem:s17+$0xFFFFFE60] =	vst v2;
	v4 =	vld [tilespmem:s18+$0x70];
	v0 =	vmul.f32 $8.000000000e+00, v0;
	(pc) =	sbr.rel @p1 .LBB2_3-.Ltmp0, $4  }
0xda: {  	v5 =	vld [tilespmem:s18+$0xFFFFFE70];
	[tilespmem:s15+$0xFFFFFEE0] =	vst v1;
	v2 =	vmul.f32 $8.000000000e+00, v6  }
0xdb: {  	v7 =	vmul.f32 $8.000000000e+00, v8;
	v1 =	vld [tilespmem:s5+$0xFFFFFEF0];
	[tilespmem:s15+$0xFFFFFFE0] =	vst v0  }
0xdc: {  	v0 =	vld [tilespmem:s5+$0xFFFFFFF0];
	[tilespmem:s15+$0xE0] =	vst v2;
	v3 =	vmul.f32 $8.000000000e+00, v3  }
0xdd: {  	v6 =	vmul.f32 $8.000000000e+00, v9;
	[tilespmem:s17+$0x170] =	vst v7;
	v2 =	vld [tilespmem:s5+$0xF0];
	s5 =	smov.u32 s18;
	s18 =	sadd.s32 $0x400, s18  }
0xde: {  	v4 =	vmul.f32 $8.000000000e+00, v4  }
0xdf: {  	v7 =	vld [tilespmem:s5+$0x180];
	v5 =	vmul.f32 $8.000000000e+00, v5;
	[tilespmem:s17+$0xFFFFFF70] =	vst v6  }
0xe0: {  	[tilespmem:s17+$0x70] =	vst v4;
	v51 =	vld [tilespmem:s5+$0xFFFFFF80]  }
0xe1: {  	[tilespmem:s17+$0xFFFFFE70] =	vst v5;
	v52 =	vld [tilespmem:s5+$0x80]  }
0xe2: {  	v5 =	vld [tilespmem:s5+$0xFFFFFE80];
	_ =	sdelay $0x1  }
0xe3: {  	v7 =	vmul.f32 $8.000000000e+00, v7  }
0xe4: {  	v4 =	vmul.f32 $8.000000000e+00, v51  }
0xe5: {  	[tilespmem:s17+$0x180] =	vst v7;
	v53 =	vmul.f32 $8.000000000e+00, v52  }
0xe6: {  	v7 =	vld [tilespmem:s5+$0x190];
	v5 =	vmul.f32 $8.000000000e+00, v5;
	[tilespmem:s17+$0xFFFFFF80] =	vst v4  }
0xe7: {  	v4 =	vld [tilespmem:s5+$0xFFFFFF90];
	[tilespmem:s17+$0x80] =	vst v53  }
0xe8: {  	[tilespmem:s17+$0xFFFFFE80] =	vst v5;
	v5 =	vld [tilespmem:s5+$0x90]  }
0xe9: {  	v54 =	vld [tilespmem:s5+$0xFFFFFE90];
	_ =	sdelay $0x1  }
0xea: {  	v7 =	vmul.f32 $8.000000000e+00, v7  }
0xeb: {  	v4 =	vmul.f32 $8.000000000e+00, v4  }
0xec: {  	[tilespmem:s17+$0x190] =	vst v7;
	v5 =	vmul.f32 $8.000000000e+00, v5  }
0xed: {  	v7 =	vld [tilespmem:s5+$0x1A0];
	v6 =	vmul.f32 $8.000000000e+00, v54;
	[tilespmem:s17+$0xFFFFFF90] =	vst v4  }
0xee: {  	v4 =	vld [tilespmem:s5+$0xFFFFFFA0];
	[tilespmem:s17+$0x90] =	vst v5  }
0xef: {  	[tilespmem:s17+$0xFFFFFE90] =	vst v6;
	v5 =	vld [tilespmem:s5+$0xA0]  }
0xf0: {  	v6 =	vld [tilespmem:s5+$0xFFFFFEA0];
	_ =	sdelay $0x1  }
0xf1: {  	v7 =	vmul.f32 $8.000000000e+00, v7  }
0xf2: {  	v4 =	vmul.f32 $8.000000000e+00, v4  }
0xf3: {  	[tilespmem:s17+$0x1A0] =	vst v7;
	v5 =	vmul.f32 $8.000000000e+00, v5  }
0xf4: {  	v7 =	vld [tilespmem:s5+$0x1B0];
	v6 =	vmul.f32 $8.000000000e+00, v6;
	[tilespmem:s17+$0xFFFFFFA0] =	vst v4  }
0xf5: {  	v4 =	vld [tilespmem:s5+$0xFFFFFFB0];
	[tilespmem:s17+$0xA0] =	vst v5  }
0xf6: {  	[tilespmem:s17+$0xFFFFFEA0] =	vst v6;
	v5 =	vld [tilespmem:s5+$0xB0]  }
0xf7: {  	v6 =	vld [tilespmem:s5+$0xFFFFFEB0];
	_ =	sdelay $0x1  }
0xf8: {  	v7 =	vmul.f32 $8.000000000e+00, v7  }
0xf9: {  	v4 =	vmul.f32 $8.000000000e+00, v4  }
0xfa: {  	[tilespmem:s17+$0x1B0] =	vst v7;
	v5 =	vmul.f32 $8.000000000e+00, v5  }
0xfb: {  	v7 =	vld [tilespmem:s5+$0x1C0];
	v6 =	vmul.f32 $8.000000000e+00, v6;
	[tilespmem:s17+$0xFFFFFFB0] =	vst v4  }
0xfc: {  	v4 =	vld [tilespmem:s5+$0xFFFFFFC0];
	[tilespmem:s17+$0xB0] =	vst v5  }
0xfd: {  	[tilespmem:s17+$0xFFFFFEB0] =	vst v6;
	v5 =	vld [tilespmem:s5+$0xC0]  }
0xfe: {  	v6 =	vld [tilespmem:s5+$0xFFFFFEC0];
	_ =	sdelay $0x1  }
0xff: {  	v7 =	vmul.f32 $8.000000000e+00, v7  }
0x100: {  	v4 =	vmul.f32 $8.000000000e+00, v4  }
0x101: {  	[tilespmem:s17+$0x1C0] =	vst v7;
	v5 =	vmul.f32 $8.000000000e+00, v5  }
0x102: {  	v7 =	vld [tilespmem:s5+$0x1D0];
	v6 =	vmul.f32 $8.000000000e+00, v6;
	[tilespmem:s17+$0xFFFFFFC0] =	vst v4  }
0x103: {  	v4 =	vld [tilespmem:s5+$0xFFFFFFD0];
	[tilespmem:s17+$0xC0] =	vst v5  }
0x104: {  	[tilespmem:s17+$0xFFFFFEC0] =	vst v6;
	v5 =	vld [tilespmem:s5+$0xD0]  }
0x105: {  	v6 =	vld [tilespmem:s5+$0xFFFFFED0];
	_ =	sdelay $0x1  }
0x106: {  	v7 =	vmul.f32 $8.000000000e+00, v7  }
0x107: {  	v4 =	vmul.f32 $8.000000000e+00, v4  }
0x108: {  	[tilespmem:s17+$0x1D0] =	vst v7;
	v5 =	vmul.f32 $8.000000000e+00, v5  }
0x109: {  	v7 =	vld [tilespmem:s5+$0x1E0];
	v6 =	vmul.f32 $8.000000000e+00, v6;
	[tilespmem:s17+$0xFFFFFFD0] =	vst v4  }
0x10a: {  	v4 =	vld [tilespmem:s5+$0xFFFFFFE0];
	[tilespmem:s17+$0xD0] =	vst v5  }
0x10b: {  	[tilespmem:s17+$0xFFFFFED0] =	vst v6;
	v5 =	vld [tilespmem:s5+$0xE0]  }
0x10c: {  	v6 =	vld [tilespmem:s5+$0xFFFFFEE0];
	_ =	sdelay $0x1  }
0x10d: {  	v7 =	vmul.f32 $8.000000000e+00, v7  }
0x10e: {  	v4 =	vmul.f32 $8.000000000e+00, v4  }
0x10f: {  	[tilespmem:s17+$0x1E0] =	vst v7;
	v5 =	vmul.f32 $8.000000000e+00, v5  }
0x110: {  	v55 =	vld [tilespmem:s5+$0x1F0];
	v6 =	vmul.f32 $8.000000000e+00, v6;
	[tilespmem:s17+$0xFFFFFFE0] =	vst v4  }
0x111: {  	[tilespmem:s17+$0xE0] =	vst v5;
	v57 =	vld [tilespmem:s5+$0xFFFFFFF0]  }
0x112: {  	v1 =	vmul.f32 $8.000000000e+00, v1;
	[tilespmem:s17+$0xFFFFFEE0] =	vst v6;
	v58 =	vld [tilespmem:s5+$0xF0]  }
0x113: {  	[tilespmem:s15+$0x1F0] =	vst v3;
	v0 =	vmul.f32 $8.000000000e+00, v0;
	v56 =	vld [tilespmem:s5+$0xFFFFFEF0]  }
0x114: {  	[tilespmem:s15+$0xFFFFFEF0] =	vst v1;
	v59 =	vmul.f32 $8.000000000e+00, v2  }
0x115: {  	[tilespmem:s15+$0xFFFFFFF0] =	vst v0;
	v60 =	vmul.f32 $8.000000000e+00, v55  }
0x116: {  	p1 =	sne.s32 s0, $0x31;
	[tilespmem:s15+$0xF0] =	vst v59;
	v62 =	vmul.f32 $8.000000000e+00, v57  }
.Ltmp1:
0x117: {  	s1 =	sshll.u32 s0, $0xF;
	[tilespmem:s17+$0x1F0] =	vst v60;
	v63 =	vmul.f32 $8.000000000e+00, v58;
	(pc) =	sbr.rel @p1 .LBB2_6-.Ltmp1, $4  }
0x118: {  	s1 =	sadd.s32 s6, s1;
	v61 =	vmul.f32 $8.000000000e+00, v56;
	[tilespmem:s17+$0xFFFFFFF0] =	vst v62  }
0x119: {  	s1 =	sshrl.u32 s1, $0x3;
	[tilespmem:s17+$0xF0] =	vst v63  }
0x11a: {  	s1 =	sadd.s32 s2, s1;
	[tilespmem:s17+$0xFFFFFEF0] =	vst v61  }
0x11b: {  	[hbm4b:s1+s3] =	stream.linear.scatter [tilespmem:s20], [sflag:$0x5], $0x2000, $0x38;
	[tilespmem:$0x16400] =	vst v63  }
.Ltmp2:
0x11c: {  	(pc) =	sbr.rel .LBB2_7-.Ltmp2, $4  }
0x11d: {  	_ = 	snop  }
0x11e: {  	_ =	swait.ge [sflag:s21], $0x2000  }
0x11f: {  	[sflag:s21] =	ssyncset.done $0x0  }
0x120: {  	[sflag:s21] =	ssyncadd.s32 $0xFFFFE000  }
.LBB2_6:
0x121: {  	s1 =	sshll.u32 s0, $0x9  }
0x122: {  	s1 =	sand.u32 $0x3FFFFE00, s1  }
.Ltmp3:
0x123: {  	s1 =	sadd.s32 $0x200, s1;
	(pc) =	sbr.rel @p0 .LBB2_8-.Ltmp3, $4  }
0x124: {  	[tilespmem:s13], [sflag:$0x1] =	stream.indirect.gather [hbm4b:s4+s12], $0x40, s1, s12, $0xb8;
	[tilespmem:$0x16400] =	vst v63  }
0x125: {  	_ =	swait.ge [sflag:s21], $0x2000  }
0x126: {  	[sflag:s21] =	ssyncset.done $0x0  }
0x127: {  	[sflag:s21] =	ssyncadd.s32 $0xFFFFE000  }
.LBB2_7:
0x128: {  	_ =	swait.ge [sflag:s22], $0x2000  }
0x129: {  	[sflag:s22] =	ssyncset.done $0x0  }
0x12a: {  	[sflag:s22] =	ssyncadd.s32 $0xFFFFE000  }
.LBB2_8:
0x12b: {  	s10 =	simm.s32 $0x8600  }
0x12c: {  	v0 =	vld [tilespmem:s10+$0x100];
	_ =	sdelay $0x3  }
0x12d: {  	v1 =	vld [tilespmem:s10+$0xFFFFFE00]  }
0x12e: {  	v2 =	vld [tilespmem:s10+$0xFFFFFF00];
	v0 =	vmul.f32 $8.000000000e+00, v0  }
0x12f: {  	s17 =	simm.s32 $0x10600;
	v3 =	vld [tilespmem:s10+$0x0]  }
0x130: {  	[tilespmem:s17+$0x100] =	vst v0  }
0x131: {  	v0 =	vld [tilespmem:s10+$0x110]  }
0x132: {  	v1 =	vmul.f32 $8.000000000e+00, v1  }
0x133: {  	v2 =	vmul.f32 $8.000000000e+00, v2  }
0x134: {  	v3 =	vmul.f32 $8.000000000e+00, v3;
	[tilespmem:s17+$0xFFFFFE00] =	vst v1  }
0x135: {  	[tilespmem:s17+$0xFFFFFF00] =	vst v2;
	v1 =	vld [tilespmem:s10+$0xFFFFFE10]  }
0x136: {  	[tilespmem:s17+$0x0] =	vst v3;
	v2 =	vld [tilespmem:s10+$0xFFFFFF10];
	v0 =	vmul.f32 $8.000000000e+00, v0  }
0x137: {  	v3 =	vld [tilespmem:s10+$0x10]  }
0x138: {  	[tilespmem:s17+$0x110] =	vst v0  }
0x139: {  	v0 =	vld [tilespmem:s10+$0x120]  }
0x13a: {  	v1 =	vmul.f32 $8.000000000e+00, v1  }
0x13b: {  	v2 =	vmul.f32 $8.000000000e+00, v2  }
0x13c: {  	v3 =	vmul.f32 $8.000000000e+00, v3;
	[tilespmem:s17+$0xFFFFFE10] =	vst v1  }
0x13d: {  	[tilespmem:s17+$0xFFFFFF10] =	vst v2;
	v1 =	vld [tilespmem:s10+$0xFFFFFE20]  }
0x13e: {  	[tilespmem:s17+$0x10] =	vst v3;
	v2 =	vld [tilespmem:s10+$0xFFFFFF20];
	v0 =	vmul.f32 $8.000000000e+00, v0  }
0x13f: {  	v3 =	vld [tilespmem:s10+$0x20]  }
0x140: {  	[tilespmem:s17+$0x120] =	vst v0  }
0x141: {  	v0 =	vld [tilespmem:s10+$0x130]  }
0x142: {  	v1 =	vmul.f32 $8.000000000e+00, v1  }
0x143: {  	v2 =	vmul.f32 $8.000000000e+00, v2  }
0x144: {  	v3 =	vmul.f32 $8.000000000e+00, v3;
	[tilespmem:s17+$0xFFFFFE20] =	vst v1  }
0x145: {  	[tilespmem:s17+$0xFFFFFF20] =	vst v2;
	v1 =	vld [tilespmem:s10+$0xFFFFFE30]  }
0x146: {  	[tilespmem:s17+$0x20] =	vst v3;
	v2 =	vld [tilespmem:s10+$0xFFFFFF30];
	v0 =	vmul.f32 $8.000000000e+00, v0  }
0x147: {  	v3 =	vld [tilespmem:s10+$0x30]  }
0x148: {  	[tilespmem:s17+$0x130] =	vst v0  }
0x149: {  	v0 =	vld [tilespmem:s10+$0x140]  }
0x14a: {  	v1 =	vmul.f32 $8.000000000e+00, v1  }
0x14b: {  	v2 =	vmul.f32 $8.000000000e+00, v2  }
0x14c: {  	v3 =	vmul.f32 $8.000000000e+00, v3;
	[tilespmem:s17+$0xFFFFFE30] =	vst v1  }
0x14d: {  	[tilespmem:s17+$0xFFFFFF30] =	vst v2;
	v1 =	vld [tilespmem:s10+$0xFFFFFE40]  }
0x14e: {  	[tilespmem:s17+$0x30] =	vst v3;
	v2 =	vld [tilespmem:s10+$0xFFFFFF40];
	v0 =	vmul.f32 $8.000000000e+00, v0  }
0x14f: {  	v3 =	vld [tilespmem:s10+$0x40]  }
0x150: {  	[tilespmem:s17+$0x140] =	vst v0  }
0x151: {  	v0 =	vld [tilespmem:s10+$0x150]  }
0x152: {  	v1 =	vmul.f32 $8.000000000e+00, v1  }
0x153: {  	v2 =	vmul.f32 $8.000000000e+00, v2  }
0x154: {  	v3 =	vmul.f32 $8.000000000e+00, v3;
	[tilespmem:s17+$0xFFFFFE40] =	vst v1  }
0x155: {  	[tilespmem:s17+$0xFFFFFF40] =	vst v2;
	v1 =	vld [tilespmem:s10+$0xFFFFFE50]  }
0x156: {  	[tilespmem:s17+$0x40] =	vst v3;
	v2 =	vld [tilespmem:s10+$0xFFFFFF50];
	v0 =	vmul.f32 $8.000000000e+00, v0  }
0x157: {  	v3 =	vld [tilespmem:s10+$0x50]  }
0x158: {  	[tilespmem:s17+$0x150] =	vst v0  }
0x159: {  	v0 =	vld [tilespmem:s10+$0x160]  }
0x15a: {  	v1 =	vmul.f32 $8.000000000e+00, v1  }
0x15b: {  	v2 =	vmul.f32 $8.000000000e+00, v2  }
0x15c: {  	v3 =	vmul.f32 $8.000000000e+00, v3;
	[tilespmem:s17+$0xFFFFFE50] =	vst v1  }
0x15d: {  	[tilespmem:s17+$0xFFFFFF50] =	vst v2;
	v1 =	vld [tilespmem:s10+$0xFFFFFE60]  }
0x15e: {  	[tilespmem:s17+$0x50] =	vst v3;
	v2 =	vld [tilespmem:s10+$0xFFFFFF60];
	v0 =	vmul.f32 $8.000000000e+00, v0  }
0x15f: {  	v3 =	vld [tilespmem:s10+$0x60]  }
0x160: {  	[tilespmem:s17+$0x160] =	vst v0  }
0x161: {  	v0 =	vld [tilespmem:s10+$0x170]  }
0x162: {  	v1 =	vmul.f32 $8.000000000e+00, v1  }
0x163: {  	v2 =	vmul.f32 $8.000000000e+00, v2  }
0x164: {  	v3 =	vmul.f32 $8.000000000e+00, v3;
	[tilespmem:s17+$0xFFFFFE60] =	vst v1  }
0x165: {  	[tilespmem:s17+$0xFFFFFF60] =	vst v2;
	v1 =	vld [tilespmem:s10+$0xFFFFFE70]  }
0x166: {  	[tilespmem:s17+$0x60] =	vst v3;
	v2 =	vld [tilespmem:s10+$0xFFFFFF70];
	v0 =	vmul.f32 $8.000000000e+00, v0  }
0x167: {  	s18 =	simm.s32 $0x8A00;
	v3 =	vld [tilespmem:s10+$0x70]  }
0x168: {  	[tilespmem:s17+$0x170] =	vst v0;
	v0 =	vld [tilespmem:s18+$0x100]  }
0x169: {  	v4 =	vld [tilespmem:s10+$0x180]  }
0x16a: {  	v5 =	vld [tilespmem:s18+$0xFFFFFF00];
	v1 =	vmul.f32 $8.000000000e+00, v1  }
0x16b: {  	v6 =	vld [tilespmem:s18+$0x0];
	v2 =	vmul.f32 $8.000000000e+00, v2  }
0x16c: {  	v3 =	vmul.f32 $8.000000000e+00, v3;
	[tilespmem:s17+$0xFFFFFE70] =	vst v1;
	v1 =	vld [tilespmem:s18+$0xFFFFFE00]  }
0x16d: {  	[tilespmem:s17+$0xFFFFFF70] =	vst v2;
	v2 =	vld [tilespmem:s10+$0xFFFFFE80];
	v0 =	vmul.f32 $8.000000000e+00, v0  }
0x16e: {  	s5 =	simm.s32 $0x10A00;
	[tilespmem:s17+$0x70] =	vst v3;
	v3 =	vld [tilespmem:s10+$0xFFFFFF80];
	v4 =	vmul.f32 $8.000000000e+00, v4  }
0x16f: {  	v5 =	vmul.f32 $8.000000000e+00, v5;
	[tilespmem:s5+$0x100] =	vst v0;
	v0 =	vld [tilespmem:s10+$0x80]  }
0x170: {  	v6 =	vmul.f32 $8.000000000e+00, v6;
	v7 =	vld [tilespmem:s18+$0x110];
	[tilespmem:s17+$0x180] =	vst v4  }
0x171: {  	[tilespmem:s5+$0xFFFFFF00] =	vst v5;
	v1 =	vmul.f32 $8.000000000e+00, v1;
	v4 =	vld [tilespmem:s10+$0x190]  }
0x172: {  	[tilespmem:s5+$0x0] =	vst v6;
	v5 =	vld [tilespmem:s18+$0xFFFFFF10];
	v2 =	vmul.f32 $8.000000000e+00, v2  }
0x173: {  	v3 =	vmul.f32 $8.000000000e+00, v3;
	[tilespmem:s5+$0xFFFFFE00] =	vst v1;
	v1 =	vld [tilespmem:s18+$0x10]  }
0x174: {  	v6 =	vld [tilespmem:s18+$0xFFFFFE10];
	[tilespmem:s17+$0xFFFFFE80] =	vst v2;
	v0 =	vmul.f32 $8.000000000e+00, v0  }
0x175: {  	[tilespmem:s17+$0xFFFFFF80] =	vst v3;
	v2 =	vmul.f32 $8.000000000e+00, v7;
	v7 =	vld [tilespmem:s10+$0xFFFFFE90]  }
0x176: {  	v3 =	vld [tilespmem:s10+$0xFFFFFF90];
	[tilespmem:s17+$0x80] =	vst v0;
	v0 =	vmul.f32 $8.000000000e+00, v4  }
0x177: {  	v4 =	vmul.f32 $8.000000000e+00, v5;
	[tilespmem:s5+$0x110] =	vst v2;
	v2 =	vld [tilespmem:s10+$0x90]  }
0x178: {  	v1 =	vmul.f32 $8.000000000e+00, v1;
	v5 =	vld [tilespmem:s18+$0x120];
	[tilespmem:s17+$0x190] =	vst v0  }
0x179: {  	v0 =	vmul.f32 $8.000000000e+00, v6;
	[tilespmem:s5+$0xFFFFFF10] =	vst v4;
	v4 =	vld [tilespmem:s10+$0x1A0]  }
0x17a: {  	[tilespmem:s5+$0x10] =	vst v1;
	v6 =	vld [tilespmem:s18+$0xFFFFFF20];
	v1 =	vmul.f32 $8.000000000e+00, v7  }
0x17b: {  	v3 =	vmul.f32 $8.000000000e+00, v3;
	[tilespmem:s5+$0xFFFFFE10] =	vst v0;
	v0 =	vld [tilespmem:s18+$0x20]  }
0x17c: {  	v7 =	vld [tilespmem:s18+$0xFFFFFE20];
	[tilespmem:s17+$0xFFFFFE90] =	vst v1;
	v1 =	vmul.f32 $8.000000000e+00, v2  }
0x17d: {  	[tilespmem:s17+$0xFFFFFF90] =	vst v3;
	v2 =	vmul.f32 $8.000000000e+00, v5;
	v5 =	vld [tilespmem:s10+$0xFFFFFEA0]  }
0x17e: {  	v3 =	vld [tilespmem:s10+$0xFFFFFFA0];
	[tilespmem:s17+$0x90] =	vst v1;
	v1 =	vmul.f32 $8.000000000e+00, v4  }
0x17f: {  	v4 =	vmul.f32 $8.000000000e+00, v6;
	[tilespmem:s5+$0x120] =	vst v2;
	v2 =	vld [tilespmem:s10+$0xA0]  }
0x180: {  	v0 =	vmul.f32 $8.000000000e+00, v0;
	v6 =	vld [tilespmem:s18+$0x130];
	[tilespmem:s17+$0x1A0] =	vst v1  }
0x181: {  	v1 =	vmul.f32 $8.000000000e+00, v7;
	[tilespmem:s5+$0xFFFFFF20] =	vst v4;
	v4 =	vld [tilespmem:s10+$0x1B0]  }
0x182: {  	v7 =	vld [tilespmem:s18+$0xFFFFFF30];
	[tilespmem:s5+$0x20] =	vst v0;
	v0 =	vmul.f32 $8.000000000e+00, v5  }
0x183: {  	v3 =	vmul.f32 $8.000000000e+00, v3;
	[tilespmem:s5+$0xFFFFFE20] =	vst v1;
	v1 =	vld [tilespmem:s18+$0x30]  }
0x184: {  	v5 =	vld [tilespmem:s18+$0xFFFFFE30];
	[tilespmem:s17+$0xFFFFFEA0] =	vst v0;
	v0 =	vmul.f32 $8.000000000e+00, v2  }
0x185: {  	[tilespmem:s17+$0xFFFFFFA0] =	vst v3;
	v2 =	vmul.f32 $8.000000000e+00, v6;
	v6 =	vld [tilespmem:s10+$0xFFFFFEB0]  }
0x186: {  	v3 =	vld [tilespmem:s10+$0xFFFFFFB0];
	[tilespmem:s17+$0xA0] =	vst v0;
	v0 =	vmul.f32 $8.000000000e+00, v4  }
0x187: {  	v4 =	vmul.f32 $8.000000000e+00, v7;
	[tilespmem:s5+$0x130] =	vst v2;
	v2 =	vld [tilespmem:s10+$0xB0]  }
0x188: {  	v1 =	vmul.f32 $8.000000000e+00, v1;
	v7 =	vld [tilespmem:s18+$0x140];
	[tilespmem:s17+$0x1B0] =	vst v0  }
0x189: {  	v0 =	vmul.f32 $8.000000000e+00, v5;
	[tilespmem:s5+$0xFFFFFF30] =	vst v4;
	v4 =	vld [tilespmem:s10+$0x1C0]  }
0x18a: {  	v5 =	vld [tilespmem:s18+$0xFFFFFF40];
	[tilespmem:s5+$0x30] =	vst v1;
	v1 =	vmul.f32 $8.000000000e+00, v6  }
0x18b: {  	v3 =	vmul.f32 $8.000000000e+00, v3;
	[tilespmem:s5+$0xFFFFFE30] =	vst v0;
	v0 =	vld [tilespmem:s18+$0x40]  }
0x18c: {  	v6 =	vld [tilespmem:s18+$0xFFFFFE40];
	[tilespmem:s17+$0xFFFFFEB0] =	vst v1;
	v1 =	vmul.f32 $8.000000000e+00, v2  }
0x18d: {  	[tilespmem:s17+$0xFFFFFFB0] =	vst v3;
	v2 =	vmul.f32 $8.000000000e+00, v7;
	v7 =	vld [tilespmem:s10+$0xFFFFFEC0]  }
0x18e: {  	v3 =	vld [tilespmem:s10+$0xFFFFFFC0];
	[tilespmem:s17+$0xB0] =	vst v1;
	v1 =	vmul.f32 $8.000000000e+00, v4  }
0x18f: {  	v4 =	vmul.f32 $8.000000000e+00, v5;
	[tilespmem:s5+$0x140] =	vst v2;
	v2 =	vld [tilespmem:s10+$0xC0]  }
0x190: {  	v0 =	vmul.f32 $8.000000000e+00, v0;
	v5 =	vld [tilespmem:s18+$0x150];
	[tilespmem:s17+$0x1C0] =	vst v1  }
0x191: {  	v1 =	vmul.f32 $8.000000000e+00, v6;
	[tilespmem:s5+$0xFFFFFF40] =	vst v4;
	v4 =	vld [tilespmem:s10+$0x1D0]  }
0x192: {  	v6 =	vld [tilespmem:s18+$0xFFFFFF50];
	[tilespmem:s5+$0x40] =	vst v0;
	v0 =	vmul.f32 $8.000000000e+00, v7  }
0x193: {  	v3 =	vmul.f32 $8.000000000e+00, v3;
	[tilespmem:s5+$0xFFFFFE40] =	vst v1;
	v1 =	vld [tilespmem:s18+$0x50]  }
0x194: {  	v7 =	vld [tilespmem:s18+$0xFFFFFE50];
	[tilespmem:s17+$0xFFFFFEC0] =	vst v0;
	v0 =	vmul.f32 $8.000000000e+00, v2  }
0x195: {  	[tilespmem:s17+$0xFFFFFFC0] =	vst v3;
	v2 =	vmul.f32 $8.000000000e+00, v5;
	v5 =	vld [tilespmem:s10+$0xFFFFFED0]  }
0x196: {  	v3 =	vld [tilespmem:s10+$0xFFFFFFD0];
	[tilespmem:s17+$0xC0] =	vst v0;
	v0 =	vmul.f32 $8.000000000e+00, v4  }
0x197: {  	v4 =	vmul.f32 $8.000000000e+00, v6;
	[tilespmem:s5+$0x150] =	vst v2;
	v2 =	vld [tilespmem:s10+$0xD0]  }
0x198: {  	v1 =	vmul.f32 $8.000000000e+00, v1;
	v6 =	vld [tilespmem:s18+$0x160];
	[tilespmem:s17+$0x1D0] =	vst v0  }
0x199: {  	v0 =	vmul.f32 $8.000000000e+00, v7;
	[tilespmem:s5+$0xFFFFFF50] =	vst v4;
	v4 =	vld [tilespmem:s10+$0x1E0]  }
0x19a: {  	v7 =	vld [tilespmem:s18+$0xFFFFFF60];
	[tilespmem:s5+$0x50] =	vst v1;
	v1 =	vmul.f32 $8.000000000e+00, v5  }
0x19b: {  	v3 =	vmul.f32 $8.000000000e+00, v3;
	[tilespmem:s5+$0xFFFFFE50] =	vst v0;
	v0 =	vld [tilespmem:s18+$0x60]  }
0x19c: {  	v5 =	vld [tilespmem:s18+$0xFFFFFE60];
	[tilespmem:s17+$0xFFFFFED0] =	vst v1;
	v1 =	vmul.f32 $8.000000000e+00, v2  }
0x19d: {  	[tilespmem:s17+$0xFFFFFFD0] =	vst v3;
	v2 =	vmul.f32 $8.000000000e+00, v6;
	v6 =	vld [tilespmem:s10+$0xFFFFFEE0]  }
0x19e: {  	v3 =	vld [tilespmem:s10+$0xFFFFFFE0];
	[tilespmem:s17+$0xD0] =	vst v1;
	v1 =	vmul.f32 $8.000000000e+00, v4  }
0x19f: {  	v4 =	vmul.f32 $8.000000000e+00, v7;
	[tilespmem:s5+$0x160] =	vst v2;
	v2 =	vld [tilespmem:s10+$0xE0]  }
0x1a0: {  	v0 =	vmul.f32 $8.000000000e+00, v0;
	v7 =	vld [tilespmem:s18+$0x170];
	[tilespmem:s17+$0x1E0] =	vst v1  }
0x1a1: {  	v1 =	vmul.f32 $8.000000000e+00, v5;
	[tilespmem:s5+$0xFFFFFF60] =	vst v4;
	v8 =	vld [tilespmem:s10+$0x1F0]  }
0x1a2: {  	v9 =	vld [tilespmem:s18+$0xFFFFFF70];
	[tilespmem:s5+$0x60] =	vst v0;
	v0 =	vmul.f32 $8.000000000e+00, v6  }
0x1a3: {  	v3 =	vmul.f32 $8.000000000e+00, v3;
	[tilespmem:s5+$0xFFFFFE60] =	vst v1;
	v4 =	vld [tilespmem:s18+$0x70]  }
0x1a4: {  	v5 =	vld [tilespmem:s18+$0xFFFFFE70];
	[tilespmem:s17+$0xFFFFFEE0] =	vst v0;
	v2 =	vmul.f32 $8.000000000e+00, v2  }
0x1a5: {  	[tilespmem:s17+$0xFFFFFFE0] =	vst v3;
	v7 =	vmul.f32 $8.000000000e+00, v7;
	v1 =	vld [tilespmem:s10+$0xFFFFFEF0]  }
0x1a6: {  	v0 =	vld [tilespmem:s10+$0xFFFFFFF0];
	[tilespmem:s17+$0xE0] =	vst v2;
	v3 =	vmul.f32 $8.000000000e+00, v8  }
0x1a7: {  	s15 =	sadd.s32 $0x1, s0;
	s11 =	simm.s32 $0x4;
	s31 =	simm.s32 $0x8E00;
	v6 =	vmul.f32 $8.000000000e+00, v9;
	[tilespmem:s5+$0x170] =	vst v7;
	v2 =	vld [tilespmem:s10+$0xF0]  }
.LBB2_9:
0x1a8: {  	v7 =	vld [tilespmem:s31+$0x100];
	v4 =	vmul.f32 $8.000000000e+00, v4;
	[tilespmem:s17+$0x1F0] =	vst v3  }
0x1a9: {  	s11 =	sadd.s32 $0x4, s11;
	v3 =	vmul.f32 $8.000000000e+00, v5;
	[tilespmem:s5+$0xFFFFFF70] =	vst v6;
	v5 =	vld [tilespmem:s18+$0x180]  }
0x1aa: {  	p2 =	slt.u32 s11, $0x1C;
	v6 =	vld [tilespmem:s31+$0xFFFFFF00];
	[tilespmem:s5+$0x70] =	vst v4;
	v1 =	vmul.f32 $8.000000000e+00, v1  }
0x1ab: {  	v4 =	vld [tilespmem:s31+$0x0];
	[tilespmem:s5+$0xFFFFFE70] =	vst v3;
	v0 =	vmul.f32 $8.000000000e+00, v0  }
0x1ac: {  	v3 =	vld [tilespmem:s31+$0xFFFFFE00];
	[tilespmem:s17+$0xFFFFFEF0] =	vst v1;
	v1 =	vmul.f32 $8.000000000e+00, v2  }
0x1ad: {  	v2 =	vmul.f32 $8.000000000e+00, v7;
	v7 =	vld [tilespmem:s18+$0xFFFFFE80];
	[tilespmem:s17+$0xFFFFFFF0] =	vst v0  }
0x1ae: {  	v0 =	vld [tilespmem:s18+$0xFFFFFF80];
	v5 =	vmul.f32 $8.000000000e+00, v5;
	[tilespmem:s17+$0xF0] =	vst v1;
	s17 =	smov.u32 s5;
	s5 =	sadd.s32 $0x400, s5  }
0x1af: {  	v1 =	vmul.f32 $8.000000000e+00, v6;
	[tilespmem:s5+$0x100] =	vst v2;
	v2 =	vld [tilespmem:s18+$0x80]  }
0x1b0: {  	v4 =	vmul.f32 $8.000000000e+00, v4;
	v6 =	vld [tilespmem:s31+$0x110];
	[tilespmem:s17+$0x180] =	vst v5  }
0x1b1: {  	v3 =	vmul.f32 $8.000000000e+00, v3;
	[tilespmem:s5+$0xFFFFFF00] =	vst v1;
	v1 =	vld [tilespmem:s18+$0x190]  }
0x1b2: {  	v5 =	vld [tilespmem:s31+$0xFFFFFF10];
	[tilespmem:s5+$0x0] =	vst v4;
	v4 =	vmul.f32 $8.000000000e+00, v7  }
0x1b3: {  	[tilespmem:s5+$0xFFFFFE00] =	vst v3;
	v3 =	vld [tilespmem:s31+$0x10];
	v0 =	vmul.f32 $8.000000000e+00, v0  }
0x1b4: {  	v7 =	vld [tilespmem:s31+$0xFFFFFE10];
	[tilespmem:s17+$0xFFFFFE80] =	vst v4;
	v2 =	vmul.f32 $8.000000000e+00, v2  }
0x1b5: {  	v4 =	vmul.f32 $8.000000000e+00, v6;
	v6 =	vld [tilespmem:s18+$0xFFFFFE90];
	[tilespmem:s17+$0xFFFFFF80] =	vst v0  }
0x1b6: {  	v0 =	vld [tilespmem:s18+$0xFFFFFF90];
	[tilespmem:s17+$0x80] =	vst v2;
	v1 =	vmul.f32 $8.000000000e+00, v1  }
0x1b7: {  	v2 =	vmul.f32 $8.000000000e+00, v5;
	[tilespmem:s5+$0x110] =	vst v4;
	v4 =	vld [tilespmem:s18+$0x90]  }
0x1b8: {  	v3 =	vmul.f32 $8.000000000e+00, v3;
	v5 =	vld [tilespmem:s31+$0x120];
	[tilespmem:s17+$0x190] =	vst v1  }
0x1b9: {  	v1 =	vmul.f32 $8.000000000e+00, v7;
	[tilespmem:s5+$0xFFFFFF10] =	vst v2;
	v2 =	vld [tilespmem:s18+$0x1A0]  }
0x1ba: {  	v7 =	vld [tilespmem:s31+$0xFFFFFF20];
	[tilespmem:s5+$0x10] =	vst v3;
	v3 =	vmul.f32 $8.000000000e+00, v6  }
0x1bb: {  	[tilespmem:s5+$0xFFFFFE10] =	vst v1;
	v1 =	vld [tilespmem:s31+$0x20];
	v0 =	vmul.f32 $8.000000000e+00, v0  }
0x1bc: {  	v6 =	vld [tilespmem:s31+$0xFFFFFE20];
	[tilespmem:s17+$0xFFFFFE90] =	vst v3;
	v3 =	vmul.f32 $8.000000000e+00, v4  }
0x1bd: {  	v4 =	vmul.f32 $8.000000000e+00, v5;
	v5 =	vld [tilespmem:s18+$0xFFFFFEA0];
	[tilespmem:s17+$0xFFFFFF90] =	vst v0  }
0x1be: {  	v0 =	vld [tilespmem:s18+$0xFFFFFFA0];
	[tilespmem:s17+$0x90] =	vst v3;
	v2 =	vmul.f32 $8.000000000e+00, v2  }
0x1bf: {  	v3 =	vmul.f32 $8.000000000e+00, v7;
	[tilespmem:s5+$0x120] =	vst v4;
	v4 =	vld [tilespmem:s18+$0xA0]  }
0x1c0: {  	v1 =	vmul.f32 $8.000000000e+00, v1;
	v7 =	vld [tilespmem:s31+$0x130];
	[tilespmem:s17+$0x1A0] =	vst v2  }
0x1c1: {  	v2 =	vmul.f32 $8.000000000e+00, v6;
	[tilespmem:s5+$0xFFFFFF20] =	vst v3;
	v3 =	vld [tilespmem:s18+$0x1B0]  }
0x1c2: {  	v6 =	vld [tilespmem:s31+$0xFFFFFF30];
	[tilespmem:s5+$0x20] =	vst v1;
	v1 =	vmul.f32 $8.000000000e+00, v5  }
0x1c3: {  	[tilespmem:s5+$0xFFFFFE20] =	vst v2;
	v2 =	vld [tilespmem:s31+$0x30];
	v0 =	vmul.f32 $8.000000000e+00, v0  }
0x1c4: {  	v5 =	vld [tilespmem:s31+$0xFFFFFE30];
	[tilespmem:s17+$0xFFFFFEA0] =	vst v1;
	v1 =	vmul.f32 $8.000000000e+00, v4  }
0x1c5: {  	v4 =	vmul.f32 $8.000000000e+00, v7;
	v7 =	vld [tilespmem:s18+$0xFFFFFEB0];
	[tilespmem:s17+$0xFFFFFFA0] =	vst v0  }
0x1c6: {  	v0 =	vld [tilespmem:s18+$0xFFFFFFB0];
	[tilespmem:s17+$0xA0] =	vst v1;
	v1 =	vmul.f32 $8.000000000e+00, v3  }
0x1c7: {  	v3 =	vmul.f32 $8.000000000e+00, v6;
	[tilespmem:s5+$0x130] =	vst v4;
	v4 =	vld [tilespmem:s18+$0xB0]  }
0x1c8: {  	v2 =	vmul.f32 $8.000000000e+00, v2;
	v6 =	vld [tilespmem:s31+$0x140];
	[tilespmem:s17+$0x1B0] =	vst v1  }
0x1c9: {  	v1 =	vmul.f32 $8.000000000e+00, v5;
	[tilespmem:s5+$0xFFFFFF30] =	vst v3;
	v3 =	vld [tilespmem:s18+$0x1C0]  }
0x1ca: {  	v5 =	vld [tilespmem:s31+$0xFFFFFF40];
	[tilespmem:s5+$0x30] =	vst v2;
	v2 =	vmul.f32 $8.000000000e+00, v7  }
0x1cb: {  	[tilespmem:s5+$0xFFFFFE30] =	vst v1;
	v1 =	vld [tilespmem:s31+$0x40];
	v0 =	vmul.f32 $8.000000000e+00, v0  }
0x1cc: {  	v7 =	vld [tilespmem:s31+$0xFFFFFE40];
	[tilespmem:s17+$0xFFFFFEB0] =	vst v2;
	v2 =	vmul.f32 $8.000000000e+00, v4  }
0x1cd: {  	v4 =	vmul.f32 $8.000000000e+00, v6;
	v6 =	vld [tilespmem:s18+$0xFFFFFEC0];
	[tilespmem:s17+$0xFFFFFFB0] =	vst v0  }
0x1ce: {  	v0 =	vld [tilespmem:s18+$0xFFFFFFC0];
	[tilespmem:s17+$0xB0] =	vst v2;
	v2 =	vmul.f32 $8.000000000e+00, v3  }
0x1cf: {  	v3 =	vmul.f32 $8.000000000e+00, v5;
	[tilespmem:s5+$0x140] =	vst v4;
	v4 =	vld [tilespmem:s18+$0xC0]  }
0x1d0: {  	v1 =	vmul.f32 $8.000000000e+00, v1;
	v5 =	vld [tilespmem:s31+$0x150];
	[tilespmem:s17+$0x1C0] =	vst v2  }
0x1d1: {  	v2 =	vmul.f32 $8.000000000e+00, v7;
	[tilespmem:s5+$0xFFFFFF40] =	vst v3;
	v3 =	vld [tilespmem:s18+$0x1D0]  }
0x1d2: {  	v7 =	vld [tilespmem:s31+$0xFFFFFF50];
	[tilespmem:s5+$0x40] =	vst v1;
	v1 =	vmul.f32 $8.000000000e+00, v6  }
0x1d3: {  	[tilespmem:s5+$0xFFFFFE40] =	vst v2;
	v2 =	vld [tilespmem:s31+$0x50];
	v0 =	vmul.f32 $8.000000000e+00, v0  }
0x1d4: {  	v6 =	vld [tilespmem:s31+$0xFFFFFE50];
	[tilespmem:s17+$0xFFFFFEC0] =	vst v1;
	v1 =	vmul.f32 $8.000000000e+00, v4  }
0x1d5: {  	v4 =	vmul.f32 $8.000000000e+00, v5;
	v5 =	vld [tilespmem:s18+$0xFFFFFED0];
	[tilespmem:s17+$0xFFFFFFC0] =	vst v0  }
0x1d6: {  	v0 =	vld [tilespmem:s18+$0xFFFFFFD0];
	[tilespmem:s17+$0xC0] =	vst v1;
	v1 =	vmul.f32 $8.000000000e+00, v3  }
0x1d7: {  	v3 =	vmul.f32 $8.000000000e+00, v7;
	[tilespmem:s5+$0x150] =	vst v4;
	v4 =	vld [tilespmem:s18+$0xD0]  }
0x1d8: {  	v2 =	vmul.f32 $8.000000000e+00, v2;
	v7 =	vld [tilespmem:s31+$0x160];
	[tilespmem:s17+$0x1D0] =	vst v1  }
0x1d9: {  	v1 =	vmul.f32 $8.000000000e+00, v6;
	[tilespmem:s5+$0xFFFFFF50] =	vst v3;
	v3 =	vld [tilespmem:s18+$0x1E0]  }
0x1da: {  	v6 =	vld [tilespmem:s31+$0xFFFFFF60];
	[tilespmem:s5+$0x50] =	vst v2;
	v2 =	vmul.f32 $8.000000000e+00, v5  }
0x1db: {  	[tilespmem:s5+$0xFFFFFE50] =	vst v1;
	v1 =	vld [tilespmem:s31+$0x60];
	v0 =	vmul.f32 $8.000000000e+00, v0  }
0x1dc: {  	v5 =	vld [tilespmem:s31+$0xFFFFFE60];
	[tilespmem:s17+$0xFFFFFED0] =	vst v2;
	v2 =	vmul.f32 $8.000000000e+00, v4  }
0x1dd: {  	v4 =	vmul.f32 $8.000000000e+00, v7;
	v7 =	vld [tilespmem:s18+$0xFFFFFEE0];
	[tilespmem:s17+$0xFFFFFFD0] =	vst v0  }
0x1de: {  	v0 =	vld [tilespmem:s18+$0xFFFFFFE0];
	[tilespmem:s17+$0xD0] =	vst v2;
	v2 =	vmul.f32 $8.000000000e+00, v3  }
0x1df: {  	v3 =	vmul.f32 $8.000000000e+00, v6;
	[tilespmem:s5+$0x160] =	vst v4;
	v6 =	vld [tilespmem:s18+$0xE0]  }
0x1e0: {  	v1 =	vmul.f32 $8.000000000e+00, v1;
	v8 =	vld [tilespmem:s31+$0x170];
	[tilespmem:s17+$0x1E0] =	vst v2  }
0x1e1: {  	v2 =	vmul.f32 $8.000000000e+00, v5;
	[tilespmem:s5+$0xFFFFFF60] =	vst v3;
	v3 =	vld [tilespmem:s18+$0x1F0]  }
0x1e2: {  	v9 =	vld [tilespmem:s31+$0xFFFFFF70];
	[tilespmem:s5+$0x60] =	vst v1;
	v1 =	vmul.f32 $8.000000000e+00, v7  }
.Ltmp4:
0x1e3: {  	[tilespmem:s5+$0xFFFFFE60] =	vst v2;
	v4 =	vld [tilespmem:s31+$0x70];
	v0 =	vmul.f32 $8.000000000e+00, v0;
	(pc) =	sbr.rel @p2 .LBB2_9-.Ltmp4, $4  }
0x1e4: {  	v5 =	vld [tilespmem:s31+$0xFFFFFE70];
	[tilespmem:s17+$0xFFFFFEE0] =	vst v1;
	v2 =	vmul.f32 $8.000000000e+00, v6  }
0x1e5: {  	v7 =	vmul.f32 $8.000000000e+00, v8;
	v1 =	vld [tilespmem:s18+$0xFFFFFEF0];
	[tilespmem:s17+$0xFFFFFFE0] =	vst v0  }
0x1e6: {  	v0 =	vld [tilespmem:s18+$0xFFFFFFF0];
	[tilespmem:s17+$0xE0] =	vst v2;
	v3 =	vmul.f32 $8.000000000e+00, v3  }
0x1e7: {  	v6 =	vmul.f32 $8.000000000e+00, v9;
	[tilespmem:s5+$0x170] =	vst v7;
	v2 =	vld [tilespmem:s18+$0xF0];
	s18 =	smov.u32 s31;
	s31 =	sadd.s32 $0x400, s31  }
0x1e8: {  	v4 =	vmul.f32 $8.000000000e+00, v4  }
0x1e9: {  	v7 =	vld [tilespmem:s18+$0x180];
	v5 =	vmul.f32 $8.000000000e+00, v5;
	[tilespmem:s5+$0xFFFFFF70] =	vst v6  }
0x1ea: {  	[tilespmem:s5+$0x70] =	vst v4;
	v51 =	vld [tilespmem:s18+$0xFFFFFF80]  }
0x1eb: {  	[tilespmem:s5+$0xFFFFFE70] =	vst v5;
	v52 =	vld [tilespmem:s18+$0x80]  }
0x1ec: {  	v5 =	vld [tilespmem:s18+$0xFFFFFE80];
	_ =	sdelay $0x1  }
0x1ed: {  	v7 =	vmul.f32 $8.000000000e+00, v7  }
0x1ee: {  	v4 =	vmul.f32 $8.000000000e+00, v51  }
0x1ef: {  	[tilespmem:s5+$0x180] =	vst v7;
	v53 =	vmul.f32 $8.000000000e+00, v52  }
0x1f0: {  	v7 =	vld [tilespmem:s18+$0x190];
	v5 =	vmul.f32 $8.000000000e+00, v5;
	[tilespmem:s5+$0xFFFFFF80] =	vst v4  }
0x1f1: {  	v4 =	vld [tilespmem:s18+$0xFFFFFF90];
	[tilespmem:s5+$0x80] =	vst v53  }
0x1f2: {  	[tilespmem:s5+$0xFFFFFE80] =	vst v5;
	v5 =	vld [tilespmem:s18+$0x90]  }
0x1f3: {  	v54 =	vld [tilespmem:s18+$0xFFFFFE90];
	_ =	sdelay $0x1  }
0x1f4: {  	v7 =	vmul.f32 $8.000000000e+00, v7  }
0x1f5: {  	v4 =	vmul.f32 $8.000000000e+00, v4  }
0x1f6: {  	[tilespmem:s5+$0x190] =	vst v7;
	v5 =	vmul.f32 $8.000000000e+00, v5  }
0x1f7: {  	v7 =	vld [tilespmem:s18+$0x1A0];
	v6 =	vmul.f32 $8.000000000e+00, v54;
	[tilespmem:s5+$0xFFFFFF90] =	vst v4  }
0x1f8: {  	v4 =	vld [tilespmem:s18+$0xFFFFFFA0];
	[tilespmem:s5+$0x90] =	vst v5  }
0x1f9: {  	[tilespmem:s5+$0xFFFFFE90] =	vst v6;
	v5 =	vld [tilespmem:s18+$0xA0]  }
0x1fa: {  	v6 =	vld [tilespmem:s18+$0xFFFFFEA0];
	_ =	sdelay $0x1  }
0x1fb: {  	v7 =	vmul.f32 $8.000000000e+00, v7  }
0x1fc: {  	v4 =	vmul.f32 $8.000000000e+00, v4  }
0x1fd: {  	[tilespmem:s5+$0x1A0] =	vst v7;
	v5 =	vmul.f32 $8.000000000e+00, v5  }
0x1fe: {  	v7 =	vld [tilespmem:s18+$0x1B0];
	v6 =	vmul.f32 $8.000000000e+00, v6;
	[tilespmem:s5+$0xFFFFFFA0] =	vst v4  }
0x1ff: {  	v4 =	vld [tilespmem:s18+$0xFFFFFFB0];
	[tilespmem:s5+$0xA0] =	vst v5  }
0x200: {  	[tilespmem:s5+$0xFFFFFEA0] =	vst v6;
	v5 =	vld [tilespmem:s18+$0xB0]  }
0x201: {  	v6 =	vld [tilespmem:s18+$0xFFFFFEB0];
	_ =	sdelay $0x1  }
0x202: {  	v7 =	vmul.f32 $8.000000000e+00, v7  }
0x203: {  	v4 =	vmul.f32 $8.000000000e+00, v4  }
0x204: {  	[tilespmem:s5+$0x1B0] =	vst v7;
	v5 =	vmul.f32 $8.000000000e+00, v5  }
0x205: {  	v7 =	vld [tilespmem:s18+$0x1C0];
	v6 =	vmul.f32 $8.000000000e+00, v6;
	[tilespmem:s5+$0xFFFFFFB0] =	vst v4  }
0x206: {  	v4 =	vld [tilespmem:s18+$0xFFFFFFC0];
	[tilespmem:s5+$0xB0] =	vst v5  }
0x207: {  	[tilespmem:s5+$0xFFFFFEB0] =	vst v6;
	v5 =	vld [tilespmem:s18+$0xC0]  }
0x208: {  	v6 =	vld [tilespmem:s18+$0xFFFFFEC0];
	_ =	sdelay $0x1  }
0x209: {  	v7 =	vmul.f32 $8.000000000e+00, v7  }
0x20a: {  	v4 =	vmul.f32 $8.000000000e+00, v4  }
0x20b: {  	[tilespmem:s5+$0x1C0] =	vst v7;
	v5 =	vmul.f32 $8.000000000e+00, v5  }
0x20c: {  	v7 =	vld [tilespmem:s18+$0x1D0];
	v6 =	vmul.f32 $8.000000000e+00, v6;
	[tilespmem:s5+$0xFFFFFFC0] =	vst v4  }
0x20d: {  	v4 =	vld [tilespmem:s18+$0xFFFFFFD0];
	[tilespmem:s5+$0xC0] =	vst v5  }
0x20e: {  	[tilespmem:s5+$0xFFFFFEC0] =	vst v6;
	v5 =	vld [tilespmem:s18+$0xD0]  }
0x20f: {  	v6 =	vld [tilespmem:s18+$0xFFFFFED0];
	_ =	sdelay $0x1  }
0x210: {  	v7 =	vmul.f32 $8.000000000e+00, v7  }
0x211: {  	v4 =	vmul.f32 $8.000000000e+00, v4  }
0x212: {  	[tilespmem:s5+$0x1D0] =	vst v7;
	v5 =	vmul.f32 $8.000000000e+00, v5  }
0x213: {  	v7 =	vld [tilespmem:s18+$0x1E0];
	v6 =	vmul.f32 $8.000000000e+00, v6;
	[tilespmem:s5+$0xFFFFFFD0] =	vst v4  }
0x214: {  	v4 =	vld [tilespmem:s18+$0xFFFFFFE0];
	[tilespmem:s5+$0xD0] =	vst v5  }
0x215: {  	[tilespmem:s5+$0xFFFFFED0] =	vst v6;
	v5 =	vld [tilespmem:s18+$0xE0]  }
0x216: {  	v6 =	vld [tilespmem:s18+$0xFFFFFEE0];
	_ =	sdelay $0x1  }
0x217: {  	v7 =	vmul.f32 $8.000000000e+00, v7  }
0x218: {  	v4 =	vmul.f32 $8.000000000e+00, v4  }
0x219: {  	[tilespmem:s5+$0x1E0] =	vst v7;
	v5 =	vmul.f32 $8.000000000e+00, v5  }
0x21a: {  	v55 =	vld [tilespmem:s18+$0x1F0];
	v6 =	vmul.f32 $8.000000000e+00, v6;
	[tilespmem:s5+$0xFFFFFFE0] =	vst v4  }
0x21b: {  	[tilespmem:s5+$0xE0] =	vst v5;
	v57 =	vld [tilespmem:s18+$0xFFFFFFF0]  }
0x21c: {  	v1 =	vmul.f32 $8.000000000e+00, v1;
	[tilespmem:s5+$0xFFFFFEE0] =	vst v6;
	v58 =	vld [tilespmem:s18+$0xF0]  }
0x21d: {  	[tilespmem:s17+$0x1F0] =	vst v3;
	v0 =	vmul.f32 $8.000000000e+00, v0;
	v56 =	vld [tilespmem:s18+$0xFFFFFEF0]  }
0x21e: {  	[tilespmem:s17+$0xFFFFFEF0] =	vst v1;
	v59 =	vmul.f32 $8.000000000e+00, v2  }
0x21f: {  	[tilespmem:s17+$0xFFFFFFF0] =	vst v0;
	v60 =	vmul.f32 $8.000000000e+00, v55  }
0x220: {  	[tilespmem:s17+$0xF0] =	vst v59;
	s17 =	sshll.u32 s0, $0x9;
	v62 =	vmul.f32 $8.000000000e+00, v57  }
.Ltmp5:
0x221: {  	s1 =	sadd.s32 s17, s7;
	[tilespmem:s5+$0x1F0] =	vst v60;
	v63 =	vmul.f32 $8.000000000e+00, v58;
	(pc) =	sbr.rel @p1 .LBB2_12-.Ltmp5, $4  }
0x222: {  	s1 =	sshll.u32 s1, $0x3;
	v61 =	vmul.f32 $8.000000000e+00, v56;
	[tilespmem:s5+$0xFFFFFFF0] =	vst v62  }
0x223: {  	s1 =	sand.u32 $0x1FFFF400, s1;
	[tilespmem:s5+$0xF0] =	vst v63  }
0x224: {  	s1 =	sadd.s32 s2, s1;
	[tilespmem:s5+$0xFFFFFEF0] =	vst v61  }
0x225: {  	[hbm4b:s1+s3] =	stream.linear.scatter [tilespmem:s23], [sflag:$0x6], $0x2000, $0x38;
	[tilespmem:$0x16400] =	vst v63  }
.Ltmp6:
0x226: {  	(pc) =	sbr.rel .LBB2_13-.Ltmp6, $4  }
0x227: {  	_ = 	snop  }
0x228: {  	_ =	swait.ge [sflag:s24], $0x2000  }
0x229: {  	[sflag:s24] =	ssyncset.done $0x0  }
0x22a: {  	[sflag:s24] =	ssyncadd.s32 $0xFFFFE000  }
.LBB2_12:
0x22b: {  	s1 =	sand.u32 $0x3FFFFE00, s17  }
.Ltmp7:
0x22c: {  	s1 =	sadd.s32 $0x280, s1;
	(pc) =	sbr.rel @p0 .LBB2_14-.Ltmp7, $4  }
0x22d: {  	[tilespmem:s14], [sflag:$0x2] =	stream.indirect.gather [hbm4b:s4+s12], $0x40, s1, s12, $0xb8;
	[tilespmem:$0x16400] =	vst v63  }
0x22e: {  	_ =	swait.ge [sflag:s24], $0x2000  }
0x22f: {  	[sflag:s24] =	ssyncset.done $0x0  }
0x230: {  	[sflag:s24] =	ssyncadd.s32 $0xFFFFE000  }
.LBB2_13:
0x231: {  	_ =	swait.ge [sflag:s25], $0x2000  }
0x232: {  	[sflag:s25] =	ssyncset.done $0x0  }
0x233: {  	[sflag:s25] =	ssyncadd.s32 $0xFFFFE000  }
.LBB2_14:
0x234: {  	s11 =	simm.s32 $0xA600  }
0x235: {  	v0 =	vld [tilespmem:s11+$0x100];
	_ =	sdelay $0x3  }
0x236: {  	v1 =	vld [tilespmem:s11+$0xFFFFFE00]  }
0x237: {  	v2 =	vld [tilespmem:s11+$0xFFFFFF00];
	v0 =	vmul.f32 $8.000000000e+00, v0  }
0x238: {  	s18 =	simm.s32 $0x12600;
	v3 =	vld [tilespmem:s11+$0x0]  }
0x239: {  	[tilespmem:s18+$0x100] =	vst v0  }
0x23a: {  	v0 =	vld [tilespmem:s11+$0x110]  }
0x23b: {  	v1 =	vmul.f32 $8.000000000e+00, v1  }
0x23c: {  	v2 =	vmul.f32 $8.000000000e+00, v2  }
0x23d: {  	v3 =	vmul.f32 $8.000000000e+00, v3;
	[tilespmem:s18+$0xFFFFFE00] =	vst v1  }
0x23e: {  	[tilespmem:s18+$0xFFFFFF00] =	vst v2;
	v1 =	vld [tilespmem:s11+$0xFFFFFE10]  }
0x23f: {  	[tilespmem:s18+$0x0] =	vst v3;
	v2 =	vld [tilespmem:s11+$0xFFFFFF10];
	v0 =	vmul.f32 $8.000000000e+00, v0  }
0x240: {  	v3 =	vld [tilespmem:s11+$0x10]  }
0x241: {  	[tilespmem:s18+$0x110] =	vst v0  }
0x242: {  	v0 =	vld [tilespmem:s11+$0x120]  }
0x243: {  	v1 =	vmul.f32 $8.000000000e+00, v1  }
0x244: {  	v2 =	vmul.f32 $8.000000000e+00, v2  }
0x245: {  	v3 =	vmul.f32 $8.000000000e+00, v3;
	[tilespmem:s18+$0xFFFFFE10] =	vst v1  }
0x246: {  	[tilespmem:s18+$0xFFFFFF10] =	vst v2;
	v1 =	vld [tilespmem:s11+$0xFFFFFE20]  }
0x247: {  	[tilespmem:s18+$0x10] =	vst v3;
	v2 =	vld [tilespmem:s11+$0xFFFFFF20];
	v0 =	vmul.f32 $8.000000000e+00, v0  }
0x248: {  	v3 =	vld [tilespmem:s11+$0x20]  }
0x249: {  	[tilespmem:s18+$0x120] =	vst v0  }
0x24a: {  	v0 =	vld [tilespmem:s11+$0x130]  }
0x24b: {  	v1 =	vmul.f32 $8.000000000e+00, v1  }
0x24c: {  	v2 =	vmul.f32 $8.000000000e+00, v2  }
0x24d: {  	v3 =	vmul.f32 $8.000000000e+00, v3;
	[tilespmem:s18+$0xFFFFFE20] =	vst v1  }
0x24e: {  	[tilespmem:s18+$0xFFFFFF20] =	vst v2;
	v1 =	vld [tilespmem:s11+$0xFFFFFE30]  }
0x24f: {  	[tilespmem:s18+$0x20] =	vst v3;
	v2 =	vld [tilespmem:s11+$0xFFFFFF30];
	v0 =	vmul.f32 $8.000000000e+00, v0  }
0x250: {  	v3 =	vld [tilespmem:s11+$0x30]  }
0x251: {  	[tilespmem:s18+$0x130] =	vst v0  }
0x252: {  	v0 =	vld [tilespmem:s11+$0x140]  }
0x253: {  	v1 =	vmul.f32 $8.000000000e+00, v1  }
0x254: {  	v2 =	vmul.f32 $8.000000000e+00, v2  }
0x255: {  	v3 =	vmul.f32 $8.000000000e+00, v3;
	[tilespmem:s18+$0xFFFFFE30] =	vst v1  }
0x256: {  	[tilespmem:s18+$0xFFFFFF30] =	vst v2;
	v1 =	vld [tilespmem:s11+$0xFFFFFE40]  }
0x257: {  	[tilespmem:s18+$0x30] =	vst v3;
	v2 =	vld [tilespmem:s11+$0xFFFFFF40];
	v0 =	vmul.f32 $8.000000000e+00, v0  }
0x258: {  	v3 =	vld [tilespmem:s11+$0x40]  }
0x259: {  	[tilespmem:s18+$0x140] =	vst v0  }
0x25a: {  	v0 =	vld [tilespmem:s11+$0x150]  }
0x25b: {  	v1 =	vmul.f32 $8.000000000e+00, v1  }
0x25c: {  	v2 =	vmul.f32 $8.000000000e+00, v2  }
0x25d: {  	v3 =	vmul.f32 $8.000000000e+00, v3;
	[tilespmem:s18+$0xFFFFFE40] =	vst v1  }
0x25e: {  	[tilespmem:s18+$0xFFFFFF40] =	vst v2;
	v1 =	vld [tilespmem:s11+$0xFFFFFE50]  }
0x25f: {  	[tilespmem:s18+$0x40] =	vst v3;
	v2 =	vld [tilespmem:s11+$0xFFFFFF50];
	v0 =	vmul.f32 $8.000000000e+00, v0  }
0x260: {  	v3 =	vld [tilespmem:s11+$0x50]  }
0x261: {  	[tilespmem:s18+$0x150] =	vst v0  }
0x262: {  	v0 =	vld [tilespmem:s11+$0x160]  }
0x263: {  	v1 =	vmul.f32 $8.000000000e+00, v1  }
0x264: {  	v2 =	vmul.f32 $8.000000000e+00, v2  }
0x265: {  	v3 =	vmul.f32 $8.000000000e+00, v3;
	[tilespmem:s18+$0xFFFFFE50] =	vst v1  }
0x266: {  	[tilespmem:s18+$0xFFFFFF50] =	vst v2;
	v1 =	vld [tilespmem:s11+$0xFFFFFE60]  }
0x267: {  	[tilespmem:s18+$0x50] =	vst v3;
	v2 =	vld [tilespmem:s11+$0xFFFFFF60];
	v0 =	vmul.f32 $8.000000000e+00, v0  }
0x268: {  	v3 =	vld [tilespmem:s11+$0x60]  }
0x269: {  	[tilespmem:s18+$0x160] =	vst v0  }
0x26a: {  	v0 =	vld [tilespmem:s11+$0x170]  }
0x26b: {  	v1 =	vmul.f32 $8.000000000e+00, v1  }
0x26c: {  	v2 =	vmul.f32 $8.000000000e+00, v2  }
0x26d: {  	v3 =	vmul.f32 $8.000000000e+00, v3;
	[tilespmem:s18+$0xFFFFFE60] =	vst v1  }
0x26e: {  	[tilespmem:s18+$0xFFFFFF60] =	vst v2;
	v1 =	vld [tilespmem:s11+$0xFFFFFE70]  }
0x26f: {  	[tilespmem:s18+$0x60] =	vst v3;
	v2 =	vld [tilespmem:s11+$0xFFFFFF70];
	v0 =	vmul.f32 $8.000000000e+00, v0  }
0x270: {  	s5 =	simm.s32 $0xAA00;
	v3 =	vld [tilespmem:s11+$0x70]  }
0x271: {  	[tilespmem:s18+$0x170] =	vst v0;
	v0 =	vld [tilespmem:s5+$0x100]  }
0x272: {  	v4 =	vld [tilespmem:s11+$0x180]  }
0x273: {  	v5 =	vld [tilespmem:s5+$0xFFFFFF00];
	v1 =	vmul.f32 $8.000000000e+00, v1  }
0x274: {  	v6 =	vld [tilespmem:s5+$0x0];
	v2 =	vmul.f32 $8.000000000e+00, v2  }
0x275: {  	v3 =	vmul.f32 $8.000000000e+00, v3;
	[tilespmem:s18+$0xFFFFFE70] =	vst v1;
	v1 =	vld [tilespmem:s5+$0xFFFFFE00]  }
0x276: {  	[tilespmem:s18+$0xFFFFFF70] =	vst v2;
	v2 =	vld [tilespmem:s11+$0xFFFFFE80];
	v0 =	vmul.f32 $8.000000000e+00, v0  }
0x277: {  	s10 =	simm.s32 $0x12A00;
	[tilespmem:s18+$0x70] =	vst v3;
	v3 =	vld [tilespmem:s11+$0xFFFFFF80];
	v4 =	vmul.f32 $8.000000000e+00, v4  }
0x278: {  	v5 =	vmul.f32 $8.000000000e+00, v5;
	[tilespmem:s10+$0x100] =	vst v0;
	v0 =	vld [tilespmem:s11+$0x80]  }
0x279: {  	v6 =	vmul.f32 $8.000000000e+00, v6;
	v7 =	vld [tilespmem:s5+$0x110];
	[tilespmem:s18+$0x180] =	vst v4  }
0x27a: {  	[tilespmem:s10+$0xFFFFFF00] =	vst v5;
	v1 =	vmul.f32 $8.000000000e+00, v1;
	v4 =	vld [tilespmem:s11+$0x190]  }
0x27b: {  	[tilespmem:s10+$0x0] =	vst v6;
	v5 =	vld [tilespmem:s5+$0xFFFFFF10];
	v2 =	vmul.f32 $8.000000000e+00, v2  }
0x27c: {  	v3 =	vmul.f32 $8.000000000e+00, v3;
	[tilespmem:s10+$0xFFFFFE00] =	vst v1;
	v1 =	vld [tilespmem:s5+$0x10]  }
0x27d: {  	v6 =	vld [tilespmem:s5+$0xFFFFFE10];
	[tilespmem:s18+$0xFFFFFE80] =	vst v2;
	v0 =	vmul.f32 $8.000000000e+00, v0  }
0x27e: {  	[tilespmem:s18+$0xFFFFFF80] =	vst v3;
	v2 =	vmul.f32 $8.000000000e+00, v7;
	v7 =	vld [tilespmem:s11+$0xFFFFFE90]  }
0x27f: {  	v3 =	vld [tilespmem:s11+$0xFFFFFF90];
	[tilespmem:s18+$0x80] =	vst v0;
	v0 =	vmul.f32 $8.000000000e+00, v4  }
0x280: {  	v4 =	vmul.f32 $8.000000000e+00, v5;
	[tilespmem:s10+$0x110] =	vst v2;
	v2 =	vld [tilespmem:s11+$0x90]  }
0x281: {  	v1 =	vmul.f32 $8.000000000e+00, v1;
	v5 =	vld [tilespmem:s5+$0x120];
	[tilespmem:s18+$0x190] =	vst v0  }
0x282: {  	v0 =	vmul.f32 $8.000000000e+00, v6;
	[tilespmem:s10+$0xFFFFFF10] =	vst v4;
	v4 =	vld [tilespmem:s11+$0x1A0]  }
0x283: {  	[tilespmem:s10+$0x10] =	vst v1;
	v6 =	vld [tilespmem:s5+$0xFFFFFF20];
	v1 =	vmul.f32 $8.000000000e+00, v7  }
0x284: {  	v3 =	vmul.f32 $8.000000000e+00, v3;
	[tilespmem:s10+$0xFFFFFE10] =	vst v0;
	v0 =	vld [tilespmem:s5+$0x20]  }
0x285: {  	v7 =	vld [tilespmem:s5+$0xFFFFFE20];
	[tilespmem:s18+$0xFFFFFE90] =	vst v1;
	v1 =	vmul.f32 $8.000000000e+00, v2  }
0x286: {  	[tilespmem:s18+$0xFFFFFF90] =	vst v3;
	v2 =	vmul.f32 $8.000000000e+00, v5;
	v5 =	vld [tilespmem:s11+$0xFFFFFEA0]  }
0x287: {  	v3 =	vld [tilespmem:s11+$0xFFFFFFA0];
	[tilespmem:s18+$0x90] =	vst v1;
	v1 =	vmul.f32 $8.000000000e+00, v4  }
0x288: {  	v4 =	vmul.f32 $8.000000000e+00, v6;
	[tilespmem:s10+$0x120] =	vst v2;
	v2 =	vld [tilespmem:s11+$0xA0]  }
0x289: {  	v0 =	vmul.f32 $8.000000000e+00, v0;
	v6 =	vld [tilespmem:s5+$0x130];
	[tilespmem:s18+$0x1A0] =	vst v1  }
0x28a: {  	v1 =	vmul.f32 $8.000000000e+00, v7;
	[tilespmem:s10+$0xFFFFFF20] =	vst v4;
	v4 =	vld [tilespmem:s11+$0x1B0]  }
0x28b: {  	v7 =	vld [tilespmem:s5+$0xFFFFFF30];
	[tilespmem:s10+$0x20] =	vst v0;
	v0 =	vmul.f32 $8.000000000e+00, v5  }
0x28c: {  	v3 =	vmul.f32 $8.000000000e+00, v3;
	[tilespmem:s10+$0xFFFFFE20] =	vst v1;
	v1 =	vld [tilespmem:s5+$0x30]  }
0x28d: {  	v5 =	vld [tilespmem:s5+$0xFFFFFE30];
	[tilespmem:s18+$0xFFFFFEA0] =	vst v0;
	v0 =	vmul.f32 $8.000000000e+00, v2  }
0x28e: {  	[tilespmem:s18+$0xFFFFFFA0] =	vst v3;
	v2 =	vmul.f32 $8.000000000e+00, v6;
	v6 =	vld [tilespmem:s11+$0xFFFFFEB0]  }
0x28f: {  	v3 =	vld [tilespmem:s11+$0xFFFFFFB0];
	[tilespmem:s18+$0xA0] =	vst v0;
	v0 =	vmul.f32 $8.000000000e+00, v4  }
0x290: {  	v4 =	vmul.f32 $8.000000000e+00, v7;
	[tilespmem:s10+$0x130] =	vst v2;
	v2 =	vld [tilespmem:s11+$0xB0]  }
0x291: {  	v1 =	vmul.f32 $8.000000000e+00, v1;
	v7 =	vld [tilespmem:s5+$0x140];
	[tilespmem:s18+$0x1B0] =	vst v0  }
0x292: {  	v0 =	vmul.f32 $8.000000000e+00, v5;
	[tilespmem:s10+$0xFFFFFF30] =	vst v4;
	v4 =	vld [tilespmem:s11+$0x1C0]  }
0x293: {  	v5 =	vld [tilespmem:s5+$0xFFFFFF40];
	[tilespmem:s10+$0x30] =	vst v1;
	v1 =	vmul.f32 $8.000000000e+00, v6  }
0x294: {  	v3 =	vmul.f32 $8.000000000e+00, v3;
	[tilespmem:s10+$0xFFFFFE30] =	vst v0;
	v0 =	vld [tilespmem:s5+$0x40]  }
0x295: {  	v6 =	vld [tilespmem:s5+$0xFFFFFE40];
	[tilespmem:s18+$0xFFFFFEB0] =	vst v1;
	v1 =	vmul.f32 $8.000000000e+00, v2  }
0x296: {  	[tilespmem:s18+$0xFFFFFFB0] =	vst v3;
	v2 =	vmul.f32 $8.000000000e+00, v7;
	v7 =	vld [tilespmem:s11+$0xFFFFFEC0]  }
0x297: {  	v3 =	vld [tilespmem:s11+$0xFFFFFFC0];
	[tilespmem:s18+$0xB0] =	vst v1;
	v1 =	vmul.f32 $8.000000000e+00, v4  }
0x298: {  	v4 =	vmul.f32 $8.000000000e+00, v5;
	[tilespmem:s10+$0x140] =	vst v2;
	v2 =	vld [tilespmem:s11+$0xC0]  }
0x299: {  	v0 =	vmul.f32 $8.000000000e+00, v0;
	v5 =	vld [tilespmem:s5+$0x150];
	[tilespmem:s18+$0x1C0] =	vst v1  }
0x29a: {  	v1 =	vmul.f32 $8.000000000e+00, v6;
	[tilespmem:s10+$0xFFFFFF40] =	vst v4;
	v4 =	vld [tilespmem:s11+$0x1D0]  }
0x29b: {  	v6 =	vld [tilespmem:s5+$0xFFFFFF50];
	[tilespmem:s10+$0x40] =	vst v0;
	v0 =	vmul.f32 $8.000000000e+00, v7  }
0x29c: {  	v3 =	vmul.f32 $8.000000000e+00, v3;
	[tilespmem:s10+$0xFFFFFE40] =	vst v1;
	v1 =	vld [tilespmem:s5+$0x50]  }
0x29d: {  	v7 =	vld [tilespmem:s5+$0xFFFFFE50];
	[tilespmem:s18+$0xFFFFFEC0] =	vst v0;
	v0 =	vmul.f32 $8.000000000e+00, v2  }
0x29e: {  	[tilespmem:s18+$0xFFFFFFC0] =	vst v3;
	v2 =	vmul.f32 $8.000000000e+00, v5;
	v5 =	vld [tilespmem:s11+$0xFFFFFED0]  }
0x29f: {  	v3 =	vld [tilespmem:s11+$0xFFFFFFD0];
	[tilespmem:s18+$0xC0] =	vst v0;
	v0 =	vmul.f32 $8.000000000e+00, v4  }
0x2a0: {  	v4 =	vmul.f32 $8.000000000e+00, v6;
	[tilespmem:s10+$0x150] =	vst v2;
	v2 =	vld [tilespmem:s11+$0xD0]  }
0x2a1: {  	v1 =	vmul.f32 $8.000000000e+00, v1;
	v6 =	vld [tilespmem:s5+$0x160];
	[tilespmem:s18+$0x1D0] =	vst v0  }
0x2a2: {  	v0 =	vmul.f32 $8.000000000e+00, v7;
	[tilespmem:s10+$0xFFFFFF50] =	vst v4;
	v4 =	vld [tilespmem:s11+$0x1E0]  }
0x2a3: {  	v7 =	vld [tilespmem:s5+$0xFFFFFF60];
	[tilespmem:s10+$0x50] =	vst v1;
	v1 =	vmul.f32 $8.000000000e+00, v5  }
0x2a4: {  	v3 =	vmul.f32 $8.000000000e+00, v3;
	[tilespmem:s10+$0xFFFFFE50] =	vst v0;
	v0 =	vld [tilespmem:s5+$0x60]  }
0x2a5: {  	v5 =	vld [tilespmem:s5+$0xFFFFFE60];
	[tilespmem:s18+$0xFFFFFED0] =	vst v1;
	v1 =	vmul.f32 $8.000000000e+00, v2  }
0x2a6: {  	[tilespmem:s18+$0xFFFFFFD0] =	vst v3;
	v2 =	vmul.f32 $8.000000000e+00, v6;
	v6 =	vld [tilespmem:s11+$0xFFFFFEE0]  }
0x2a7: {  	v3 =	vld [tilespmem:s11+$0xFFFFFFE0];
	[tilespmem:s18+$0xD0] =	vst v1;
	v1 =	vmul.f32 $8.000000000e+00, v4  }
0x2a8: {  	v4 =	vmul.f32 $8.000000000e+00, v7;
	[tilespmem:s10+$0x160] =	vst v2;
	v2 =	vld [tilespmem:s11+$0xE0]  }
0x2a9: {  	v0 =	vmul.f32 $8.000000000e+00, v0;
	v7 =	vld [tilespmem:s5+$0x170];
	[tilespmem:s18+$0x1E0] =	vst v1  }
0x2aa: {  	v1 =	vmul.f32 $8.000000000e+00, v5;
	[tilespmem:s10+$0xFFFFFF60] =	vst v4;
	v8 =	vld [tilespmem:s11+$0x1F0]  }
0x2ab: {  	v9 =	vld [tilespmem:s5+$0xFFFFFF70];
	[tilespmem:s10+$0x60] =	vst v0;
	v0 =	vmul.f32 $8.000000000e+00, v6  }
0x2ac: {  	v3 =	vmul.f32 $8.000000000e+00, v3;
	[tilespmem:s10+$0xFFFFFE60] =	vst v1;
	v4 =	vld [tilespmem:s5+$0x70]  }
0x2ad: {  	v5 =	vld [tilespmem:s5+$0xFFFFFE70];
	[tilespmem:s18+$0xFFFFFEE0] =	vst v0;
	v2 =	vmul.f32 $8.000000000e+00, v2  }
0x2ae: {  	[tilespmem:s18+$0xFFFFFFE0] =	vst v3;
	v7 =	vmul.f32 $8.000000000e+00, v7;
	v1 =	vld [tilespmem:s11+$0xFFFFFEF0]  }
0x2af: {  	v0 =	vld [tilespmem:s11+$0xFFFFFFF0];
	[tilespmem:s18+$0xE0] =	vst v2;
	v3 =	vmul.f32 $8.000000000e+00, v8  }
0x2b0: {  	s31 =	simm.s32 $0x4;
	s1 =	simm.s32 $0xAE00;
	v6 =	vmul.f32 $8.000000000e+00, v9;
	[tilespmem:s10+$0x170] =	vst v7;
	v2 =	vld [tilespmem:s11+$0xF0]  }
.LBB2_15:
0x2b1: {  	v7 =	vld [tilespmem:s1+$0x100];
	v4 =	vmul.f32 $8.000000000e+00, v4;
	[tilespmem:s18+$0x1F0] =	vst v3  }
0x2b2: {  	s31 =	sadd.s32 $0x4, s31;
	v3 =	vmul.f32 $8.000000000e+00, v5;
	[tilespmem:s10+$0xFFFFFF70] =	vst v6;
	v5 =	vld [tilespmem:s5+$0x180]  }
0x2b3: {  	p2 =	slt.u32 s31, $0x1C;
	v6 =	vld [tilespmem:s1+$0xFFFFFF00];
	[tilespmem:s10+$0x70] =	vst v4;
	v1 =	vmul.f32 $8.000000000e+00, v1  }
0x2b4: {  	v4 =	vld [tilespmem:s1+$0x0];
	[tilespmem:s10+$0xFFFFFE70] =	vst v3;
	v0 =	vmul.f32 $8.000000000e+00, v0  }
0x2b5: {  	v3 =	vld [tilespmem:s1+$0xFFFFFE00];
	[tilespmem:s18+$0xFFFFFEF0] =	vst v1;
	v1 =	vmul.f32 $8.000000000e+00, v2  }
0x2b6: {  	v2 =	vmul.f32 $8.000000000e+00, v7;
	v7 =	vld [tilespmem:s5+$0xFFFFFE80];
	[tilespmem:s18+$0xFFFFFFF0] =	vst v0  }
0x2b7: {  	v0 =	vld [tilespmem:s5+$0xFFFFFF80];
	v5 =	vmul.f32 $8.000000000e+00, v5;
	[tilespmem:s18+$0xF0] =	vst v1;
	s18 =	smov.u32 s10;
	s10 =	sadd.s32 $0x400, s10  }
0x2b8: {  	v1 =	vmul.f32 $8.000000000e+00, v6;
	[tilespmem:s10+$0x100] =	vst v2;
	v2 =	vld [tilespmem:s5+$0x80]  }
0x2b9: {  	v4 =	vmul.f32 $8.000000000e+00, v4;
	v6 =	vld [tilespmem:s1+$0x110];
	[tilespmem:s18+$0x180] =	vst v5  }
0x2ba: {  	v3 =	vmul.f32 $8.000000000e+00, v3;
	[tilespmem:s10+$0xFFFFFF00] =	vst v1;
	v1 =	vld [tilespmem:s5+$0x190]  }
0x2bb: {  	v5 =	vld [tilespmem:s1+$0xFFFFFF10];
	[tilespmem:s10+$0x0] =	vst v4;
	v4 =	vmul.f32 $8.000000000e+00, v7  }
0x2bc: {  	[tilespmem:s10+$0xFFFFFE00] =	vst v3;
	v3 =	vld [tilespmem:s1+$0x10];
	v0 =	vmul.f32 $8.000000000e+00, v0  }
0x2bd: {  	v7 =	vld [tilespmem:s1+$0xFFFFFE10];
	[tilespmem:s18+$0xFFFFFE80] =	vst v4;
	v2 =	vmul.f32 $8.000000000e+00, v2  }
0x2be: {  	v4 =	vmul.f32 $8.000000000e+00, v6;
	v6 =	vld [tilespmem:s5+$0xFFFFFE90];
	[tilespmem:s18+$0xFFFFFF80] =	vst v0  }
0x2bf: {  	v0 =	vld [tilespmem:s5+$0xFFFFFF90];
	[tilespmem:s18+$0x80] =	vst v2;
	v1 =	vmul.f32 $8.000000000e+00, v1  }
0x2c0: {  	v2 =	vmul.f32 $8.000000000e+00, v5;
	[tilespmem:s10+$0x110] =	vst v4;
	v4 =	vld [tilespmem:s5+$0x90]  }
0x2c1: {  	v3 =	vmul.f32 $8.000000000e+00, v3;
	v5 =	vld [tilespmem:s1+$0x120];
	[tilespmem:s18+$0x190] =	vst v1  }
0x2c2: {  	v1 =	vmul.f32 $8.000000000e+00, v7;
	[tilespmem:s10+$0xFFFFFF10] =	vst v2;
	v2 =	vld [tilespmem:s5+$0x1A0]  }
0x2c3: {  	v7 =	vld [tilespmem:s1+$0xFFFFFF20];
	[tilespmem:s10+$0x10] =	vst v3;
	v3 =	vmul.f32 $8.000000000e+00, v6  }
0x2c4: {  	[tilespmem:s10+$0xFFFFFE10] =	vst v1;
	v1 =	vld [tilespmem:s1+$0x20];
	v0 =	vmul.f32 $8.000000000e+00, v0  }
0x2c5: {  	v6 =	vld [tilespmem:s1+$0xFFFFFE20];
	[tilespmem:s18+$0xFFFFFE90] =	vst v3;
	v3 =	vmul.f32 $8.000000000e+00, v4  }
0x2c6: {  	v4 =	vmul.f32 $8.000000000e+00, v5;
	v5 =	vld [tilespmem:s5+$0xFFFFFEA0];
	[tilespmem:s18+$0xFFFFFF90] =	vst v0  }
0x2c7: {  	v0 =	vld [tilespmem:s5+$0xFFFFFFA0];
	[tilespmem:s18+$0x90] =	vst v3;
	v2 =	vmul.f32 $8.000000000e+00, v2  }
0x2c8: {  	v3 =	vmul.f32 $8.000000000e+00, v7;
	[tilespmem:s10+$0x120] =	vst v4;
	v4 =	vld [tilespmem:s5+$0xA0]  }
0x2c9: {  	v1 =	vmul.f32 $8.000000000e+00, v1;
	v7 =	vld [tilespmem:s1+$0x130];
	[tilespmem:s18+$0x1A0] =	vst v2  }
0x2ca: {  	v2 =	vmul.f32 $8.000000000e+00, v6;
	[tilespmem:s10+$0xFFFFFF20] =	vst v3;
	v3 =	vld [tilespmem:s5+$0x1B0]  }
0x2cb: {  	v6 =	vld [tilespmem:s1+$0xFFFFFF30];
	[tilespmem:s10+$0x20] =	vst v1;
	v1 =	vmul.f32 $8.000000000e+00, v5  }
0x2cc: {  	[tilespmem:s10+$0xFFFFFE20] =	vst v2;
	v2 =	vld [tilespmem:s1+$0x30];
	v0 =	vmul.f32 $8.000000000e+00, v0  }
0x2cd: {  	v5 =	vld [tilespmem:s1+$0xFFFFFE30];
	[tilespmem:s18+$0xFFFFFEA0] =	vst v1;
	v1 =	vmul.f32 $8.000000000e+00, v4  }
0x2ce: {  	v4 =	vmul.f32 $8.000000000e+00, v7;
	v7 =	vld [tilespmem:s5+$0xFFFFFEB0];
	[tilespmem:s18+$0xFFFFFFA0] =	vst v0  }
0x2cf: {  	v0 =	vld [tilespmem:s5+$0xFFFFFFB0];
	[tilespmem:s18+$0xA0] =	vst v1;
	v1 =	vmul.f32 $8.000000000e+00, v3  }
0x2d0: {  	v3 =	vmul.f32 $8.000000000e+00, v6;
	[tilespmem:s10+$0x130] =	vst v4;
	v4 =	vld [tilespmem:s5+$0xB0]  }
0x2d1: {  	v2 =	vmul.f32 $8.000000000e+00, v2;
	v6 =	vld [tilespmem:s1+$0x140];
	[tilespmem:s18+$0x1B0] =	vst v1  }
0x2d2: {  	v1 =	vmul.f32 $8.000000000e+00, v5;
	[tilespmem:s10+$0xFFFFFF30] =	vst v3;
	v3 =	vld [tilespmem:s5+$0x1C0]  }
0x2d3: {  	v5 =	vld [tilespmem:s1+$0xFFFFFF40];
	[tilespmem:s10+$0x30] =	vst v2;
	v2 =	vmul.f32 $8.000000000e+00, v7  }
0x2d4: {  	[tilespmem:s10+$0xFFFFFE30] =	vst v1;
	v1 =	vld [tilespmem:s1+$0x40];
	v0 =	vmul.f32 $8.000000000e+00, v0  }
0x2d5: {  	v7 =	vld [tilespmem:s1+$0xFFFFFE40];
	[tilespmem:s18+$0xFFFFFEB0] =	vst v2;
	v2 =	vmul.f32 $8.000000000e+00, v4  }
0x2d6: {  	v4 =	vmul.f32 $8.000000000e+00, v6;
	v6 =	vld [tilespmem:s5+$0xFFFFFEC0];
	[tilespmem:s18+$0xFFFFFFB0] =	vst v0  }
0x2d7: {  	v0 =	vld [tilespmem:s5+$0xFFFFFFC0];
	[tilespmem:s18+$0xB0] =	vst v2;
	v2 =	vmul.f32 $8.000000000e+00, v3  }
0x2d8: {  	v3 =	vmul.f32 $8.000000000e+00, v5;
	[tilespmem:s10+$0x140] =	vst v4;
	v4 =	vld [tilespmem:s5+$0xC0]  }
0x2d9: {  	v1 =	vmul.f32 $8.000000000e+00, v1;
	v5 =	vld [tilespmem:s1+$0x150];
	[tilespmem:s18+$0x1C0] =	vst v2  }
0x2da: {  	v2 =	vmul.f32 $8.000000000e+00, v7;
	[tilespmem:s10+$0xFFFFFF40] =	vst v3;
	v3 =	vld [tilespmem:s5+$0x1D0]  }
0x2db: {  	v7 =	vld [tilespmem:s1+$0xFFFFFF50];
	[tilespmem:s10+$0x40] =	vst v1;
	v1 =	vmul.f32 $8.000000000e+00, v6  }
0x2dc: {  	[tilespmem:s10+$0xFFFFFE40] =	vst v2;
	v2 =	vld [tilespmem:s1+$0x50];
	v0 =	vmul.f32 $8.000000000e+00, v0  }
0x2dd: {  	v6 =	vld [tilespmem:s1+$0xFFFFFE50];
	[tilespmem:s18+$0xFFFFFEC0] =	vst v1;
	v1 =	vmul.f32 $8.000000000e+00, v4  }
0x2de: {  	v4 =	vmul.f32 $8.000000000e+00, v5;
	v5 =	vld [tilespmem:s5+$0xFFFFFED0];
	[tilespmem:s18+$0xFFFFFFC0] =	vst v0  }
0x2df: {  	v0 =	vld [tilespmem:s5+$0xFFFFFFD0];
	[tilespmem:s18+$0xC0] =	vst v1;
	v1 =	vmul.f32 $8.000000000e+00, v3  }
0x2e0: {  	v3 =	vmul.f32 $8.000000000e+00, v7;
	[tilespmem:s10+$0x150] =	vst v4;
	v4 =	vld [tilespmem:s5+$0xD0]  }
0x2e1: {  	v2 =	vmul.f32 $8.000000000e+00, v2;
	v7 =	vld [tilespmem:s1+$0x160];
	[tilespmem:s18+$0x1D0] =	vst v1  }
0x2e2: {  	v1 =	vmul.f32 $8.000000000e+00, v6;
	[tilespmem:s10+$0xFFFFFF50] =	vst v3;
	v3 =	vld [tilespmem:s5+$0x1E0]  }
0x2e3: {  	v6 =	vld [tilespmem:s1+$0xFFFFFF60];
	[tilespmem:s10+$0x50] =	vst v2;
	v2 =	vmul.f32 $8.000000000e+00, v5  }
0x2e4: {  	[tilespmem:s10+$0xFFFFFE50] =	vst v1;
	v1 =	vld [tilespmem:s1+$0x60];
	v0 =	vmul.f32 $8.000000000e+00, v0  }
0x2e5: {  	v5 =	vld [tilespmem:s1+$0xFFFFFE60];
	[tilespmem:s18+$0xFFFFFED0] =	vst v2;
	v2 =	vmul.f32 $8.000000000e+00, v4  }
0x2e6: {  	v4 =	vmul.f32 $8.000000000e+00, v7;
	v7 =	vld [tilespmem:s5+$0xFFFFFEE0];
	[tilespmem:s18+$0xFFFFFFD0] =	vst v0  }
0x2e7: {  	v0 =	vld [tilespmem:s5+$0xFFFFFFE0];
	[tilespmem:s18+$0xD0] =	vst v2;
	v2 =	vmul.f32 $8.000000000e+00, v3  }
0x2e8: {  	v3 =	vmul.f32 $8.000000000e+00, v6;
	[tilespmem:s10+$0x160] =	vst v4;
	v6 =	vld [tilespmem:s5+$0xE0]  }
0x2e9: {  	v1 =	vmul.f32 $8.000000000e+00, v1;
	v8 =	vld [tilespmem:s1+$0x170];
	[tilespmem:s18+$0x1E0] =	vst v2  }
0x2ea: {  	v2 =	vmul.f32 $8.000000000e+00, v5;
	[tilespmem:s10+$0xFFFFFF60] =	vst v3;
	v3 =	vld [tilespmem:s5+$0x1F0]  }
0x2eb: {  	v9 =	vld [tilespmem:s1+$0xFFFFFF70];
	[tilespmem:s10+$0x60] =	vst v1;
	v1 =	vmul.f32 $8.000000000e+00, v7  }
.Ltmp8:
0x2ec: {  	[tilespmem:s10+$0xFFFFFE60] =	vst v2;
	v4 =	vld [tilespmem:s1+$0x70];
	v0 =	vmul.f32 $8.000000000e+00, v0;
	(pc) =	sbr.rel @p2 .LBB2_15-.Ltmp8, $4  }
0x2ed: {  	v5 =	vld [tilespmem:s1+$0xFFFFFE70];
	[tilespmem:s18+$0xFFFFFEE0] =	vst v1;
	v2 =	vmul.f32 $8.000000000e+00, v6  }
0x2ee: {  	v7 =	vmul.f32 $8.000000000e+00, v8;
	v1 =	vld [tilespmem:s5+$0xFFFFFEF0];
	[tilespmem:s18+$0xFFFFFFE0] =	vst v0  }
0x2ef: {  	v0 =	vld [tilespmem:s5+$0xFFFFFFF0];
	[tilespmem:s18+$0xE0] =	vst v2;
	v3 =	vmul.f32 $8.000000000e+00, v3  }
0x2f0: {  	v6 =	vmul.f32 $8.000000000e+00, v9;
	[tilespmem:s10+$0x170] =	vst v7;
	v2 =	vld [tilespmem:s5+$0xF0];
	s5 =	smov.u32 s1;
	s1 =	sadd.s32 $0x400, s1  }
0x2f1: {  	v4 =	vmul.f32 $8.000000000e+00, v4  }
0x2f2: {  	v7 =	vld [tilespmem:s5+$0x180];
	v5 =	vmul.f32 $8.000000000e+00, v5;
	[tilespmem:s10+$0xFFFFFF70] =	vst v6  }
0x2f3: {  	[tilespmem:s10+$0x70] =	vst v4;
	v51 =	vld [tilespmem:s5+$0xFFFFFF80]  }
0x2f4: {  	[tilespmem:s10+$0xFFFFFE70] =	vst v5;
	v52 =	vld [tilespmem:s5+$0x80]  }
0x2f5: {  	v5 =	vld [tilespmem:s5+$0xFFFFFE80];
	_ =	sdelay $0x1  }
0x2f6: {  	v7 =	vmul.f32 $8.000000000e+00, v7  }
0x2f7: {  	v4 =	vmul.f32 $8.000000000e+00, v51  }
0x2f8: {  	[tilespmem:s10+$0x180] =	vst v7;
	v53 =	vmul.f32 $8.000000000e+00, v52  }
0x2f9: {  	v7 =	vld [tilespmem:s5+$0x190];
	v5 =	vmul.f32 $8.000000000e+00, v5;
	[tilespmem:s10+$0xFFFFFF80] =	vst v4  }
0x2fa: {  	v4 =	vld [tilespmem:s5+$0xFFFFFF90];
	[tilespmem:s10+$0x80] =	vst v53  }
0x2fb: {  	[tilespmem:s10+$0xFFFFFE80] =	vst v5;
	v5 =	vld [tilespmem:s5+$0x90]  }
0x2fc: {  	v54 =	vld [tilespmem:s5+$0xFFFFFE90];
	_ =	sdelay $0x1  }
0x2fd: {  	v7 =	vmul.f32 $8.000000000e+00, v7  }
0x2fe: {  	v4 =	vmul.f32 $8.000000000e+00, v4  }
0x2ff: {  	[tilespmem:s10+$0x190] =	vst v7;
	v5 =	vmul.f32 $8.000000000e+00, v5  }
0x300: {  	v7 =	vld [tilespmem:s5+$0x1A0];
	v6 =	vmul.f32 $8.000000000e+00, v54;
	[tilespmem:s10+$0xFFFFFF90] =	vst v4  }
0x301: {  	v4 =	vld [tilespmem:s5+$0xFFFFFFA0];
	[tilespmem:s10+$0x90] =	vst v5  }
0x302: {  	[tilespmem:s10+$0xFFFFFE90] =	vst v6;
	v5 =	vld [tilespmem:s5+$0xA0]  }
0x303: {  	v6 =	vld [tilespmem:s5+$0xFFFFFEA0];
	_ =	sdelay $0x1  }
0x304: {  	v7 =	vmul.f32 $8.000000000e+00, v7  }
0x305: {  	v4 =	vmul.f32 $8.000000000e+00, v4  }
0x306: {  	[tilespmem:s10+$0x1A0] =	vst v7;
	v5 =	vmul.f32 $8.000000000e+00, v5  }
0x307: {  	v7 =	vld [tilespmem:s5+$0x1B0];
	v6 =	vmul.f32 $8.000000000e+00, v6;
	[tilespmem:s10+$0xFFFFFFA0] =	vst v4  }
0x308: {  	v4 =	vld [tilespmem:s5+$0xFFFFFFB0];
	[tilespmem:s10+$0xA0] =	vst v5  }
0x309: {  	[tilespmem:s10+$0xFFFFFEA0] =	vst v6;
	v5 =	vld [tilespmem:s5+$0xB0]  }
0x30a: {  	v6 =	vld [tilespmem:s5+$0xFFFFFEB0];
	_ =	sdelay $0x1  }
0x30b: {  	v7 =	vmul.f32 $8.000000000e+00, v7  }
0x30c: {  	v4 =	vmul.f32 $8.000000000e+00, v4  }
0x30d: {  	[tilespmem:s10+$0x1B0] =	vst v7;
	v5 =	vmul.f32 $8.000000000e+00, v5  }
0x30e: {  	v7 =	vld [tilespmem:s5+$0x1C0];
	v6 =	vmul.f32 $8.000000000e+00, v6;
	[tilespmem:s10+$0xFFFFFFB0] =	vst v4  }
0x30f: {  	v4 =	vld [tilespmem:s5+$0xFFFFFFC0];
	[tilespmem:s10+$0xB0] =	vst v5  }
0x310: {  	[tilespmem:s10+$0xFFFFFEB0] =	vst v6;
	v5 =	vld [tilespmem:s5+$0xC0]  }
0x311: {  	v6 =	vld [tilespmem:s5+$0xFFFFFEC0];
	_ =	sdelay $0x1  }
0x312: {  	v7 =	vmul.f32 $8.000000000e+00, v7  }
0x313: {  	v4 =	vmul.f32 $8.000000000e+00, v4  }
0x314: {  	[tilespmem:s10+$0x1C0] =	vst v7;
	v5 =	vmul.f32 $8.000000000e+00, v5  }
0x315: {  	v7 =	vld [tilespmem:s5+$0x1D0];
	v6 =	vmul.f32 $8.000000000e+00, v6;
	[tilespmem:s10+$0xFFFFFFC0] =	vst v4  }
0x316: {  	v4 =	vld [tilespmem:s5+$0xFFFFFFD0];
	[tilespmem:s10+$0xC0] =	vst v5  }
0x317: {  	[tilespmem:s10+$0xFFFFFEC0] =	vst v6;
	v5 =	vld [tilespmem:s5+$0xD0]  }
0x318: {  	v6 =	vld [tilespmem:s5+$0xFFFFFED0];
	_ =	sdelay $0x1  }
0x319: {  	v7 =	vmul.f32 $8.000000000e+00, v7  }
0x31a: {  	v4 =	vmul.f32 $8.000000000e+00, v4  }
0x31b: {  	[tilespmem:s10+$0x1D0] =	vst v7;
	v5 =	vmul.f32 $8.000000000e+00, v5  }
0x31c: {  	v7 =	vld [tilespmem:s5+$0x1E0];
	v6 =	vmul.f32 $8.000000000e+00, v6;
	[tilespmem:s10+$0xFFFFFFD0] =	vst v4  }
0x31d: {  	v4 =	vld [tilespmem:s5+$0xFFFFFFE0];
	[tilespmem:s10+$0xD0] =	vst v5  }
0x31e: {  	[tilespmem:s10+$0xFFFFFED0] =	vst v6;
	v5 =	vld [tilespmem:s5+$0xE0]  }
0x31f: {  	v6 =	vld [tilespmem:s5+$0xFFFFFEE0];
	_ =	sdelay $0x1  }
0x320: {  	v7 =	vmul.f32 $8.000000000e+00, v7  }
0x321: {  	v4 =	vmul.f32 $8.000000000e+00, v4  }
0x322: {  	[tilespmem:s10+$0x1E0] =	vst v7;
	v5 =	vmul.f32 $8.000000000e+00, v5  }
0x323: {  	v55 =	vld [tilespmem:s5+$0x1F0];
	v6 =	vmul.f32 $8.000000000e+00, v6;
	[tilespmem:s10+$0xFFFFFFE0] =	vst v4  }
0x324: {  	[tilespmem:s10+$0xE0] =	vst v5;
	v57 =	vld [tilespmem:s5+$0xFFFFFFF0]  }
0x325: {  	v1 =	vmul.f32 $8.000000000e+00, v1;
	[tilespmem:s10+$0xFFFFFEE0] =	vst v6;
	v58 =	vld [tilespmem:s5+$0xF0]  }
0x326: {  	[tilespmem:s18+$0x1F0] =	vst v3;
	v0 =	vmul.f32 $8.000000000e+00, v0;
	v56 =	vld [tilespmem:s5+$0xFFFFFEF0]  }
0x327: {  	[tilespmem:s18+$0xFFFFFEF0] =	vst v1;
	v59 =	vmul.f32 $8.000000000e+00, v2  }
0x328: {  	[tilespmem:s18+$0xFFFFFFF0] =	vst v0;
	v60 =	vmul.f32 $8.000000000e+00, v55  }
0x329: {  	[tilespmem:s18+$0xF0] =	vst v59;
	v62 =	vmul.f32 $8.000000000e+00, v57  }
.Ltmp9:
0x32a: {  	s1 =	sadd.s32 s17, s8;
	[tilespmem:s10+$0x1F0] =	vst v60;
	v63 =	vmul.f32 $8.000000000e+00, v58;
	(pc) =	sbr.rel @p1 .LBB2_18-.Ltmp9, $4  }
0x32b: {  	s1 =	sshll.u32 s1, $0x3;
	v61 =	vmul.f32 $8.000000000e+00, v56;
	[tilespmem:s10+$0xFFFFFFF0] =	vst v62  }
0x32c: {  	s1 =	sand.u32 $0x1FFFF800, s1;
	[tilespmem:s10+$0xF0] =	vst v63  }
0x32d: {  	s1 =	sadd.s32 s2, s1;
	[tilespmem:s10+$0xFFFFFEF0] =	vst v61  }
0x32e: {  	[hbm4b:s1+s3] =	stream.linear.scatter [tilespmem:s26], [sflag:$0x7], $0x2000, $0x38;
	[tilespmem:$0x16400] =	vst v63  }
.Ltmp10:
0x32f: {  	(pc) =	sbr.rel .LBB2_19-.Ltmp10, $4  }
0x330: {  	_ = 	snop  }
0x331: {  	_ =	swait.ge [sflag:s28], $0x2000  }
0x332: {  	[sflag:s28] =	ssyncset.done $0x0  }
0x333: {  	[sflag:s28] =	ssyncadd.s32 $0xFFFFE000  }
.LBB2_18:
0x334: {  	s1 =	sand.u32 $0x3FFFFE00, s17  }
.Ltmp11:
0x335: {  	s1 =	sadd.s32 $0x300, s1;
	(pc) =	sbr.rel @p0 .LBB2_20-.Ltmp11, $4  }
0x336: {  	[tilespmem:s16], [sflag:$0x3] =	stream.indirect.gather [hbm4b:s4+s12], $0x40, s1, s12, $0xb8;
	[tilespmem:$0x16400] =	vst v63  }
0x337: {  	_ =	swait.ge [sflag:s28], $0x2000  }
0x338: {  	[sflag:s28] =	ssyncset.done $0x0  }
0x339: {  	[sflag:s28] =	ssyncadd.s32 $0xFFFFE000  }
.LBB2_19:
0x33a: {  	_ =	swait.ge [sflag:s29], $0x2000  }
0x33b: {  	[sflag:s29] =	ssyncset.done $0x0  }
0x33c: {  	[sflag:s29] =	ssyncadd.s32 $0xFFFFE000  }
.LBB2_20:
0x33d: {  	s11 =	simm.s32 $0xC600  }
0x33e: {  	v0 =	vld [tilespmem:s11+$0x100];
	_ =	sdelay $0x3  }
0x33f: {  	v1 =	vld [tilespmem:s11+$0xFFFFFE00]  }
0x340: {  	v2 =	vld [tilespmem:s11+$0xFFFFFF00];
	v0 =	vmul.f32 $8.000000000e+00, v0  }
0x341: {  	s18 =	simm.s32 $0x14600;
	v3 =	vld [tilespmem:s11+$0x0]  }
0x342: {  	[tilespmem:s18+$0x100] =	vst v0  }
0x343: {  	v0 =	vld [tilespmem:s11+$0x110]  }
0x344: {  	v1 =	vmul.f32 $8.000000000e+00, v1  }
0x345: {  	v2 =	vmul.f32 $8.000000000e+00, v2  }
0x346: {  	v3 =	vmul.f32 $8.000000000e+00, v3;
	[tilespmem:s18+$0xFFFFFE00] =	vst v1  }
0x347: {  	[tilespmem:s18+$0xFFFFFF00] =	vst v2;
	v1 =	vld [tilespmem:s11+$0xFFFFFE10]  }
0x348: {  	[tilespmem:s18+$0x0] =	vst v3;
	v2 =	vld [tilespmem:s11+$0xFFFFFF10];
	v0 =	vmul.f32 $8.000000000e+00, v0  }
0x349: {  	v3 =	vld [tilespmem:s11+$0x10]  }
0x34a: {  	[tilespmem:s18+$0x110] =	vst v0  }
0x34b: {  	v0 =	vld [tilespmem:s11+$0x120]  }
0x34c: {  	v1 =	vmul.f32 $8.000000000e+00, v1  }
0x34d: {  	v2 =	vmul.f32 $8.000000000e+00, v2  }
0x34e: {  	v3 =	vmul.f32 $8.000000000e+00, v3;
	[tilespmem:s18+$0xFFFFFE10] =	vst v1  }
0x34f: {  	[tilespmem:s18+$0xFFFFFF10] =	vst v2;
	v1 =	vld [tilespmem:s11+$0xFFFFFE20]  }
0x350: {  	[tilespmem:s18+$0x10] =	vst v3;
	v2 =	vld [tilespmem:s11+$0xFFFFFF20];
	v0 =	vmul.f32 $8.000000000e+00, v0  }
0x351: {  	v3 =	vld [tilespmem:s11+$0x20]  }
0x352: {  	[tilespmem:s18+$0x120] =	vst v0  }
0x353: {  	v0 =	vld [tilespmem:s11+$0x130]  }
0x354: {  	v1 =	vmul.f32 $8.000000000e+00, v1  }
0x355: {  	v2 =	vmul.f32 $8.000000000e+00, v2  }
0x356: {  	v3 =	vmul.f32 $8.000000000e+00, v3;
	[tilespmem:s18+$0xFFFFFE20] =	vst v1  }
0x357: {  	[tilespmem:s18+$0xFFFFFF20] =	vst v2;
	v1 =	vld [tilespmem:s11+$0xFFFFFE30]  }
0x358: {  	[tilespmem:s18+$0x20] =	vst v3;
	v2 =	vld [tilespmem:s11+$0xFFFFFF30];
	v0 =	vmul.f32 $8.000000000e+00, v0  }
0x359: {  	v3 =	vld [tilespmem:s11+$0x30]  }
0x35a: {  	[tilespmem:s18+$0x130] =	vst v0  }
0x35b: {  	v0 =	vld [tilespmem:s11+$0x140]  }
0x35c: {  	v1 =	vmul.f32 $8.000000000e+00, v1  }
0x35d: {  	v2 =	vmul.f32 $8.000000000e+00, v2  }
0x35e: {  	v3 =	vmul.f32 $8.000000000e+00, v3;
	[tilespmem:s18+$0xFFFFFE30] =	vst v1  }
0x35f: {  	[tilespmem:s18+$0xFFFFFF30] =	vst v2;
	v1 =	vld [tilespmem:s11+$0xFFFFFE40]  }
0x360: {  	[tilespmem:s18+$0x30] =	vst v3;
	v2 =	vld [tilespmem:s11+$0xFFFFFF40];
	v0 =	vmul.f32 $8.000000000e+00, v0  }
0x361: {  	v3 =	vld [tilespmem:s11+$0x40]  }
0x362: {  	[tilespmem:s18+$0x140] =	vst v0  }
0x363: {  	v0 =	vld [tilespmem:s11+$0x150]  }
0x364: {  	v1 =	vmul.f32 $8.000000000e+00, v1  }
0x365: {  	v2 =	vmul.f32 $8.000000000e+00, v2  }
0x366: {  	v3 =	vmul.f32 $8.000000000e+00, v3;
	[tilespmem:s18+$0xFFFFFE40] =	vst v1  }
0x367: {  	[tilespmem:s18+$0xFFFFFF40] =	vst v2;
	v1 =	vld [tilespmem:s11+$0xFFFFFE50]  }
0x368: {  	[tilespmem:s18+$0x40] =	vst v3;
	v2 =	vld [tilespmem:s11+$0xFFFFFF50];
	v0 =	vmul.f32 $8.000000000e+00, v0  }
0x369: {  	v3 =	vld [tilespmem:s11+$0x50]  }
0x36a: {  	[tilespmem:s18+$0x150] =	vst v0  }
0x36b: {  	v0 =	vld [tilespmem:s11+$0x160]  }
0x36c: {  	v1 =	vmul.f32 $8.000000000e+00, v1  }
0x36d: {  	v2 =	vmul.f32 $8.000000000e+00, v2  }
0x36e: {  	v3 =	vmul.f32 $8.000000000e+00, v3;
	[tilespmem:s18+$0xFFFFFE50] =	vst v1  }
0x36f: {  	[tilespmem:s18+$0xFFFFFF50] =	vst v2;
	v1 =	vld [tilespmem:s11+$0xFFFFFE60]  }
0x370: {  	[tilespmem:s18+$0x50] =	vst v3;
	v2 =	vld [tilespmem:s11+$0xFFFFFF60];
	v0 =	vmul.f32 $8.000000000e+00, v0  }
0x371: {  	v3 =	vld [tilespmem:s11+$0x60]  }
0x372: {  	[tilespmem:s18+$0x160] =	vst v0  }
0x373: {  	v0 =	vld [tilespmem:s11+$0x170]  }
0x374: {  	v1 =	vmul.f32 $8.000000000e+00, v1  }
0x375: {  	v2 =	vmul.f32 $8.000000000e+00, v2  }
0x376: {  	v3 =	vmul.f32 $8.000000000e+00, v3;
	[tilespmem:s18+$0xFFFFFE60] =	vst v1  }
0x377: {  	[tilespmem:s18+$0xFFFFFF60] =	vst v2;
	v1 =	vld [tilespmem:s11+$0xFFFFFE70]  }
0x378: {  	[tilespmem:s18+$0x60] =	vst v3;
	v2 =	vld [tilespmem:s11+$0xFFFFFF70];
	v0 =	vmul.f32 $8.000000000e+00, v0  }
0x379: {  	s5 =	simm.s32 $0xCA00;
	v3 =	vld [tilespmem:s11+$0x70]  }
0x37a: {  	[tilespmem:s18+$0x170] =	vst v0;
	v0 =	vld [tilespmem:s5+$0x100]  }
0x37b: {  	v4 =	vld [tilespmem:s11+$0x180]  }
0x37c: {  	v5 =	vld [tilespmem:s5+$0xFFFFFF00];
	v1 =	vmul.f32 $8.000000000e+00, v1  }
0x37d: {  	v6 =	vld [tilespmem:s5+$0x0];
	v2 =	vmul.f32 $8.000000000e+00, v2  }
0x37e: {  	v3 =	vmul.f32 $8.000000000e+00, v3;
	[tilespmem:s18+$0xFFFFFE70] =	vst v1;
	v1 =	vld [tilespmem:s5+$0xFFFFFE00]  }
0x37f: {  	[tilespmem:s18+$0xFFFFFF70] =	vst v2;
	v2 =	vld [tilespmem:s11+$0xFFFFFE80];
	v0 =	vmul.f32 $8.000000000e+00, v0  }
0x380: {  	s10 =	simm.s32 $0x14A00;
	[tilespmem:s18+$0x70] =	vst v3;
	v3 =	vld [tilespmem:s11+$0xFFFFFF80];
	v4 =	vmul.f32 $8.000000000e+00, v4  }
0x381: {  	v5 =	vmul.f32 $8.000000000e+00, v5;
	[tilespmem:s10+$0x100] =	vst v0;
	v0 =	vld [tilespmem:s11+$0x80]  }
0x382: {  	v6 =	vmul.f32 $8.000000000e+00, v6;
	v7 =	vld [tilespmem:s5+$0x110];
	[tilespmem:s18+$0x180] =	vst v4  }
0x383: {  	[tilespmem:s10+$0xFFFFFF00] =	vst v5;
	v1 =	vmul.f32 $8.000000000e+00, v1;
	v4 =	vld [tilespmem:s11+$0x190]  }
0x384: {  	[tilespmem:s10+$0x0] =	vst v6;
	v5 =	vld [tilespmem:s5+$0xFFFFFF10];
	v2 =	vmul.f32 $8.000000000e+00, v2  }
0x385: {  	v3 =	vmul.f32 $8.000000000e+00, v3;
	[tilespmem:s10+$0xFFFFFE00] =	vst v1;
	v1 =	vld [tilespmem:s5+$0x10]  }
0x386: {  	v6 =	vld [tilespmem:s5+$0xFFFFFE10];
	[tilespmem:s18+$0xFFFFFE80] =	vst v2;
	v0 =	vmul.f32 $8.000000000e+00, v0  }
0x387: {  	[tilespmem:s18+$0xFFFFFF80] =	vst v3;
	v2 =	vmul.f32 $8.000000000e+00, v7;
	v7 =	vld [tilespmem:s11+$0xFFFFFE90]  }
0x388: {  	v3 =	vld [tilespmem:s11+$0xFFFFFF90];
	[tilespmem:s18+$0x80] =	vst v0;
	v0 =	vmul.f32 $8.000000000e+00, v4  }
0x389: {  	v4 =	vmul.f32 $8.000000000e+00, v5;
	[tilespmem:s10+$0x110] =	vst v2;
	v2 =	vld [tilespmem:s11+$0x90]  }
0x38a: {  	v1 =	vmul.f32 $8.000000000e+00, v1;
	v5 =	vld [tilespmem:s5+$0x120];
	[tilespmem:s18+$0x190] =	vst v0  }
0x38b: {  	v0 =	vmul.f32 $8.000000000e+00, v6;
	[tilespmem:s10+$0xFFFFFF10] =	vst v4;
	v4 =	vld [tilespmem:s11+$0x1A0]  }
0x38c: {  	[tilespmem:s10+$0x10] =	vst v1;
	v6 =	vld [tilespmem:s5+$0xFFFFFF20];
	v1 =	vmul.f32 $8.000000000e+00, v7  }
0x38d: {  	v3 =	vmul.f32 $8.000000000e+00, v3;
	[tilespmem:s10+$0xFFFFFE10] =	vst v0;
	v0 =	vld [tilespmem:s5+$0x20]  }
0x38e: {  	v7 =	vld [tilespmem:s5+$0xFFFFFE20];
	[tilespmem:s18+$0xFFFFFE90] =	vst v1;
	v1 =	vmul.f32 $8.000000000e+00, v2  }
0x38f: {  	[tilespmem:s18+$0xFFFFFF90] =	vst v3;
	v2 =	vmul.f32 $8.000000000e+00, v5;
	v5 =	vld [tilespmem:s11+$0xFFFFFEA0]  }
0x390: {  	v3 =	vld [tilespmem:s11+$0xFFFFFFA0];
	[tilespmem:s18+$0x90] =	vst v1;
	v1 =	vmul.f32 $8.000000000e+00, v4  }
0x391: {  	v4 =	vmul.f32 $8.000000000e+00, v6;
	[tilespmem:s10+$0x120] =	vst v2;
	v2 =	vld [tilespmem:s11+$0xA0]  }
0x392: {  	v0 =	vmul.f32 $8.000000000e+00, v0;
	v6 =	vld [tilespmem:s5+$0x130];
	[tilespmem:s18+$0x1A0] =	vst v1  }
0x393: {  	v1 =	vmul.f32 $8.000000000e+00, v7;
	[tilespmem:s10+$0xFFFFFF20] =	vst v4;
	v4 =	vld [tilespmem:s11+$0x1B0]  }
0x394: {  	v7 =	vld [tilespmem:s5+$0xFFFFFF30];
	[tilespmem:s10+$0x20] =	vst v0;
	v0 =	vmul.f32 $8.000000000e+00, v5  }
0x395: {  	v3 =	vmul.f32 $8.000000000e+00, v3;
	[tilespmem:s10+$0xFFFFFE20] =	vst v1;
	v1 =	vld [tilespmem:s5+$0x30]  }
0x396: {  	v5 =	vld [tilespmem:s5+$0xFFFFFE30];
	[tilespmem:s18+$0xFFFFFEA0] =	vst v0;
	v0 =	vmul.f32 $8.000000000e+00, v2  }
0x397: {  	[tilespmem:s18+$0xFFFFFFA0] =	vst v3;
	v2 =	vmul.f32 $8.000000000e+00, v6;
	v6 =	vld [tilespmem:s11+$0xFFFFFEB0]  }
0x398: {  	v3 =	vld [tilespmem:s11+$0xFFFFFFB0];
	[tilespmem:s18+$0xA0] =	vst v0;
	v0 =	vmul.f32 $8.000000000e+00, v4  }
0x399: {  	v4 =	vmul.f32 $8.000000000e+00, v7;
	[tilespmem:s10+$0x130] =	vst v2;
	v2 =	vld [tilespmem:s11+$0xB0]  }
0x39a: {  	v1 =	vmul.f32 $8.000000000e+00, v1;
	v7 =	vld [tilespmem:s5+$0x140];
	[tilespmem:s18+$0x1B0] =	vst v0  }
0x39b: {  	v0 =	vmul.f32 $8.000000000e+00, v5;
	[tilespmem:s10+$0xFFFFFF30] =	vst v4;
	v4 =	vld [tilespmem:s11+$0x1C0]  }
0x39c: {  	v5 =	vld [tilespmem:s5+$0xFFFFFF40];
	[tilespmem:s10+$0x30] =	vst v1;
	v1 =	vmul.f32 $8.000000000e+00, v6  }
0x39d: {  	v3 =	vmul.f32 $8.000000000e+00, v3;
	[tilespmem:s10+$0xFFFFFE30] =	vst v0;
	v0 =	vld [tilespmem:s5+$0x40]  }
0x39e: {  	v6 =	vld [tilespmem:s5+$0xFFFFFE40];
	[tilespmem:s18+$0xFFFFFEB0] =	vst v1;
	v1 =	vmul.f32 $8.000000000e+00, v2  }
0x39f: {  	[tilespmem:s18+$0xFFFFFFB0] =	vst v3;
	v2 =	vmul.f32 $8.000000000e+00, v7;
	v7 =	vld [tilespmem:s11+$0xFFFFFEC0]  }
0x3a0: {  	v3 =	vld [tilespmem:s11+$0xFFFFFFC0];
	[tilespmem:s18+$0xB0] =	vst v1;
	v1 =	vmul.f32 $8.000000000e+00, v4  }
0x3a1: {  	v4 =	vmul.f32 $8.000000000e+00, v5;
	[tilespmem:s10+$0x140] =	vst v2;
	v2 =	vld [tilespmem:s11+$0xC0]  }
0x3a2: {  	v0 =	vmul.f32 $8.000000000e+00, v0;
	v5 =	vld [tilespmem:s5+$0x150];
	[tilespmem:s18+$0x1C0] =	vst v1  }
0x3a3: {  	v1 =	vmul.f32 $8.000000000e+00, v6;
	[tilespmem:s10+$0xFFFFFF40] =	vst v4;
	v4 =	vld [tilespmem:s11+$0x1D0]  }
0x3a4: {  	v6 =	vld [tilespmem:s5+$0xFFFFFF50];
	[tilespmem:s10+$0x40] =	vst v0;
	v0 =	vmul.f32 $8.000000000e+00, v7  }
0x3a5: {  	v3 =	vmul.f32 $8.000000000e+00, v3;
	[tilespmem:s10+$0xFFFFFE40] =	vst v1;
	v1 =	vld [tilespmem:s5+$0x50]  }
0x3a6: {  	v7 =	vld [tilespmem:s5+$0xFFFFFE50];
	[tilespmem:s18+$0xFFFFFEC0] =	vst v0;
	v0 =	vmul.f32 $8.000000000e+00, v2  }
0x3a7: {  	[tilespmem:s18+$0xFFFFFFC0] =	vst v3;
	v2 =	vmul.f32 $8.000000000e+00, v5;
	v5 =	vld [tilespmem:s11+$0xFFFFFED0]  }
0x3a8: {  	v3 =	vld [tilespmem:s11+$0xFFFFFFD0];
	[tilespmem:s18+$0xC0] =	vst v0;
	v0 =	vmul.f32 $8.000000000e+00, v4  }
0x3a9: {  	v4 =	vmul.f32 $8.000000000e+00, v6;
	[tilespmem:s10+$0x150] =	vst v2;
	v2 =	vld [tilespmem:s11+$0xD0]  }
0x3aa: {  	v1 =	vmul.f32 $8.000000000e+00, v1;
	v6 =	vld [tilespmem:s5+$0x160];
	[tilespmem:s18+$0x1D0] =	vst v0  }
0x3ab: {  	v0 =	vmul.f32 $8.000000000e+00, v7;
	[tilespmem:s10+$0xFFFFFF50] =	vst v4;
	v4 =	vld [tilespmem:s11+$0x1E0]  }
0x3ac: {  	v7 =	vld [tilespmem:s5+$0xFFFFFF60];
	[tilespmem:s10+$0x50] =	vst v1;
	v1 =	vmul.f32 $8.000000000e+00, v5  }
0x3ad: {  	v3 =	vmul.f32 $8.000000000e+00, v3;
	[tilespmem:s10+$0xFFFFFE50] =	vst v0;
	v0 =	vld [tilespmem:s5+$0x60]  }
0x3ae: {  	v5 =	vld [tilespmem:s5+$0xFFFFFE60];
	[tilespmem:s18+$0xFFFFFED0] =	vst v1;
	v1 =	vmul.f32 $8.000000000e+00, v2  }
0x3af: {  	[tilespmem:s18+$0xFFFFFFD0] =	vst v3;
	v2 =	vmul.f32 $8.000000000e+00, v6;
	v6 =	vld [tilespmem:s11+$0xFFFFFEE0]  }
0x3b0: {  	v3 =	vld [tilespmem:s11+$0xFFFFFFE0];
	[tilespmem:s18+$0xD0] =	vst v1;
	v1 =	vmul.f32 $8.000000000e+00, v4  }
0x3b1: {  	v4 =	vmul.f32 $8.000000000e+00, v7;
	[tilespmem:s10+$0x160] =	vst v2;
	v2 =	vld [tilespmem:s11+$0xE0]  }
0x3b2: {  	v0 =	vmul.f32 $8.000000000e+00, v0;
	v7 =	vld [tilespmem:s5+$0x170];
	[tilespmem:s18+$0x1E0] =	vst v1  }
0x3b3: {  	v1 =	vmul.f32 $8.000000000e+00, v5;
	[tilespmem:s10+$0xFFFFFF60] =	vst v4;
	v8 =	vld [tilespmem:s11+$0x1F0]  }
0x3b4: {  	v9 =	vld [tilespmem:s5+$0xFFFFFF70];
	[tilespmem:s10+$0x60] =	vst v0;
	v0 =	vmul.f32 $8.000000000e+00, v6  }
0x3b5: {  	v3 =	vmul.f32 $8.000000000e+00, v3;
	[tilespmem:s10+$0xFFFFFE60] =	vst v1;
	v4 =	vld [tilespmem:s5+$0x70]  }
0x3b6: {  	v5 =	vld [tilespmem:s5+$0xFFFFFE70];
	[tilespmem:s18+$0xFFFFFEE0] =	vst v0;
	v2 =	vmul.f32 $8.000000000e+00, v2  }
0x3b7: {  	[tilespmem:s18+$0xFFFFFFE0] =	vst v3;
	v7 =	vmul.f32 $8.000000000e+00, v7;
	v1 =	vld [tilespmem:s11+$0xFFFFFEF0]  }
0x3b8: {  	v0 =	vld [tilespmem:s11+$0xFFFFFFF0];
	[tilespmem:s18+$0xE0] =	vst v2;
	v3 =	vmul.f32 $8.000000000e+00, v8  }
0x3b9: {  	s31 =	simm.s32 $0x4;
	s1 =	simm.s32 $0xCE00;
	v6 =	vmul.f32 $8.000000000e+00, v9;
	[tilespmem:s10+$0x170] =	vst v7;
	v2 =	vld [tilespmem:s11+$0xF0]  }
.LBB2_21:
0x3ba: {  	v7 =	vld [tilespmem:s1+$0x100];
	v4 =	vmul.f32 $8.000000000e+00, v4;
	[tilespmem:s18+$0x1F0] =	vst v3  }
0x3bb: {  	s31 =	sadd.s32 $0x4, s31;
	v3 =	vmul.f32 $8.000000000e+00, v5;
	[tilespmem:s10+$0xFFFFFF70] =	vst v6;
	v5 =	vld [tilespmem:s5+$0x180]  }
0x3bc: {  	p0 =	slt.u32 s31, $0x1C;
	v6 =	vld [tilespmem:s1+$0xFFFFFF00];
	[tilespmem:s10+$0x70] =	vst v4;
	v1 =	vmul.f32 $8.000000000e+00, v1  }
0x3bd: {  	v4 =	vld [tilespmem:s1+$0x0];
	[tilespmem:s10+$0xFFFFFE70] =	vst v3;
	v0 =	vmul.f32 $8.000000000e+00, v0  }
0x3be: {  	v3 =	vld [tilespmem:s1+$0xFFFFFE00];
	[tilespmem:s18+$0xFFFFFEF0] =	vst v1;
	v1 =	vmul.f32 $8.000000000e+00, v2  }
0x3bf: {  	v2 =	vmul.f32 $8.000000000e+00, v7;
	v7 =	vld [tilespmem:s5+$0xFFFFFE80];
	[tilespmem:s18+$0xFFFFFFF0] =	vst v0  }
0x3c0: {  	v0 =	vld [tilespmem:s5+$0xFFFFFF80];
	v5 =	vmul.f32 $8.000000000e+00, v5;
	[tilespmem:s18+$0xF0] =	vst v1;
	s18 =	smov.u32 s10;
	s10 =	sadd.s32 $0x400, s10  }
0x3c1: {  	v1 =	vmul.f32 $8.000000000e+00, v6;
	[tilespmem:s10+$0x100] =	vst v2;
	v2 =	vld [tilespmem:s5+$0x80]  }
0x3c2: {  	v4 =	vmul.f32 $8.000000000e+00, v4;
	v6 =	vld [tilespmem:s1+$0x110];
	[tilespmem:s18+$0x180] =	vst v5  }
0x3c3: {  	v3 =	vmul.f32 $8.000000000e+00, v3;
	[tilespmem:s10+$0xFFFFFF00] =	vst v1;
	v1 =	vld [tilespmem:s5+$0x190]  }
0x3c4: {  	v5 =	vld [tilespmem:s1+$0xFFFFFF10];
	[tilespmem:s10+$0x0] =	vst v4;
	v4 =	vmul.f32 $8.000000000e+00, v7  }
0x3c5: {  	[tilespmem:s10+$0xFFFFFE00] =	vst v3;
	v3 =	vld [tilespmem:s1+$0x10];
	v0 =	vmul.f32 $8.000000000e+00, v0  }
0x3c6: {  	v7 =	vld [tilespmem:s1+$0xFFFFFE10];
	[tilespmem:s18+$0xFFFFFE80] =	vst v4;
	v2 =	vmul.f32 $8.000000000e+00, v2  }
0x3c7: {  	v4 =	vmul.f32 $8.000000000e+00, v6;
	v6 =	vld [tilespmem:s5+$0xFFFFFE90];
	[tilespmem:s18+$0xFFFFFF80] =	vst v0  }
0x3c8: {  	v0 =	vld [tilespmem:s5+$0xFFFFFF90];
	[tilespmem:s18+$0x80] =	vst v2;
	v1 =	vmul.f32 $8.000000000e+00, v1  }
0x3c9: {  	v2 =	vmul.f32 $8.000000000e+00, v5;
	[tilespmem:s10+$0x110] =	vst v4;
	v4 =	vld [tilespmem:s5+$0x90]  }
0x3ca: {  	v3 =	vmul.f32 $8.000000000e+00, v3;
	v5 =	vld [tilespmem:s1+$0x120];
	[tilespmem:s18+$0x190] =	vst v1  }
0x3cb: {  	v1 =	vmul.f32 $8.000000000e+00, v7;
	[tilespmem:s10+$0xFFFFFF10] =	vst v2;
	v2 =	vld [tilespmem:s5+$0x1A0]  }
0x3cc: {  	v7 =	vld [tilespmem:s1+$0xFFFFFF20];
	[tilespmem:s10+$0x10] =	vst v3;
	v3 =	vmul.f32 $8.000000000e+00, v6  }
0x3cd: {  	[tilespmem:s10+$0xFFFFFE10] =	vst v1;
	v1 =	vld [tilespmem:s1+$0x20];
	v0 =	vmul.f32 $8.000000000e+00, v0  }
0x3ce: {  	v6 =	vld [tilespmem:s1+$0xFFFFFE20];
	[tilespmem:s18+$0xFFFFFE90] =	vst v3;
	v3 =	vmul.f32 $8.000000000e+00, v4  }
0x3cf: {  	v4 =	vmul.f32 $8.000000000e+00, v5;
	v5 =	vld [tilespmem:s5+$0xFFFFFEA0];
	[tilespmem:s18+$0xFFFFFF90] =	vst v0  }
0x3d0: {  	v0 =	vld [tilespmem:s5+$0xFFFFFFA0];
	[tilespmem:s18+$0x90] =	vst v3;
	v2 =	vmul.f32 $8.000000000e+00, v2  }
0x3d1: {  	v3 =	vmul.f32 $8.000000000e+00, v7;
	[tilespmem:s10+$0x120] =	vst v4;
	v4 =	vld [tilespmem:s5+$0xA0]  }
0x3d2: {  	v1 =	vmul.f32 $8.000000000e+00, v1;
	v7 =	vld [tilespmem:s1+$0x130];
	[tilespmem:s18+$0x1A0] =	vst v2  }
0x3d3: {  	v2 =	vmul.f32 $8.000000000e+00, v6;
	[tilespmem:s10+$0xFFFFFF20] =	vst v3;
	v3 =	vld [tilespmem:s5+$0x1B0]  }
0x3d4: {  	v6 =	vld [tilespmem:s1+$0xFFFFFF30];
	[tilespmem:s10+$0x20] =	vst v1;
	v1 =	vmul.f32 $8.000000000e+00, v5  }
0x3d5: {  	[tilespmem:s10+$0xFFFFFE20] =	vst v2;
	v2 =	vld [tilespmem:s1+$0x30];
	v0 =	vmul.f32 $8.000000000e+00, v0  }
0x3d6: {  	v5 =	vld [tilespmem:s1+$0xFFFFFE30];
	[tilespmem:s18+$0xFFFFFEA0] =	vst v1;
	v1 =	vmul.f32 $8.000000000e+00, v4  }
0x3d7: {  	v4 =	vmul.f32 $8.000000000e+00, v7;
	v7 =	vld [tilespmem:s5+$0xFFFFFEB0];
	[tilespmem:s18+$0xFFFFFFA0] =	vst v0  }
0x3d8: {  	v0 =	vld [tilespmem:s5+$0xFFFFFFB0];
	[tilespmem:s18+$0xA0] =	vst v1;
	v1 =	vmul.f32 $8.000000000e+00, v3  }
0x3d9: {  	v3 =	vmul.f32 $8.000000000e+00, v6;
	[tilespmem:s10+$0x130] =	vst v4;
	v4 =	vld [tilespmem:s5+$0xB0]  }
0x3da: {  	v2 =	vmul.f32 $8.000000000e+00, v2;
	v6 =	vld [tilespmem:s1+$0x140];
	[tilespmem:s18+$0x1B0] =	vst v1  }
0x3db: {  	v1 =	vmul.f32 $8.000000000e+00, v5;
	[tilespmem:s10+$0xFFFFFF30] =	vst v3;
	v3 =	vld [tilespmem:s5+$0x1C0]  }
0x3dc: {  	v5 =	vld [tilespmem:s1+$0xFFFFFF40];
	[tilespmem:s10+$0x30] =	vst v2;
	v2 =	vmul.f32 $8.000000000e+00, v7  }
0x3dd: {  	[tilespmem:s10+$0xFFFFFE30] =	vst v1;
	v1 =	vld [tilespmem:s1+$0x40];
	v0 =	vmul.f32 $8.000000000e+00, v0  }
0x3de: {  	v7 =	vld [tilespmem:s1+$0xFFFFFE40];
	[tilespmem:s18+$0xFFFFFEB0] =	vst v2;
	v2 =	vmul.f32 $8.000000000e+00, v4  }
0x3df: {  	v4 =	vmul.f32 $8.000000000e+00, v6;
	v6 =	vld [tilespmem:s5+$0xFFFFFEC0];
	[tilespmem:s18+$0xFFFFFFB0] =	vst v0  }
0x3e0: {  	v0 =	vld [tilespmem:s5+$0xFFFFFFC0];
	[tilespmem:s18+$0xB0] =	vst v2;
	v2 =	vmul.f32 $8.000000000e+00, v3  }
0x3e1: {  	v3 =	vmul.f32 $8.000000000e+00, v5;
	[tilespmem:s10+$0x140] =	vst v4;
	v4 =	vld [tilespmem:s5+$0xC0]  }
0x3e2: {  	v1 =	vmul.f32 $8.000000000e+00, v1;
	v5 =	vld [tilespmem:s1+$0x150];
	[tilespmem:s18+$0x1C0] =	vst v2  }
0x3e3: {  	v2 =	vmul.f32 $8.000000000e+00, v7;
	[tilespmem:s10+$0xFFFFFF40] =	vst v3;
	v3 =	vld [tilespmem:s5+$0x1D0]  }
0x3e4: {  	v7 =	vld [tilespmem:s1+$0xFFFFFF50];
	[tilespmem:s10+$0x40] =	vst v1;
	v1 =	vmul.f32 $8.000000000e+00, v6  }
0x3e5: {  	[tilespmem:s10+$0xFFFFFE40] =	vst v2;
	v2 =	vld [tilespmem:s1+$0x50];
	v0 =	vmul.f32 $8.000000000e+00, v0  }
0x3e6: {  	v6 =	vld [tilespmem:s1+$0xFFFFFE50];
	[tilespmem:s18+$0xFFFFFEC0] =	vst v1;
	v1 =	vmul.f32 $8.000000000e+00, v4  }
0x3e7: {  	v4 =	vmul.f32 $8.000000000e+00, v5;
	v5 =	vld [tilespmem:s5+$0xFFFFFED0];
	[tilespmem:s18+$0xFFFFFFC0] =	vst v0  }
0x3e8: {  	v0 =	vld [tilespmem:s5+$0xFFFFFFD0];
	[tilespmem:s18+$0xC0] =	vst v1;
	v1 =	vmul.f32 $8.000000000e+00, v3  }
0x3e9: {  	v3 =	vmul.f32 $8.000000000e+00, v7;
	[tilespmem:s10+$0x150] =	vst v4;
	v4 =	vld [tilespmem:s5+$0xD0]  }
0x3ea: {  	v2 =	vmul.f32 $8.000000000e+00, v2;
	v7 =	vld [tilespmem:s1+$0x160];
	[tilespmem:s18+$0x1D0] =	vst v1  }
0x3eb: {  	v1 =	vmul.f32 $8.000000000e+00, v6;
	[tilespmem:s10+$0xFFFFFF50] =	vst v3;
	v3 =	vld [tilespmem:s5+$0x1E0]  }
0x3ec: {  	v6 =	vld [tilespmem:s1+$0xFFFFFF60];
	[tilespmem:s10+$0x50] =	vst v2;
	v2 =	vmul.f32 $8.000000000e+00, v5  }
0x3ed: {  	[tilespmem:s10+$0xFFFFFE50] =	vst v1;
	v1 =	vld [tilespmem:s1+$0x60];
	v0 =	vmul.f32 $8.000000000e+00, v0  }
0x3ee: {  	v5 =	vld [tilespmem:s1+$0xFFFFFE60];
	[tilespmem:s18+$0xFFFFFED0] =	vst v2;
	v2 =	vmul.f32 $8.000000000e+00, v4  }
0x3ef: {  	v4 =	vmul.f32 $8.000000000e+00, v7;
	v7 =	vld [tilespmem:s5+$0xFFFFFEE0];
	[tilespmem:s18+$0xFFFFFFD0] =	vst v0  }
0x3f0: {  	v0 =	vld [tilespmem:s5+$0xFFFFFFE0];
	[tilespmem:s18+$0xD0] =	vst v2;
	v2 =	vmul.f32 $8.000000000e+00, v3  }
0x3f1: {  	v3 =	vmul.f32 $8.000000000e+00, v6;
	[tilespmem:s10+$0x160] =	vst v4;
	v6 =	vld [tilespmem:s5+$0xE0]  }
0x3f2: {  	v1 =	vmul.f32 $8.000000000e+00, v1;
	v8 =	vld [tilespmem:s1+$0x170];
	[tilespmem:s18+$0x1E0] =	vst v2  }
0x3f3: {  	v2 =	vmul.f32 $8.000000000e+00, v5;
	[tilespmem:s10+$0xFFFFFF60] =	vst v3;
	v3 =	vld [tilespmem:s5+$0x1F0]  }
0x3f4: {  	v9 =	vld [tilespmem:s1+$0xFFFFFF70];
	[tilespmem:s10+$0x60] =	vst v1;
	v1 =	vmul.f32 $8.000000000e+00, v7  }
.Ltmp12:
0x3f5: {  	[tilespmem:s10+$0xFFFFFE60] =	vst v2;
	v4 =	vld [tilespmem:s1+$0x70];
	v0 =	vmul.f32 $8.000000000e+00, v0;
	(pc) =	sbr.rel @p0 .LBB2_21-.Ltmp12, $4  }
0x3f6: {  	v5 =	vld [tilespmem:s1+$0xFFFFFE70];
	[tilespmem:s18+$0xFFFFFEE0] =	vst v1;
	v2 =	vmul.f32 $8.000000000e+00, v6  }
0x3f7: {  	v7 =	vmul.f32 $8.000000000e+00, v8;
	v1 =	vld [tilespmem:s5+$0xFFFFFEF0];
	[tilespmem:s18+$0xFFFFFFE0] =	vst v0  }
0x3f8: {  	v0 =	vld [tilespmem:s5+$0xFFFFFFF0];
	[tilespmem:s18+$0xE0] =	vst v2;
	v3 =	vmul.f32 $8.000000000e+00, v3  }
0x3f9: {  	v6 =	vmul.f32 $8.000000000e+00, v9;
	[tilespmem:s10+$0x170] =	vst v7;
	v2 =	vld [tilespmem:s5+$0xF0];
	s5 =	smov.u32 s1;
	s1 =	sadd.s32 $0x400, s1  }
0x3fa: {  	v4 =	vmul.f32 $8.000000000e+00, v4  }
0x3fb: {  	v7 =	vld [tilespmem:s5+$0x180];
	v5 =	vmul.f32 $8.000000000e+00, v5;
	[tilespmem:s10+$0xFFFFFF70] =	vst v6  }
0x3fc: {  	[tilespmem:s10+$0x70] =	vst v4;
	v51 =	vld [tilespmem:s5+$0xFFFFFF80]  }
0x3fd: {  	[tilespmem:s10+$0xFFFFFE70] =	vst v5;
	v52 =	vld [tilespmem:s5+$0x80]  }
0x3fe: {  	v5 =	vld [tilespmem:s5+$0xFFFFFE80];
	_ =	sdelay $0x1  }
0x3ff: {  	v7 =	vmul.f32 $8.000000000e+00, v7  }
0x400: {  	v4 =	vmul.f32 $8.000000000e+00, v51  }
0x401: {  	[tilespmem:s10+$0x180] =	vst v7;
	v53 =	vmul.f32 $8.000000000e+00, v52  }
0x402: {  	v7 =	vld [tilespmem:s5+$0x190];
	v5 =	vmul.f32 $8.000000000e+00, v5;
	[tilespmem:s10+$0xFFFFFF80] =	vst v4  }
0x403: {  	v4 =	vld [tilespmem:s5+$0xFFFFFF90];
	[tilespmem:s10+$0x80] =	vst v53  }
0x404: {  	[tilespmem:s10+$0xFFFFFE80] =	vst v5;
	v5 =	vld [tilespmem:s5+$0x90]  }
0x405: {  	v54 =	vld [tilespmem:s5+$0xFFFFFE90];
	_ =	sdelay $0x1  }
0x406: {  	v7 =	vmul.f32 $8.000000000e+00, v7  }
0x407: {  	v4 =	vmul.f32 $8.000000000e+00, v4  }
0x408: {  	[tilespmem:s10+$0x190] =	vst v7;
	v5 =	vmul.f32 $8.000000000e+00, v5  }
0x409: {  	v7 =	vld [tilespmem:s5+$0x1A0];
	v6 =	vmul.f32 $8.000000000e+00, v54;
	[tilespmem:s10+$0xFFFFFF90] =	vst v4  }
0x40a: {  	v4 =	vld [tilespmem:s5+$0xFFFFFFA0];
	[tilespmem:s10+$0x90] =	vst v5  }
0x40b: {  	[tilespmem:s10+$0xFFFFFE90] =	vst v6;
	v5 =	vld [tilespmem:s5+$0xA0]  }
0x40c: {  	v6 =	vld [tilespmem:s5+$0xFFFFFEA0];
	_ =	sdelay $0x1  }
0x40d: {  	v7 =	vmul.f32 $8.000000000e+00, v7  }
0x40e: {  	v4 =	vmul.f32 $8.000000000e+00, v4  }
0x40f: {  	[tilespmem:s10+$0x1A0] =	vst v7;
	v5 =	vmul.f32 $8.000000000e+00, v5  }
0x410: {  	v7 =	vld [tilespmem:s5+$0x1B0];
	v6 =	vmul.f32 $8.000000000e+00, v6;
	[tilespmem:s10+$0xFFFFFFA0] =	vst v4  }
0x411: {  	v4 =	vld [tilespmem:s5+$0xFFFFFFB0];
	[tilespmem:s10+$0xA0] =	vst v5  }
0x412: {  	[tilespmem:s10+$0xFFFFFEA0] =	vst v6;
	v5 =	vld [tilespmem:s5+$0xB0]  }
0x413: {  	v6 =	vld [tilespmem:s5+$0xFFFFFEB0];
	_ =	sdelay $0x1  }
0x414: {  	v7 =	vmul.f32 $8.000000000e+00, v7  }
0x415: {  	v4 =	vmul.f32 $8.000000000e+00, v4  }
0x416: {  	[tilespmem:s10+$0x1B0] =	vst v7;
	v5 =	vmul.f32 $8.000000000e+00, v5  }
0x417: {  	v7 =	vld [tilespmem:s5+$0x1C0];
	v6 =	vmul.f32 $8.000000000e+00, v6;
	[tilespmem:s10+$0xFFFFFFB0] =	vst v4  }
0x418: {  	v4 =	vld [tilespmem:s5+$0xFFFFFFC0];
	[tilespmem:s10+$0xB0] =	vst v5  }
0x419: {  	[tilespmem:s10+$0xFFFFFEB0] =	vst v6;
	v5 =	vld [tilespmem:s5+$0xC0]  }
0x41a: {  	v6 =	vld [tilespmem:s5+$0xFFFFFEC0];
	_ =	sdelay $0x1  }
0x41b: {  	v7 =	vmul.f32 $8.000000000e+00, v7  }
0x41c: {  	v4 =	vmul.f32 $8.000000000e+00, v4  }
0x41d: {  	[tilespmem:s10+$0x1C0] =	vst v7;
	v5 =	vmul.f32 $8.000000000e+00, v5  }
0x41e: {  	v7 =	vld [tilespmem:s5+$0x1D0];
	v6 =	vmul.f32 $8.000000000e+00, v6;
	[tilespmem:s10+$0xFFFFFFC0] =	vst v4  }
0x41f: {  	v4 =	vld [tilespmem:s5+$0xFFFFFFD0];
	[tilespmem:s10+$0xC0] =	vst v5  }
0x420: {  	[tilespmem:s10+$0xFFFFFEC0] =	vst v6;
	v5 =	vld [tilespmem:s5+$0xD0]  }
0x421: {  	v6 =	vld [tilespmem:s5+$0xFFFFFED0];
	_ =	sdelay $0x1  }
0x422: {  	v7 =	vmul.f32 $8.000000000e+00, v7  }
0x423: {  	v4 =	vmul.f32 $8.000000000e+00, v4  }
0x424: {  	[tilespmem:s10+$0x1D0] =	vst v7;
	v5 =	vmul.f32 $8.000000000e+00, v5  }
0x425: {  	v7 =	vld [tilespmem:s5+$0x1E0];
	v6 =	vmul.f32 $8.000000000e+00, v6;
	[tilespmem:s10+$0xFFFFFFD0] =	vst v4  }
0x426: {  	v4 =	vld [tilespmem:s5+$0xFFFFFFE0];
	[tilespmem:s10+$0xD0] =	vst v5  }
0x427: {  	[tilespmem:s10+$0xFFFFFED0] =	vst v6;
	v5 =	vld [tilespmem:s5+$0xE0]  }
0x428: {  	v6 =	vld [tilespmem:s5+$0xFFFFFEE0];
	_ =	sdelay $0x1  }
0x429: {  	v7 =	vmul.f32 $8.000000000e+00, v7  }
0x42a: {  	v4 =	vmul.f32 $8.000000000e+00, v4  }
0x42b: {  	[tilespmem:s10+$0x1E0] =	vst v7;
	v5 =	vmul.f32 $8.000000000e+00, v5  }
0x42c: {  	v55 =	vld [tilespmem:s5+$0x1F0];
	v6 =	vmul.f32 $8.000000000e+00, v6;
	[tilespmem:s10+$0xFFFFFFE0] =	vst v4  }
0x42d: {  	[tilespmem:s10+$0xE0] =	vst v5;
	v57 =	vld [tilespmem:s5+$0xFFFFFFF0]  }
0x42e: {  	v1 =	vmul.f32 $8.000000000e+00, v1;
	[tilespmem:s10+$0xFFFFFEE0] =	vst v6;
	v58 =	vld [tilespmem:s5+$0xF0]  }
0x42f: {  	[tilespmem:s18+$0x1F0] =	vst v3;
	v0 =	vmul.f32 $8.000000000e+00, v0;
	v56 =	vld [tilespmem:s5+$0xFFFFFEF0]  }
0x430: {  	[tilespmem:s18+$0xFFFFFEF0] =	vst v1;
	v59 =	vmul.f32 $8.000000000e+00, v2  }
0x431: {  	[tilespmem:s18+$0xFFFFFFF0] =	vst v0;
	v60 =	vmul.f32 $8.000000000e+00, v55  }
0x432: {  	[tilespmem:s18+$0xF0] =	vst v59;
	v62 =	vmul.f32 $8.000000000e+00, v57  }
0x433: {  	s1 =	sadd.s32 s17, s9;
	[tilespmem:s10+$0x1F0] =	vst v60;
	v63 =	vmul.f32 $8.000000000e+00, v58  }
0x434: {  	p0 =	seq.s32 s0, $0x31;
	s1 =	sshll.u32 s1, $0x3;
	v61 =	vmul.f32 $8.000000000e+00, v56;
	[tilespmem:s10+$0xFFFFFFF0] =	vst v62  }
0x435: {  	s0 =	sshll.u32 @!p0 s0, $0x9;
	s1 =	sand.u32 $0x1FFFFC00, s1;
	[tilespmem:s10+$0xF0] =	vst v63  }
0x436: {  	p1 =	sne.s32 @!p0 s15, $0x32;
	s0 =	sand.u32 @!p0 $0x3FFFFE00, s0;
	s1 =	sadd.s32 s2, s1;
	[tilespmem:s10+$0xFFFFFEF0] =	vst v61  }
0x437: {  	[hbm4b:s1+s3] =	stream.linear.scatter [tilespmem:s30], [sflag:$0x8], $0x2000, $0x38;
	[tilespmem:$0x16400] =	vst v63  }
0x438: {  	s0 =	sadd.s32 @!p0 $0x380, s0;
	s5 =	simm.s32 @!p0 $0xC400;
	s1 =	simm.s32 @!p0 $0x80  }
0x439: {  	[tilespmem:s5], [sflag:$0x4] =	stream.indirect.gather @!p0 [hbm4b:s4+s1], $0x40, s0, s1, $0xb8;
	[tilespmem:$0x16400] =	vst v63  }
0x43a: {  	p0 =	por p0, !p1  }
.Ltmp13:
0x43b: {  	_ = 	snop;
	(pc) =	sbr.rel @!p0 .LBB2_2-.Ltmp13, $2  }
0x43c: {  	_ =	sdelay $0x2  }
0x43d: {  	s0 =	smov.u32 s15  }
0x43e: {  	s0 =	simm.s32 $0x5  }
0x43f: {  	_ =	swait.ge [sflag:s0], $0x2000  }
0x440: {  	[sflag:s0] =	ssyncset.done $0x0  }
0x441: {  	[sflag:s0] =	ssyncadd.s32 $0xFFFFE000  }
0x442: {  	_ =	swait.ge [sflag:s22], $0x2000  }
0x443: {  	[sflag:s22] =	ssyncset.done $0x0  }
0x444: {  	[sflag:s22] =	ssyncadd.s32 $0xFFFFE000  }
0x445: {  	_ =	swait.ge [sflag:s25], $0x2000  }
0x446: {  	[sflag:s25] =	ssyncset.done $0x0  }
0x447: {  	[sflag:s25] =	ssyncadd.s32 $0xFFFFE000  }
0x448: {  	_ =	swait.ge [sflag:s29], $0x2000  }
0x449: {  	s1 =	rddreg [dreg:$0x5]  }
0x44a: {  	s31 =	rddreg [dreg:$0x4];
	s1 =	sadd.s32 $0x1, s1  }
0x44b: {  	p0 =	sne.s32 s1, s31  }
.Ltmp14:
0x44c: {  	_ = 	snop;
	(pc) =	sbr.rel @p0 .LBB2_1-.Ltmp14, $3  }
0x44d: {  	_ =	sdelay $0x1  }
0x44e: {  	[sflag:s29] =	ssyncset.done $0x0  }
0x44f: {  	[sflag:s29] =	ssyncadd.s32 $0xFFFFE000  }
0x450: {  	_ =	sfence.sel $0x180000  }
0x451: {  	[bflag:$0x0] =	sbarrier.arrive $0xFFFF  }
0x452: {  	_ =	strace $0x90000047  }
0x453: {  	s0 =	stileid.u32;
	[bflag:$0x2] =	sbarrier.arrive $0xFFFF  }
0x454: {  	p0 =	sne.s32 s0, $0x0;
	s0 =	rddreg [dreg:$0x2]  }
0x455: {  	s0 =	sadd.s32 @!p0 $0x100000, s0  }
0x456: {  	[sflag:s0] =	ssyncadd.tile.s32 @!p0 $0x1;
	_ =	shalt  }
.Lfunc_end2:
_tile_overlayer_lowered:
.L_overlay_start_2:
0x457: {  	(tag) =	ssettag $0x2  }
0x458: {  	s0 =	rddreg [dreg:$0x0];
	s2 =	stileid.u32  }
0x459: {  	s1 =	rddreg [dreg:$0x1];
	p0 =	sne.s32 s2, $0x0  }
0x45a: {  	s3 =	rddreg [dreg:$0x2];
	[bflag:$0x3] =	sbarrier.arrive $0xFFFF;
	s2 =	simm.s32 @!p0 $0x1C09  }
0x45b: {  	[timem:s3], [sflag:s2] =	dma.local @!p0 [hbm:s0], s1  }
0x45c: {  	s0 =	simm.s32 @!p0 $0x9  }
0x45d: {  	_ =	swait.ge @!p0 [sflag:s0], s1  }
0x45e: {  	s1 =	ssub.s32 @!p0 $0x0, s1;
	[sflag:s0] =	ssyncset.done @!p0 $0x0  }
0x45f: {  	[sflag:s0] =	ssyncadd.s32 @!p0 s1  }
0x460: {  	[bflag:$0x3] =	sbarrier.arrive $0xFFFF  }
0x461: {  	_ =	shalt  }

// kernel: sparse-core-data-format-call.cloned.1.call-start
scs
called_computation_lowered:
.L_overlay_start_0:
0x0: {  	s2 =	sld [smem:$0x3FD9]  }
0x1: {  	s3 =	sld [smem:$0x3FFE];
	_ =	sdelay $0x1  }
0x2: {  	s1 =	srdreg.scid  }
0x3: {  	s0 =	sand.u32 $0x1, s1  }
0x4: {  	s18 =	sshll.u32 s0, $0xA;
	s2 =	sadd.s32 s3, s2  }
0x5: {  	s2 =	sadd.s32 s2, s18  }
0x6: {  	[smem:$0x3FC6] =	sst s2  }
0x7: {  	_ = 	snop  }
0x8: {  	s2 =	sld [smem:$0x3FD0];
	(tm) =	ssettm $0x1  }
0x9: {  	s19 =	sld [smem:$0x3FFB];
	_ =	sdelay $0x3  }
0xa: {  	_ =	strace s19  }
0xb: {  	s3 =	sld [smem:$0x3FFC];
	_ =	sdelay $0x3  }
0xc: {  	_ =	strace s3  }
0xd: {  	s3 =	sld [smem:$0x3FFD];
	_ =	sdelay $0x3  }
0xe: {  	_ =	strace s3  }
0xf: {  	_ =	strace $0x8FFFFFFF  }
0x10: {  	s20 =	sld [smem:$0x3FDB];
	_ =	sdelay $0x1  }
0x11: {  	s4 =	simm.s32 $_scs_section_size  }
0x12: {  	s5 =	simm.s32 $_size__tile_overlayer_lowered;
	s6 =	simm.s32 $_tile_overlayer_lowered  }
0x13: {  	s23 =	simm.s32 $0x1BFF;
	s22 =	sshll.u32 s6, $0x1;
	s3 =	sadd.s32 s4, s20  }
0x14: {  	s7 =	simm.s32 $0x0;
	s21 =	sshll.u32 s5, $0x1;
	s5 =	sadd.s32 s22, s3  }
0x15: {  	[timem:s7], [sflag:s23] =	dma.local [hbm:s5], s21  }
0x16: {  	_ =	swait.ge [sflag:s23], s21  }
0x17: {  	s4 =	ssub.s32 $0x0, s21;
	[sflag:s23] =	ssyncset.done $0x0  }
0x18: {  	[sflag:s23] =	ssyncadd.s32 s4;
	_ =	sdelay $0x1  }
0x19: {  	s24 =	simm.s32 $0x1B8B  }
0x1a: {  	_ =	swait.ge [sflag:s24], $0x1  }
0x1b: {  	[sflag:s24] =	ssyncset.done $0x0  }
0x1c: {  	s26 =	simm.s32 $0x1B8E;
	s25 =	sld [smem:$0x3FFE];
	[sflag:s24] =	ssyncadd.s32 $0xFFFFFFFF  }
0x1d: {  	s27 =	simm.s32 $execute0_lowered;
	[smem:$0x3FD2] =	sst s26  }
0x1e: {  	s5 =	sshll.u32 s27, $0x1;
	_ =	strace $0x80000049;
	[dreg:$0x1] =	wrdreg $0xFFFFFFFF  }
0x1f: {  	s28 =	simm.s32 $_size_execute0_lowered;
	s3 =	sadd.s32 s3, s5;
	[dreg:$0x0] =	wrdreg $0x0  }
0x20: {  	s5 =	sshll.u32 s28, $0x1;
	[dreg:$0x2] =	wrdreg s3  }
0x21: {  	[dreg:$0x3] =	wrdreg s5  }
0x22: {  	[dreg:$0x4] =	wrdreg $0xC0  }
0x23: {  	_ =	task [dreg:s7], $0x5FFFF  }
0x24: {  	[dreg:$0x1] =	wrdreg $0xFFFFFFFF  }
0x25: {  	[dreg:$0x0] =	wrdreg $0x60  }
0x26: {  	[dreg:$0x2] =	wrdreg s25  }
0x27: {  	[dreg:$0x3] =	wrdreg s2  }
0x28: {  	[dreg:$0x4] =	wrdreg $0x9  }
0x29: {  	_ =	task.clear_ibuf [dreg:s7], $0x5FFFF;
	_ =	strace $0x90000049  }
0x2a: {  	s29 =	simm.s32 $0x9;
	_ =	strace $0x8000004B  }
0x2b: {  	_ =	swait.ge [sflag:s29], $0x1  }
0x2c: {  	[sflag:s29] =	ssyncadd.s32 $0xFFFFFFFF  }
0x2d: {  	_ =	strace $0x9000004B  }
0x2e: {  	_ =	sfence  }
0x2f: {  	s30 =	sld [smem:$0x0];
	_ =	sdelay $0x2  }
0x30: {  	s31 =	sshll.u32 s1, $0xD;
	s1 =	sshrl.u32 s1, $0x2  }
0x31: {  	s3 =	sand.u32 $0x4000, s31;
	s1 =	sadd.s32 s1, s30  }
0x32: {  	s0 =	sor.u32 s3, s0;
	s1 =	sshll.u32 s1, $0x11  }
0x33: {  	s0 =	sor.u32 s1, s0  }
0x34: {  	s0 =	sadd.s32 $0x8F2B, s0  }
0x35: {  	[sflag:s0] =	ssyncadd.remote.s32 $0x1  }
0x36: {  	_ =	sfence.sel $0xFFFF  }
0x37: {  	[dreg:$0x0] =	wrdreg $0xFFFFFFFF;
	(pc) =	sbr.abs _section_cstart, $3  }
0x38: {  	[dreg:$0x1] =	wrdreg $0xFFFFFFFF  }
0x39: {  	_ =	task.clear_ibuf [dreg:s7], $0x2FFFF;
	_ =	strace $0x9FFFFFFF  }
0x3a: {  	(tm) =	ssettm $0x7FFFFFFF  }
0x3b: {  	_ =	shalt  }
tec
execute0_lowered:
.L_overlay_start_1:
0x0: {  	(tag) =	ssettag $0x1  }
0x1: {  	s0 =	srdreg.scid  }
0x2: {  	s1 =	sshll.u32 s0, $0x4  }
0x3: {  	s0 =	stileid.u32;
	s1 =	sand.u32 $0x10, s1  }
0x4: {  	s1 =	sor.u32 s0, s1  }
0x5: {  	s6 =	rddreg [dreg:$0x0];
	s4 =	simm.s32 $0x1;
	s2 =	sshll.u32 s1, $0x7  }
0x6: {  	s7 =	simm.s32 $0x2;
	s12 =	simm.s32 $0x0;
	s1 =	ssub.s32 $0x1000, s2  }
0x7: {  	s8 =	simm.s32 $0x8000;
	s13 =	simm.s32 $0x0;
	s3 =	sand.u32 $0xF80, s1  }
0x8: {  	s9 =	simm.s32 $0x0;
	s5 =	sshrl.u32 s1, $0xC;
	p0 =	sne.s32 s3, $0x0  }
.Ltmp0:
0x9: {  	s1 =	rddreg [dreg:$0x2];
	s4 =	simm.s32 @!p0 $0x0;
	(pc) =	sbr.rel .LBB1_1-.Ltmp0, $4  }
0xa: {  	s11 =	simm.s32 $0x0;
	s3 =	rddreg [dreg:$0x1];
	s5 =	sadd.s32 s4, s5  }
0xb: {  	_ =	strace $0x8000004A;
	s4 =	simm.s32 $0x1;
	s5 =	smul.u32 $0xC8, s5  }
0xc: {  	s6 =	sadd.s32 $0xA00, s6;
	s10 =	smov.u32 s2;
	[sflag:s4] =	ssyncpa.u1 $0x0  }
0xd: {  	p0 =	por $0x0, $0x0;
	[sflag:s7] =	ssyncpa.u1 $0x0;
	s7 =	sor.u32 $0x1, s5  }
.LBB1_4:
0xe: {  	s16 =	sshll.u32 s13, $0x3;
	s17 =	sand.u32 $0x78, s13  }
0xf: {  	s30 =	sand.u32 $0x7E00, s13;
	s12 =	sshll.u32 s12, $0xF;
	s16 =	sand.u32 $0xC00, s16  }
0x10: {  	[tilespmem:s15+$0x810 ss:$0x81] =	vst.msk $0xffff, v2;
	s31 =	sand.u32 $0x7, s13;
	s16 =	sor.u32 s17, s16;
	s17 =	sadd.s32 s3, s30  }
0x11: {  	[tilespmem:s15+$0x1020 ss:$0x81] =	vst.msk $0xffff, v0;
	s13 =	sshll.u32 s31, $0x12;
	s12 =	sadd.s32 s12, s17;
	s16 =	sshrl.u32 s16, $0x3  }
0x12: {  	[tilespmem:s15+$0x0 ss:$0x81] =	vst.msk $0xffff, v1;
	s13 =	sor.u32 $0x400, s13;
	s12 =	sadd.s32 s16, s12  }
0x13: {  	[hbm4b:s12+s13] =	stream.strided.scatter [tilespmem:s14], [sflag:$0x2], $0x2000, s8, s13, $0x20;
	[tilespmem:$0x8080] =	vst v63  }
.LBB1_5:
0x14: {  	s14 =	sadd.s32 $0x1, s9  }
0x15: {  	s12 =	sadd.s32 $0x1000, s10;
	s16 =	smov.u32 s10;
	p2 =	sgt.s32 s14, $0xC7  }
0x16: {  	s16 =	smov.u32 @p2 s12  }
0x17: {  	s14 =	simm.s32 @p2 $0x0;
	p2 =	sgt.s32 s16, $0xFFF  }
0x18: {  	s16 =	smov.u32 @p2 s2;
	p2 =	sne.s32 s11, s7  }
.Ltmp1:
0x19: {  	p1 =	slt.u32 s11, $0x2;
	(pc) =	sbr.rel @!p2 .LBB1_6-.Ltmp1, $4  }
0x1a: {  	s15 =	simm.s32 @!p1 $0x2  }
0x1b: {  	s13 =	smov.u32 s10;
	p0 =	por !p0, !p0;
	_ =	swait.ge @!p1 [sflag:s15], $0x2000  }
0x1c: {  	s12 =	smov.u32 s9;
	[sflag:s15] =	ssyncset.done @!p1 $0x0;
	s9 =	smov.u32 s14  }
0x1d: {  	s11 =	sadd.s32 $0x1, s11;
	[sflag:s15] =	ssyncadd.s32 @!p1 $0xFFFFE000;
	s10 =	smov.u32 s16  }
.LBB1_1:
0x1e: {  	p1 =	sge.u32 s11, s5  }
0x1f: {  	s14 =	sand.u32 @!p1 $0x1FFFFFF, s9  }
0x20: {  	s15 =	smulhi.u32 @!p1 $0x147AE15, s14;
	_ =	sdelay $0x1  }
0x21: {  	s15 =	smul.u32 @!p1 $0xC8, s15  }
0x22: {  	s16 =	sxor.u32 @!p1 $0xFFFFFFFF, s11;
	s17 =	smul.u32 @!p1 $0xC80, s10  }
0x23: {  	s31 =	sadd.s32 $0xFFFFFFFF, s11;
	s16 =	sshll.u32 @!p1 s16, $0xD;
	s14 =	ssub.s32 @!p1 s14, s15  }
0x24: {  	s15 =	sand.u32 @!p1 $0x2000, s16;
	s16 =	sadd.s32 @!p1 s6, s17;
	s14 =	sshll.u32 @!p1 s14, $0x4  }
0x25: {  	s17 =	simm.s32 @!p1 $0x6400;
	s14 =	sadd.s32 @!p1 s14, s16;
	s16 =	simm.s32 @!p1 $0x40  }
0x26: {  	[tilespmem:s15], [sflag:$0x1] =	stream.strided.gather @!p1 [hbm4b:s14+s16], $0x2000, s17, s16, $0x38;
	[tilespmem:$0x8080] =	vst v63  }
0x27: {  	p1 =	sge.u32 s31, s5  }
.Ltmp2:
0x28: {  	_ = 	snop;
	(pc) =	sbr.rel @p1 .LBB1_5-.Ltmp2, $1  }
0x29: {  	_ =	sdelay $0x3  }
0x2a: {  	s14 =	simm.s32 $0x1  }
0x2b: {  	_ =	swait.ge [sflag:s4], $0x2000;
	s14 =	simm.s32 @!p0 $0x0  }
0x2c: {  	[sflag:s4] =	ssyncset.done $0x0;
	s15 =	sshll.u32 s14, $0xD  }
0x2d: {  	[sflag:s4] =	ssyncadd.s32 $0xFFFFE000;
	s18 =	sor.u32 $0x20, s15  }
0x2e: {  	s14 =	smul.u32 $0x8100, s14;
	v3 =	vld [tilespmem:s18+$0x10]  }
0x2f: {  	s30 =	sand.u32 $0x1, s11;
	v2 =	vld [tilespmem:s18+$0xFFFFFFF0]  }
0x30: {  	s15 =	smul.u32 $0x8100, s30;
	s14 =	sshrl.u32 s14, $0x2;
	v0 =	vld [tilespmem:s18+$0x0]  }
0x31: {  	v1 =	vld [tilespmem:s18+$0xFFFFFFE0];
	s16 =	sor.u32 $0x4000, s14  }
0x32: {  	s31 =	sshrl.u32 s15, $0x2;
	s15 =	sadd.s32 $0x0, s16  }
0x33: {  	s17 =	simm.s32 $0x4;
	s18 =	sadd.s32 $0x40, s18;
	s14 =	sor.u32 $0x4000, s31;
	[tilespmem:s15+$0x1830 ss:$0x81] =	vst.msk $0xffff, v3  }
.LBB1_3:
0x34: {  	v3 =	vld [tilespmem:s18+$0x10];
	p1 =	sne.s32 s17, $0x1FC;
	[tilespmem:s15+$0x810 ss:$0x81] =	vst.msk $0xffff, v2;
	s19 =	smov.u32 s17;
	s17 =	sadd.s32 $0x4, s17  }
.Ltmp3:
0x35: {  	v2 =	vld [tilespmem:s18+$0xFFFFFFF0];
	[tilespmem:s15+$0x1020 ss:$0x81] =	vst.msk $0xffff, v0;
	(pc) =	sbr.rel @p1 .LBB1_3-.Ltmp3, $4  }
0x36: {  	v0 =	vld [tilespmem:s18+$0x0];
	[tilespmem:s15+$0x0 ss:$0x81] =	vst.msk $0xffff, v1  }
0x37: {  	s15 =	sshra.s32 s19, $0x2;
	v1 =	vld [tilespmem:s18+$0xFFFFFFE0]  }
0x38: {  	s15 =	sadd.s32 s15, s16  }
0x39: {  	s18 =	sadd.s32 $0x40, s18;
	[tilespmem:s15+$0x1830 ss:$0x81] =	vst.msk $0xffff, v3  }
.Ltmp4:
0x3a: {  	_ = 	snop;
	(pc) =	sbr.rel .LBB1_4-.Ltmp4, $1  }
0x3b: {  	_ =	sdelay $0x3  }
.LBB1_6:
0x3c: {  	_ =	sfence.sel $0x180000  }
0x3d: {  	s2 =	simm.s32 $0x1;
	[bflag:$0x0] =	sbarrier.arrive $0xFFFF  }
0x3e: {  	s31 =	simm.s32 $0x2;
	[sflag:s2] =	ssyncpa.u1 $0x1  }
0x3f: {  	[sflag:s31] =	ssyncpa.u1 $0x1  }
0x40: {  	p0 =	sne.s32 s0, $0x0;
	_ =	strace $0x9000004A  }
0x41: {  	s0 =	sadd.s32 @!p0 $0x100000, s1;
	[bflag:$0x2] =	sbarrier.arrive $0xFFFF  }
0x42: {  	[sflag:s0] =	ssyncadd.tile.s32 @!p0 $0x1;
	_ =	shalt  }
.Lfunc_end1:
_tile_overlayer_lowered:
.L_overlay_start_2:
0x43: {  	(tag) =	ssettag $0x2  }
0x44: {  	s0 =	rddreg [dreg:$0x0];
	s2 =	stileid.u32  }
0x45: {  	s1 =	rddreg [dreg:$0x1];
	p0 =	sne.s32 s2, $0x0  }
0x46: {  	s3 =	rddreg [dreg:$0x2];
	[bflag:$0x3] =	sbarrier.arrive $0xFFFF;
	s2 =	simm.s32 @!p0 $0x1C01  }
0x47: {  	[timem:s3], [sflag:s2] =	dma.local @!p0 [hbm:s0], s1  }
0x48: {  	s0 =	simm.s32 @!p0 $0x1  }
0x49: {  	_ =	swait.ge @!p0 [sflag:s0], s1  }
0x4a: {  	s1 =	ssub.s32 @!p0 $0x0, s1;
	[sflag:s0] =	ssyncset.done @!p0 $0x0  }
0x4b: {  	[sflag:s0] =	ssyncadd.s32 @!p0 s1  }
0x4c: {  	[bflag:$0x3] =	sbarrier.arrive $0xFFFF  }
0x4d: {  	_ =	shalt  }

</sc_bundles>
